<compile_context>
chip_gen: v7x
topology: tpu7x:2x2x1
jax: 0.10.2.dev20260603
libtpu: 0.0.44.dev20260713+nightly
codegen_flags: <defaults>
</compile_context>

<pallas_src>
import functools

import jax
import jax.numpy as jnp
from jax import lax
from jax.experimental import pallas as pl
from jax.experimental.pallas import tpu as pltpu
from jax.experimental.pallas import tpu_sc as plsc

N = 10000
D = 128
NC = 40
LAMB = 1.5

NSC = 2
NSUB = 16
NW = NSC * NSUB
CHUNK = 128
CH = 80
GROUPS = 2
G_CH = CH // GROUPS
E_PAD = NW * CH * CHUNK
NBUF = 2
N_ACC = 10240
ROWS_PER_TILE = N_ACC // NSUB

BLK = 2000
GRID = N // BLK


def _irelu(x):
    return jnp.maximum(0.0, jnp.minimum(LAMB * x, 1.0 + x / LAMB))


def _mm(a, w):
    return lax.dot_general(a, w, (((1,), (1,)), ((), ())),
                           preferred_element_type=jnp.float32)


def _rowspec(d=D):
    return pl.BlockSpec((BLK, d), lambda i: (i, 0))


def _wspec(shape):
    return pl.BlockSpec(shape, lambda i: (0, 0))


def _pspec(core):
    return pl.BlockSpec((1, BLK, D), lambda i, c=core: (c, i, 0))



def _enc_mlp_body(x_ref, w0, b0, w1, b1, w2, b2, wh, ba, o_ref, hw_ref):
    h = _irelu(_mm(x_ref[...], w0[...]) + b0[...])
    h = _irelu(_mm(h, w1[...]) + b1[...])
    h = _irelu(_mm(h, w2[...]) + b2[...])
    o_ref[...] = h
    hw_ref[...] = _mm(h, wh[...]) + ba[...]


def _enc_mlp(x, w0, b0, w1, b1, w2, b2, wh, ba):
    return pl.pallas_call(
        _enc_mlp_body,
        grid=(GRID,),
        in_specs=[_rowspec(), _wspec((D, D)), _wspec((1, D)),
                  _wspec((D, D)), _wspec((1, D)),
                  _wspec((D, D)), _wspec((1, D)),
                  _wspec((D, D)), _wspec((1, D))],
        out_specs=[_rowspec(), _rowspec()],
        out_shape=[jax.ShapeDtypeStruct((N, D), jnp.float32),
                   jax.ShapeDtypeStruct((N, D), jnp.float32)],
    )(x, w0, b0.reshape(1, D), w1, b1.reshape(1, D), w2, b2.reshape(1, D),
      wh, ba.reshape(1, D))


def _agg_mlp_body(p0, p1, hw_ref, wa, w0, b0, w1, b1, wh, ba, o_ref, hw2_ref):
    t = _irelu(_mm(p0[0] + p1[0], wa[...]) + hw_ref[...])
    t = _irelu(_mm(t, w0[...]) + b0[...])
    t = _irelu(_mm(t, w1[...]) + b1[...])
    o_ref[...] = t
    hw2_ref[...] = _mm(t, wh[...]) + ba[...]


def _agg_mlp(p, hw, wa, w0, b0, w1, b1, wh, ba):
    return pl.pallas_call(
        _agg_mlp_body,
        grid=(GRID,),
        in_specs=[_pspec(0), _pspec(1),
                  _rowspec(),
                  _wspec((D, D)),
                  _wspec((D, D)), _wspec((1, D)),
                  _wspec((D, D)), _wspec((1, D)),
                  _wspec((D, D)), _wspec((1, D))],
        out_specs=[_rowspec(), _rowspec()],
        out_shape=[jax.ShapeDtypeStruct((N, D), jnp.float32),
                   jax.ShapeDtypeStruct((N, D), jnp.float32)],
    )(p, p, hw, wa, w0, b0.reshape(1, D), w1, b1.reshape(1, D),
      wh, ba.reshape(1, D))


def _agg_dec_body(p0, p1, hw_ref, wa, wd, bd, o_ref):
    t = _irelu(_mm(p0[0] + p1[0], wa[...]) + hw_ref[...])
    o_ref[...] = _irelu(_mm(t, wd[...]) + bd[...])


def _agg_dec(p, hw, wa, wd, bd):
    return pl.pallas_call(
        _agg_dec_body,
        grid=(GRID,),
        in_specs=[_pspec(0), _pspec(1),
                  _rowspec(),
                  _wspec((D, D)),
                  _wspec((NC, D)), _wspec((1, NC))],
        out_specs=_rowspec(NC),
        out_shape=jax.ShapeDtypeStruct((N, NC), jnp.float32),
    )(p, p, hw, wa, wd, bd.reshape(1, NC))



def _segment_sum_sc(h, src2d, dst2d):
    mesh = plsc.VectorSubcoreMesh(core_axis_name="c", subcore_axis_name="s")

    @functools.partial(
        pl.kernel,
        mesh=mesh,
        out_type=jax.ShapeDtypeStruct((NSC * N_ACC, D), jnp.float32),
        scratch_types=[
            pltpu.VMEM((G_CH, CHUNK), jnp.int32),
            pltpu.VMEM((G_CH, CHUNK), jnp.int32),
            pltpu.VMEM((NBUF, CHUNK, D), jnp.float32),
            pltpu.VMEM_SHARED((N_ACC, D), jnp.float32),
        ] + [pltpu.SemaphoreType.DMA] * (2 * NBUF),
    )
    def k(h_hbm, src_hbm, dst_hbm, out_hbm, src_v, dst_v, rows_v,
          acc_sh, *sems):
        gsems, ssems = sems[:NBUF], sems[NBUF:]
        c = lax.axis_index("c")
        s = lax.axis_index("s")
        wid = s * NSC + c
        base = wid * CH
        zero = jnp.zeros((16,), jnp.float32)

        def zbody(r, carry):
            for jj in range(D // 16):
                rows_v[0, r, pl.ds(jj * 16, 16)] = zero
            return carry

        lax.fori_loop(0, CHUNK, zbody, 0)
        r0 = s * ROWS_PER_TILE
        for t in range(ROWS_PER_TILE // CHUNK):
            pltpu.sync_copy(rows_v.at[0],
                            acc_sh.at[pl.ds(r0 + t * CHUNK, CHUNK)])
        plsc.subcore_barrier()

        def body(i, carry):
            j = i * NBUF

            @pl.when(i > 0)
            def _():
                for b in range(NBUF):
                    pltpu.make_async_copy(
                        rows_v.at[b], acc_sh.at[dst_v.at[j - NBUF + b]],
                        ssems[b]).wait()

            cps = [pltpu.async_copy(h_hbm.at[src_v.at[j + b]], rows_v.at[b],
                                    gsems[b])
                   for b in range(NBUF)]
            for b in range(NBUF):
                cps[b].wait()
                pltpu.async_copy(rows_v.at[b], acc_sh.at[dst_v.at[j + b]],
                                 ssems[b], add=True)
            return carry

        for g in range(GROUPS):
            pltpu.sync_copy(src_hbm.at[pl.ds(base + g * G_CH, G_CH)], src_v)
            pltpu.sync_copy(dst_hbm.at[pl.ds(base + g * G_CH, G_CH)], dst_v)
            lax.fori_loop(0, G_CH // NBUF, body, 0)
            for b in range(NBUF):
                pltpu.make_async_copy(
                    rows_v.at[b], acc_sh.at[dst_v.at[G_CH - NBUF + b]],
                    ssems[b]).wait()
        plsc.subcore_barrier()
        off = c * N_ACC + r0
        pltpu.sync_copy(acc_sh.at[pl.ds(r0, ROWS_PER_TILE)],
                        out_hbm.at[pl.ds(off, ROWS_PER_TILE)])

    return k(h, src2d, dst2d)



def kernel(x, edge_index, enc_W, enc_b, b0_l0_W, b0_l0_b, b0_l1_W, b0_l1_b,
           b0_agg_W, b0_agg_b, b1_l0_W, b1_l0_b, b1_l1_W, b1_l1_b,
           b1_agg_W, b1_agg_b, dec_W, dec_b):
    src = edge_index[0]
    dst = edge_index[1]
    pad = E_PAD - src.shape[0]
    ar = jnp.arange(pad, dtype=jnp.int32)
    src2d = jnp.concatenate([src, (ar * 97) % N]).reshape(NW * CH, CHUNK)
    dst2d = jnp.concatenate([dst, N + ar % (N_ACC - N)]).reshape(NW * CH, CHUNK)

    wa0, wh0 = b0_agg_W[:, :D], b0_agg_W[:, D:]
    wa1, wh1 = b1_agg_W[:, :D], b1_agg_W[:, D:]

    h, hw = _enc_mlp(x, enc_W, enc_b, b0_l0_W, b0_l0_b, b0_l1_W, b0_l1_b,
                     wh0, b0_agg_b)
    p = _segment_sum_sc(h, src2d, dst2d).reshape(NSC, N_ACC, D)
    h, hw = _agg_mlp(p, hw, wa0, b1_l0_W, b1_l0_b, b1_l1_W, b1_l1_b,
                     wh1, b1_agg_b)
    p = _segment_sum_sc(h, src2d, dst2d).reshape(NSC, N_ACC, D)
    return _agg_dec(p, hw, wa1, dec_W, dec_b)

# --- scband reference (transcript-rebuilt; emitter-appended) ---
"""Pipeline reference for scband-gc2-gnn-17815524344540 (READ-ONLY COPY).

The authoritative reference and input builder live on the scoring server;
editing this copy changes nothing except your own understanding.
"""

import jax, jax.numpy as jnp
import numpy as np

N = 10000
E = 320000
D = 128
NC = 40
LAMB = 0.5


def irelu(x):
    return jnp.maximum(jnp.zeros_like(x), jnp.minimum((1.0 + LAMB) * x, 1.0 + x / (1.0 + LAMB)))


def setup_inputs(seed: int = 0) -> dict:
    key = jax.random.key(seed)
    keys = jax.random.split(key, 32)
    ki = iter(range(32))
    inp = {}
    inp['x'] = jax.random.normal(keys[next(ki)], (N, D), dtype=jnp.float32)
    inp['edge_index'] = jax.random.randint(keys[next(ki)], (2, E), 0, N, dtype=jnp.int32)

    def lin(kw, kb, out_d, in_d):
        s = 1.0 / np.sqrt(in_d)
        W = jax.random.uniform(kw, (out_d, in_d), dtype=jnp.float32, minval=-s, maxval=s)
        b = jax.random.uniform(kb, (out_d,), dtype=jnp.float32, minval=-s, maxval=s)
        return W, b

    inp['enc_W'], inp['enc_b'] = lin(keys[next(ki)], keys[next(ki)], D, D)
    for bidx in range(2):
        for l in range(2):
            inp['b%d_l%d_W' % (bidx, l)], inp['b%d_l%d_b' % (bidx, l)] = lin(keys[next(ki)], keys[next(ki)], D, D)
        inp['b%d_agg_W' % bidx], inp['b%d_agg_b' % bidx] = lin(keys[next(ki)], keys[next(ki)], D, 2 * D)
    inp['dec_W'], inp['dec_b'] = lin(keys[next(ki)], keys[next(ki)], NC, D)
    return inp


def _forward(x, edge_index, enc_W, enc_b, blocks, dec_W, dec_b):
    src = edge_index[0]
    dst = edge_index[1]
    h = irelu(x @ enc_W.T + enc_b)
    for (lWs, lbs, aggW, aggb) in blocks:
        for W, b in zip(lWs, lbs):
            h = irelu(h @ W.T + b)
        # PyG MessagePassing(aggr='add'): message = x_j (source feats), scatter-add at dst
        aggr = jax.ops.segment_sum(h[src], dst, num_segments=N)
        h = irelu(jnp.concatenate([aggr, h], axis=-1) @ aggW.T + aggb)
    return irelu(h @ dec_W.T + dec_b)


def reference(x, edge_index, enc_W, enc_b, b0_l0_W, b0_l0_b, b0_l1_W, b0_l1_b, b0_agg_W, b0_agg_b, b1_l0_W, b1_l0_b, b1_l1_W, b1_l1_b, b1_agg_W, b1_agg_b, dec_W, dec_b):
    blocks = [
        ([b0_l0_W, b0_l1_W], [b0_l0_b, b0_l1_b], b0_agg_W, b0_agg_b),
        ([b1_l0_W, b1_l1_W], [b1_l0_b, b1_l1_b], b1_agg_W, b1_agg_b),
    ]
    return _forward(x, edge_index, enc_W, enc_b, blocks, dec_W, dec_b)

if __name__ == "__main__":
    import jax
    _d = setup_inputs()
    print(jax.jit(kernel)(*tuple(_d.values())))

</pallas_src>

<mosaic_0001>
#map = affine_map<(d0, d1) -> (0, 0)>
module attributes {stable_mosaic.version = 14 : i64} {
  func.func @k(%arg0: i32, %arg1: i32, %arg2: memref<10000x128xf32, #tpu.memory_space<hbm>>, %arg3: memref<2560x128xi32, #tpu.memory_space<hbm>>, %arg4: memref<2560x128xi32, #tpu.memory_space<hbm>>, %arg5: memref<20480x128xf32, #tpu.memory_space<hbm>>, %arg6: memref<40x128xi32, #tpu.memory_space<vmem>>, %arg7: memref<40x128xi32, #tpu.memory_space<vmem>>, %arg8: memref<2x128x128xf32, #tpu.memory_space<vmem>>, %arg9: memref<10240x128xf32, #tpu.memory_space<vmem_shared>>, %arg10: memref<!tpu.dma_semaphore, #tpu.memory_space<semaphore_mem>>, %arg11: memref<!tpu.dma_semaphore, #tpu.memory_space<semaphore_mem>>, %arg12: memref<!tpu.dma_semaphore, #tpu.memory_space<semaphore_mem>>, %arg13: memref<!tpu.dma_semaphore, #tpu.memory_space<semaphore_mem>>) attributes {dimension_semantics = [#tpu.dimension_semantics<core_parallel>, #tpu.dimension_semantics<subcore_parallel>], iteration_bounds = array<i64: 2, 16>, scalar_prefetch = 0 : i64, scratch_operands = 8 : i64, tpu.core_type = #tpu.core_type<sc_vector_subcore>, window_params = [{transform_indices = #map}, {transform_indices = #map}, {transform_indices = #map}, {transform_indices = #map}]} {
    %mul3A = arith.constant 2 : i32
    %mul3A_0 = arith.muli %arg1, %mul3A : i32
    %add3A = arith.addi %mul3A_0, %arg0 : i32
    %mul3A_1 = arith.constant 80 : i32
    %mul3A_2 = arith.muli %add3A, %mul3A_1 : i32
    %broadcast_in_dim3A = arith.constant 0.000000e+00 : f32
    %broadcast_in_dim3A_3 = vector.broadcast %broadcast_in_dim3A : f32 to vector<16xf32>
    %scan3A = arith.constant 0 : i32
    %scan3A_4 = arith.constant 0 : i32
    %scan3A_5 = arith.constant 128 : i32
    %scan3A_6 = arith.addi %scan3A_4, %scan3A_5 : i32
    %scan3A_7 = arith.constant 1 : i32
    scf.for %scan3A_96 = %scan3A_4 to %scan3A_6 step %scan3A_7  : i32 {
      %swap3A = arith.constant 0 : i32
      %swap3A_97 = arith.index_cast %swap3A : i32 to index
      %swap3A_98 = arith.index_cast %scan3A_96 : i32 to index
      %swap3A_99 = arith.constant 0 : index
      %swap3A_100 = tpu.vector_load %arg8[%swap3A_97, %swap3A_98, %swap3A_99] {strides = array<i32>} : memref<2x128x128xf32, #tpu.memory_space<vmem>>, vector<1x1x16xf32>,
      %swap3A_101 = vector.shape_cast %swap3A_100 : vector<1x1x16xf32> to vector<16xf32>
      %swap3A_102 = vector.shape_cast %broadcast_in_dim3A_3 : vector<16xf32> to vector<1x1x16xf32>
      tpu.vector_store %arg8[%swap3A_97, %swap3A_98, %swap3A_99], %swap3A_102 {strides = array<i32>} : memref<2x128x128xf32, #tpu.memory_space<vmem>>, vector<1x1x16xf32>,
      %swap3A_103 = arith.constant 0 : i32
      %swap3A_104 = arith.index_cast %swap3A_103 : i32 to index
      %swap3A_105 = arith.index_cast %scan3A_96 : i32 to index
      %swap3A_106 = arith.constant 16 : index
      %swap3A_107 = tpu.vector_load %arg8[%swap3A_104, %swap3A_105, %swap3A_106] {strides = array<i32>} : memref<2x128x128xf32, #tpu.memory_space<vmem>>, vector<1x1x16xf32>,
      %swap3A_108 = vector.shape_cast %swap3A_107 : vector<1x1x16xf32> to vector<16xf32>
      %swap3A_109 = vector.shape_cast %broadcast_in_dim3A_3 : vector<16xf32> to vector<1x1x16xf32>
      tpu.vector_store %arg8[%swap3A_104, %swap3A_105, %swap3A_106], %swap3A_109 {strides = array<i32>} : memref<2x128x128xf32, #tpu.memory_space<vmem>>, vector<1x1x16xf32>,
      %swap3A_110 = arith.constant 0 : i32
      %swap3A_111 = arith.index_cast %swap3A_110 : i32 to index
      %swap3A_112 = arith.index_cast %scan3A_96 : i32 to index
      %swap3A_113 = arith.constant 32 : index
      %swap3A_114 = tpu.vector_load %arg8[%swap3A_111, %swap3A_112, %swap3A_113] {strides = array<i32>} : memref<2x128x128xf32, #tpu.memory_space<vmem>>, vector<1x1x16xf32>,
      %swap3A_115 = vector.shape_cast %swap3A_114 : vector<1x1x16xf32> to vector<16xf32>
      %swap3A_116 = vector.shape_cast %broadcast_in_dim3A_3 : vector<16xf32> to vector<1x1x16xf32>
      tpu.vector_store %arg8[%swap3A_111, %swap3A_112, %swap3A_113], %swap3A_116 {strides = array<i32>} : memref<2x128x128xf32, #tpu.memory_space<vmem>>, vector<1x1x16xf32>,
      %swap3A_117 = arith.constant 0 : i32
      %swap3A_118 = arith.index_cast %swap3A_117 : i32 to index
      %swap3A_119 = arith.index_cast %scan3A_96 : i32 to index
      %swap3A_120 = arith.constant 48 : index
      %swap3A_121 = tpu.vector_load %arg8[%swap3A_118, %swap3A_119, %swap3A_120] {strides = array<i32>} : memref<2x128x128xf32, #tpu.memory_space<vmem>>, vector<1x1x16xf32>,
      %swap3A_122 = vector.shape_cast %swap3A_121 : vector<1x1x16xf32> to vector<16xf32>
      %swap3A_123 = vector.shape_cast %broadcast_in_dim3A_3 : vector<16xf32> to vector<1x1x16xf32>
      tpu.vector_store %arg8[%swap3A_118, %swap3A_119, %swap3A_120], %swap3A_123 {strides = array<i32>} : memref<2x128x128xf32, #tpu.memory_space<vmem>>, vector<1x1x16xf32>,
      %swap3A_124 = arith.constant 0 : i32
      %swap3A_125 = arith.index_cast %swap3A_124 : i32 to index
      %swap3A_126 = arith.index_cast %scan3A_96 : i32 to index
      %swap3A_127 = arith.constant 64 : index
      %swap3A_128 = tpu.vector_load %arg8[%swap3A_125, %swap3A_126, %swap3A_127] {strides = array<i32>} : memref<2x128x128xf32, #tpu.memory_space<vmem>>, vector<1x1x16xf32>,
      %swap3A_129 = vector.shape_cast %swap3A_128 : vector<1x1x16xf32> to vector<16xf32>
      %swap3A_130 = vector.shape_cast %broadcast_in_dim3A_3 : vector<16xf32> to vector<1x1x16xf32>
      tpu.vector_store %arg8[%swap3A_125, %swap3A_126, %swap3A_127], %swap3A_130 {strides = array<i32>} : memref<2x128x128xf32, #tpu.memory_space<vmem>>, vector<1x1x16xf32>,
      %swap3A_131 = arith.constant 0 : i32
      %swap3A_132 = arith.index_cast %swap3A_131 : i32 to index
      %swap3A_133 = arith.index_cast %scan3A_96 : i32 to index
      %swap3A_134 = arith.constant 80 : index
      %swap3A_135 = tpu.vector_load %arg8[%swap3A_132, %swap3A_133, %swap3A_134] {strides = array<i32>} : memref<2x128x128xf32, #tpu.memory_space<vmem>>, vector<1x1x16xf32>,
      %swap3A_136 = vector.shape_cast %swap3A_135 : vector<1x1x16xf32> to vector<16xf32>
      %swap3A_137 = vector.shape_cast %broadcast_in_dim3A_3 : vector<16xf32> to vector<1x1x16xf32>
      tpu.vector_store %arg8[%swap3A_132, %swap3A_133, %swap3A_134], %swap3A_137 {strides = array<i32>} : memref<2x128x128xf32, #tpu.memory_space<vmem>>, vector<1x1x16xf32>,
      %swap3A_138 = arith.constant 0 : i32
      %swap3A_139 = arith.index_cast %swap3A_138 : i32 to index
      %swap3A_140 = arith.index_cast %scan3A_96 : i32 to index
      %swap3A_141 = arith.constant 96 : index
      %swap3A_142 = tpu.vector_load %arg8[%swap3A_139, %swap3A_140, %swap3A_141] {strides = array<i32>} : memref<2x128x128xf32, #tpu.memory_space<vmem>>, vector<1x1x16xf32>,
      %swap3A_143 = vector.shape_cast %swap3A_142 : vector<1x1x16xf32> to vector<16xf32>
      %swap3A_144 = vector.shape_cast %broadcast_in_dim3A_3 : vector<16xf32> to vector<1x1x16xf32>
      tpu.vector_store %arg8[%swap3A_139, %swap3A_140, %swap3A_141], %swap3A_144 {strides = array<i32>} : memref<2x128x128xf32, #tpu.memory_space<vmem>>, vector<1x1x16xf32>,
      %swap3A_145 = arith.constant 0 : i32
      %swap3A_146 = arith.index_cast %swap3A_145 : i32 to index
      %swap3A_147 = arith.index_cast %scan3A_96 : i32 to index
      %swap3A_148 = arith.constant 112 : index
      %swap3A_149 = tpu.vector_load %arg8[%swap3A_146, %swap3A_147, %swap3A_148] {strides = array<i32>} : memref<2x128x128xf32, #tpu.memory_space<vmem>>, vector<1x1x16xf32>,
      %swap3A_150 = vector.shape_cast %swap3A_149 : vector<1x1x16xf32> to vector<16xf32>
      %swap3A_151 = vector.shape_cast %broadcast_in_dim3A_3 : vector<16xf32> to vector<1x1x16xf32>
      tpu.vector_store %arg8[%swap3A_146, %swap3A_147, %swap3A_148], %swap3A_151 {strides = array<i32>} : memref<2x128x128xf32, #tpu.memory_space<vmem>>, vector<1x1x16xf32>,
    }
    %scan3A_8 = arith.constant 128 : i32
    %mul3A_9 = arith.constant 640 : i32
    %mul3A_10 = arith.muli %arg1, %mul3A_9 : i32
    %add3A_11 = arith.constant 0 : i32
    %add3A_12 = arith.addi %mul3A_10, %add3A_11 : i32
    %run_scoped3A = arith.constant 0 : i32
    "tpu.region"() ({
      %run_scoped3A_96 = tpu.sem_alloc : memref<!tpu.dma_semaphore, #tpu.memory_space<semaphore_mem>>
      %dma_start3A = arith.constant 0 : i32
      %dma_start3A_97 = arith.constant 0 : i32
      %dma_start3A_98 = tpu.memref_slice %arg8[%run_scoped3A, %dma_start3A, %dma_start3A_97] : memref<2x128x128xf32, #tpu.memory_space<vmem>> -> memref<1x128x128xf32, #tpu.memory_space<vmem>>
      %dma_start3A_99 = tpu.memref_squeeze %dma_start3A_98 : memref<1x128x128xf32, #tpu.memory_space<vmem>> -> memref<128x128xf32, #tpu.memory_space<vmem>>
      %dma_start3A_100 = arith.constant 0 : i32
      %dma_start3A_101 = tpu.memref_slice %arg9[%add3A_12, %dma_start3A_100] : memref<10240x128xf32, #tpu.memory_space<vmem_shared>> -> memref<128x128xf32, #tpu.memory_space<vmem_shared>>
      %dma_start3A_102 = arith.constant 0 : i32
      %dma_start3A_103 = tpu.memref_slice %arg9[%add3A_12, %dma_start3A_102] : memref<10240x128xf32, #tpu.memory_space<vmem_shared>> -> memref<128x128xf32, #tpu.memory_space<vmem_shared>>
      %dma_start3A_104 = arith.constant 0 : i32
      %dma_start3A_105 = arith.constant 0 : i32
      %dma_start3A_106 = tpu.memref_slice %arg8[%run_scoped3A, %dma_start3A_104, %dma_start3A_105] : memref<2x128x128xf32, #tpu.memory_space<vmem>> -> memref<1x128x128xf32, #tpu.memory_space<vmem>>
      %dma_start3A_107 = tpu.memref_squeeze %dma_start3A_106 : memref<1x128x128xf32, #tpu.memory_space<vmem>> -> memref<128x128xf32, #tpu.memory_space<vmem>>
      tpu.enqueue_dma source(%dma_start3A_107 : memref<128x128xf32, #tpu.memory_space<vmem>>) target(%dma_start3A_103 : memref<128x128xf32, #tpu.memory_space<vmem_shared>>) target_semaphore(%run_scoped3A_96 : memref<!tpu.dma_semaphore, #tpu.memory_space<semaphore_mem>>)
      %dma_wait3A_108 = arith.constant 0 : i32
      %dma_wait3A_109 = arith.constant 0 : i32
      %dma_wait3A_110 = tpu.memref_slice %arg8[%run_scoped3A, %dma_wait3A_108, %dma_wait3A_109] : memref<2x128x128xf32, #tpu.memory_space<vmem>> -> memref<1x128x128xf32, #tpu.memory_space<vmem>>
      %dma_wait3A_111 = tpu.memref_squeeze %dma_wait3A_110 : memref<1x128x128xf32, #tpu.memory_space<vmem>> -> memref<128x128xf32, #tpu.memory_space<vmem>>
      %dma_wait3A_112 = arith.constant 0 : i32
      %dma_wait3A_113 = tpu.memref_slice %arg9[%add3A_12, %dma_wait3A_112] : memref<10240x128xf32, #tpu.memory_space<vmem_shared>> -> memref<128x128xf32, #tpu.memory_space<vmem_shared>>
      %dma_wait3A_114 = arith.constant 0 : i32
      %dma_wait3A_115 = tpu.memref_slice %arg9[%add3A_12, %dma_wait3A_114] : memref<10240x128xf32, #tpu.memory_space<vmem_shared>> -> memref<128x128xf32, #tpu.memory_space<vmem_shared>>
      %dma_wait3A_116 = arith.constant 0 : i32
      %dma_wait3A_117 = arith.constant 0 : i32
      %dma_wait3A_118 = tpu.memref_slice %arg8[%run_scoped3A, %dma_wait3A_116, %dma_wait3A_117] : memref<2x128x128xf32, #tpu.memory_space<vmem>> -> memref<1x128x128xf32, #tpu.memory_space<vmem>>
      %dma_wait3A_119 = tpu.memref_squeeze %dma_wait3A_118 : memref<1x128x128xf32, #tpu.memory_space<vmem>> -> memref<128x128xf32, #tpu.memory_space<vmem>>
      tpu.wait_dma2 semaphore(%run_scoped3A_96 : memref<!tpu.dma_semaphore, #tpu.memory_space<semaphore_mem>>) src(%dma_wait3A_119 : memref<128x128xf32, #tpu.memory_space<vmem>>) dst(%dma_wait3A_115 : memref<128x128xf32, #tpu.memory_space<vmem_shared>>)
      tpu.yield
    }) : () -> ()
    %add3A_13 = arith.constant 128 : i32
    %add3A_14 = arith.addi %mul3A_10, %add3A_13 : i32
    %run_scoped3A_15 = arith.constant 0 : i32
    "tpu.region"() ({
      %run_scoped3A_96 = tpu.sem_alloc : memref<!tpu.dma_semaphore, #tpu.memory_space<semaphore_mem>>
      %dma_start3A = arith.constant 0 : i32
      %dma_start3A_97 = arith.constant 0 : i32
      %dma_start3A_98 = tpu.memref_slice %arg8[%run_scoped3A_15, %dma_start3A, %dma_start3A_97] : memref<2x128x128xf32, #tpu.memory_space<vmem>> -> memref<1x128x128xf32, #tpu.memory_space<vmem>>
      %dma_start3A_99 = tpu.memref_squeeze %dma_start3A_98 : memref<1x128x128xf32, #tpu.memory_space<vmem>> -> memref<128x128xf32, #tpu.memory_space<vmem>>
      %dma_start3A_100 = arith.constant 0 : i32
      %dma_start3A_101 = tpu.memref_slice %arg9[%add3A_14, %dma_start3A_100] : memref<10240x128xf32, #tpu.memory_space<vmem_shared>> -> memref<128x128xf32, #tpu.memory_space<vmem_shared>>
      %dma_start3A_102 = arith.constant 0 : i32
      %dma_start3A_103 = tpu.memref_slice %arg9[%add3A_14, %dma_start3A_102] : memref<10240x128xf32, #tpu.memory_space<vmem_shared>> -> memref<128x128xf32, #tpu.memory_space<vmem_shared>>
      %dma_start3A_104 = arith.constant 0 : i32
      %dma_start3A_105 = arith.constant 0 : i32
      %dma_start3A_106 = tpu.memref_slice %arg8[%run_scoped3A_15, %dma_start3A_104, %dma_start3A_105] : memref<2x128x128xf32, #tpu.memory_space<vmem>> -> memref<1x128x128xf32, #tpu.memory_space<vmem>>
      %dma_start3A_107 = tpu.memref_squeeze %dma_start3A_106 : memref<1x128x128xf32, #tpu.memory_space<vmem>> -> memref<128x128xf32, #tpu.memory_space<vmem>>
      tpu.enqueue_dma source(%dma_start3A_107 : memref<128x128xf32, #tpu.memory_space<vmem>>) target(%dma_start3A_103 : memref<128x128xf32, #tpu.memory_space<vmem_shared>>) target_semaphore(%run_scoped3A_96 : memref<!tpu.dma_semaphore, #tpu.memory_space<semaphore_mem>>)
      %dma_wait3A_108 = arith.constant 0 : i32
      %dma_wait3A_109 = arith.constant 0 : i32
      %dma_wait3A_110 = tpu.memref_slice %arg8[%run_scoped3A_15, %dma_wait3A_108, %dma_wait3A_109] : memref<2x128x128xf32, #tpu.memory_space<vmem>> -> memref<1x128x128xf32, #tpu.memory_space<vmem>>
      %dma_wait3A_111 = tpu.memref_squeeze %dma_wait3A_110 : memref<1x128x128xf32, #tpu.memory_space<vmem>> -> memref<128x128xf32, #tpu.memory_space<vmem>>
      %dma_wait3A_112 = arith.constant 0 : i32
      %dma_wait3A_113 = tpu.memref_slice %arg9[%add3A_14, %dma_wait3A_112] : memref<10240x128xf32, #tpu.memory_space<vmem_shared>> -> memref<128x128xf32, #tpu.memory_space<vmem_shared>>
      %dma_wait3A_114 = arith.constant 0 : i32
      %dma_wait3A_115 = tpu.memref_slice %arg9[%add3A_14, %dma_wait3A_114] : memref<10240x128xf32, #tpu.memory_space<vmem_shared>> -> memref<128x128xf32, #tpu.memory_space<vmem_shared>>
      %dma_wait3A_116 = arith.constant 0 : i32
      %dma_wait3A_117 = arith.constant 0 : i32
      %dma_wait3A_118 = tpu.memref_slice %arg8[%run_scoped3A_15, %dma_wait3A_116, %dma_wait3A_117] : memref<2x128x128xf32, #tpu.memory_space<vmem>> -> memref<1x128x128xf32, #tpu.memory_space<vmem>>
      %dma_wait3A_119 = tpu.memref_squeeze %dma_wait3A_118 : memref<1x128x128xf32, #tpu.memory_space<vmem>> -> memref<128x128xf32, #tpu.memory_space<vmem>>
      tpu.wait_dma2 semaphore(%run_scoped3A_96 : memref<!tpu.dma_semaphore, #tpu.memory_space<semaphore_mem>>) src(%dma_wait3A_119 : memref<128x128xf32, #tpu.memory_space<vmem>>) dst(%dma_wait3A_115 : memref<128x128xf32, #tpu.memory_space<vmem_shared>>)
      tpu.yield
    }) : () -> ()
    %add3A_16 = arith.constant 256 : i32
    %add3A_17 = arith.addi %mul3A_10, %add3A_16 : i32
    %run_scoped3A_18 = arith.constant 0 : i32
    "tpu.region"() ({
      %run_scoped3A_96 = tpu.sem_alloc : memref<!tpu.dma_semaphore, #tpu.memory_space<semaphore_mem>>
      %dma_start3A = arith.constant 0 : i32
      %dma_start3A_97 = arith.constant 0 : i32
      %dma_start3A_98 = tpu.memref_slice %arg8[%run_scoped3A_18, %dma_start3A, %dma_start3A_97] : memref<2x128x128xf32, #tpu.memory_space<vmem>> -> memref<1x128x128xf32, #tpu.memory_space<vmem>>
      %dma_start3A_99 = tpu.memref_squeeze %dma_start3A_98 : memref<1x128x128xf32, #tpu.memory_space<vmem>> -> memref<128x128xf32, #tpu.memory_space<vmem>>
      %dma_start3A_100 = arith.constant 0 : i32
      %dma_start3A_101 = tpu.memref_slice %arg9[%add3A_17, %dma_start3A_100] : memref<10240x128xf32, #tpu.memory_space<vmem_shared>> -> memref<128x128xf32, #tpu.memory_space<vmem_shared>>
      %dma_start3A_102 = arith.constant 0 : i32
      %dma_start3A_103 = tpu.memref_slice %arg9[%add3A_17, %dma_start3A_102] : memref<10240x128xf32, #tpu.memory_space<vmem_shared>> -> memref<128x128xf32, #tpu.memory_space<vmem_shared>>
      %dma_start3A_104 = arith.constant 0 : i32
      %dma_start3A_105 = arith.constant 0 : i32
      %dma_start3A_106 = tpu.memref_slice %arg8[%run_scoped3A_18, %dma_start3A_104, %dma_start3A_105] : memref<2x128x128xf32, #tpu.memory_space<vmem>> -> memref<1x128x128xf32, #tpu.memory_space<vmem>>
      %dma_start3A_107 = tpu.memref_squeeze %dma_start3A_106 : memref<1x128x128xf32, #tpu.memory_space<vmem>> -> memref<128x128xf32, #tpu.memory_space<vmem>>
      tpu.enqueue_dma source(%dma_start3A_107 : memref<128x128xf32, #tpu.memory_space<vmem>>) target(%dma_start3A_103 : memref<128x128xf32, #tpu.memory_space<vmem_shared>>) target_semaphore(%run_scoped3A_96 : memref<!tpu.dma_semaphore, #tpu.memory_space<semaphore_mem>>)
      %dma_wait3A_108 = arith.constant 0 : i32
      %dma_wait3A_109 = arith.constant 0 : i32
      %dma_wait3A_110 = tpu.memref_slice %arg8[%run_scoped3A_18, %dma_wait3A_108, %dma_wait3A_109] : memref<2x128x128xf32, #tpu.memory_space<vmem>> -> memref<1x128x128xf32, #tpu.memory_space<vmem>>
      %dma_wait3A_111 = tpu.memref_squeeze %dma_wait3A_110 : memref<1x128x128xf32, #tpu.memory_space<vmem>> -> memref<128x128xf32, #tpu.memory_space<vmem>>
      %dma_wait3A_112 = arith.constant 0 : i32
      %dma_wait3A_113 = tpu.memref_slice %arg9[%add3A_17, %dma_wait3A_112] : memref<10240x128xf32, #tpu.memory_space<vmem_shared>> -> memref<128x128xf32, #tpu.memory_space<vmem_shared>>
      %dma_wait3A_114 = arith.constant 0 : i32
      %dma_wait3A_115 = tpu.memref_slice %arg9[%add3A_17, %dma_wait3A_114] : memref<10240x128xf32, #tpu.memory_space<vmem_shared>> -> memref<128x128xf32, #tpu.memory_space<vmem_shared>>
      %dma_wait3A_116 = arith.constant 0 : i32
      %dma_wait3A_117 = arith.constant 0 : i32
      %dma_wait3A_118 = tpu.memref_slice %arg8[%run_scoped3A_18, %dma_wait3A_116, %dma_wait3A_117] : memref<2x128x128xf32, #tpu.memory_space<vmem>> -> memref<1x128x128xf32, #tpu.memory_space<vmem>>
      %dma_wait3A_119 = tpu.memref_squeeze %dma_wait3A_118 : memref<1x128x128xf32, #tpu.memory_space<vmem>> -> memref<128x128xf32, #tpu.memory_space<vmem>>
      tpu.wait_dma2 semaphore(%run_scoped3A_96 : memref<!tpu.dma_semaphore, #tpu.memory_space<semaphore_mem>>) src(%dma_wait3A_119 : memref<128x128xf32, #tpu.memory_space<vmem>>) dst(%dma_wait3A_115 : memref<128x128xf32, #tpu.memory_space<vmem_shared>>)
      tpu.yield
    }) : () -> ()
    %add3A_19 = arith.constant 384 : i32
    %add3A_20 = arith.addi %mul3A_10, %add3A_19 : i32
    %run_scoped3A_21 = arith.constant 0 : i32
    "tpu.region"() ({
      %run_scoped3A_96 = tpu.sem_alloc : memref<!tpu.dma_semaphore, #tpu.memory_space<semaphore_mem>>
      %dma_start3A = arith.constant 0 : i32
      %dma_start3A_97 = arith.constant 0 : i32
      %dma_start3A_98 = tpu.memref_slice %arg8[%run_scoped3A_21, %dma_start3A, %dma_start3A_97] : memref<2x128x128xf32, #tpu.memory_space<vmem>> -> memref<1x128x128xf32, #tpu.memory_space<vmem>>
      %dma_start3A_99 = tpu.memref_squeeze %dma_start3A_98 : memref<1x128x128xf32, #tpu.memory_space<vmem>> -> memref<128x128xf32, #tpu.memory_space<vmem>>
      %dma_start3A_100 = arith.constant 0 : i32
      %dma_start3A_101 = tpu.memref_slice %arg9[%add3A_20, %dma_start3A_100] : memref<10240x128xf32, #tpu.memory_space<vmem_shared>> -> memref<128x128xf32, #tpu.memory_space<vmem_shared>>
      %dma_start3A_102 = arith.constant 0 : i32
      %dma_start3A_103 = tpu.memref_slice %arg9[%add3A_20, %dma_start3A_102] : memref<10240x128xf32, #tpu.memory_space<vmem_shared>> -> memref<128x128xf32, #tpu.memory_space<vmem_shared>>
      %dma_start3A_104 = arith.constant 0 : i32
      %dma_start3A_105 = arith.constant 0 : i32
      %dma_start3A_106 = tpu.memref_slice %arg8[%run_scoped3A_21, %dma_start3A_104, %dma_start3A_105] : memref<2x128x128xf32, #tpu.memory_space<vmem>> -> memref<1x128x128xf32, #tpu.memory_space<vmem>>
      %dma_start3A_107 = tpu.memref_squeeze %dma_start3A_106 : memref<1x128x128xf32, #tpu.memory_space<vmem>> -> memref<128x128xf32, #tpu.memory_space<vmem>>
      tpu.enqueue_dma source(%dma_start3A_107 : memref<128x128xf32, #tpu.memory_space<vmem>>) target(%dma_start3A_103 : memref<128x128xf32, #tpu.memory_space<vmem_shared>>) target_semaphore(%run_scoped3A_96 : memref<!tpu.dma_semaphore, #tpu.memory_space<semaphore_mem>>)
      %dma_wait3A_108 = arith.constant 0 : i32
      %dma_wait3A_109 = arith.constant 0 : i32
      %dma_wait3A_110 = tpu.memref_slice %arg8[%run_scoped3A_21, %dma_wait3A_108, %dma_wait3A_109] : memref<2x128x128xf32, #tpu.memory_space<vmem>> -> memref<1x128x128xf32, #tpu.memory_space<vmem>>
      %dma_wait3A_111 = tpu.memref_squeeze %dma_wait3A_110 : memref<1x128x128xf32, #tpu.memory_space<vmem>> -> memref<128x128xf32, #tpu.memory_space<vmem>>
      %dma_wait3A_112 = arith.constant 0 : i32
      %dma_wait3A_113 = tpu.memref_slice %arg9[%add3A_20, %dma_wait3A_112] : memref<10240x128xf32, #tpu.memory_space<vmem_shared>> -> memref<128x128xf32, #tpu.memory_space<vmem_shared>>
      %dma_wait3A_114 = arith.constant 0 : i32
      %dma_wait3A_115 = tpu.memref_slice %arg9[%add3A_20, %dma_wait3A_114] : memref<10240x128xf32, #tpu.memory_space<vmem_shared>> -> memref<128x128xf32, #tpu.memory_space<vmem_shared>>
      %dma_wait3A_116 = arith.constant 0 : i32
      %dma_wait3A_117 = arith.constant 0 : i32
      %dma_wait3A_118 = tpu.memref_slice %arg8[%run_scoped3A_21, %dma_wait3A_116, %dma_wait3A_117] : memref<2x128x128xf32, #tpu.memory_space<vmem>> -> memref<1x128x128xf32, #tpu.memory_space<vmem>>
      %dma_wait3A_119 = tpu.memref_squeeze %dma_wait3A_118 : memref<1x128x128xf32, #tpu.memory_space<vmem>> -> memref<128x128xf32, #tpu.memory_space<vmem>>
      tpu.wait_dma2 semaphore(%run_scoped3A_96 : memref<!tpu.dma_semaphore, #tpu.memory_space<semaphore_mem>>) src(%dma_wait3A_119 : memref<128x128xf32, #tpu.memory_space<vmem>>) dst(%dma_wait3A_115 : memref<128x128xf32, #tpu.memory_space<vmem_shared>>)
      tpu.yield
    }) : () -> ()
    %add3A_22 = arith.constant 512 : i32
    %add3A_23 = arith.addi %mul3A_10, %add3A_22 : i32
    %run_scoped3A_24 = arith.constant 0 : i32
    "tpu.region"() ({
      %run_scoped3A_96 = tpu.sem_alloc : memref<!tpu.dma_semaphore, #tpu.memory_space<semaphore_mem>>
      %dma_start3A = arith.constant 0 : i32
      %dma_start3A_97 = arith.constant 0 : i32
      %dma_start3A_98 = tpu.memref_slice %arg8[%run_scoped3A_24, %dma_start3A, %dma_start3A_97] : memref<2x128x128xf32, #tpu.memory_space<vmem>> -> memref<1x128x128xf32, #tpu.memory_space<vmem>>
      %dma_start3A_99 = tpu.memref_squeeze %dma_start3A_98 : memref<1x128x128xf32, #tpu.memory_space<vmem>> -> memref<128x128xf32, #tpu.memory_space<vmem>>
      %dma_start3A_100 = arith.constant 0 : i32
      %dma_start3A_101 = tpu.memref_slice %arg9[%add3A_23, %dma_start3A_100] : memref<10240x128xf32, #tpu.memory_space<vmem_shared>> -> memref<128x128xf32, #tpu.memory_space<vmem_shared>>
      %dma_start3A_102 = arith.constant 0 : i32
      %dma_start3A_103 = tpu.memref_slice %arg9[%add3A_23, %dma_start3A_102] : memref<10240x128xf32, #tpu.memory_space<vmem_shared>> -> memref<128x128xf32, #tpu.memory_space<vmem_shared>>
      %dma_start3A_104 = arith.constant 0 : i32
      %dma_start3A_105 = arith.constant 0 : i32
      %dma_start3A_106 = tpu.memref_slice %arg8[%run_scoped3A_24, %dma_start3A_104, %dma_start3A_105] : memref<2x128x128xf32, #tpu.memory_space<vmem>> -> memref<1x128x128xf32, #tpu.memory_space<vmem>>
      %dma_start3A_107 = tpu.memref_squeeze %dma_start3A_106 : memref<1x128x128xf32, #tpu.memory_space<vmem>> -> memref<128x128xf32, #tpu.memory_space<vmem>>
      tpu.enqueue_dma source(%dma_start3A_107 : memref<128x128xf32, #tpu.memory_space<vmem>>) target(%dma_start3A_103 : memref<128x128xf32, #tpu.memory_space<vmem_shared>>) target_semaphore(%run_scoped3A_96 : memref<!tpu.dma_semaphore, #tpu.memory_space<semaphore_mem>>)
      %dma_wait3A_108 = arith.constant 0 : i32
      %dma_wait3A_109 = arith.constant 0 : i32
      %dma_wait3A_110 = tpu.memref_slice %arg8[%run_scoped3A_24, %dma_wait3A_108, %dma_wait3A_109] : memref<2x128x128xf32, #tpu.memory_space<vmem>> -> memref<1x128x128xf32, #tpu.memory_space<vmem>>
      %dma_wait3A_111 = tpu.memref_squeeze %dma_wait3A_110 : memref<1x128x128xf32, #tpu.memory_space<vmem>> -> memref<128x128xf32, #tpu.memory_space<vmem>>
      %dma_wait3A_112 = arith.constant 0 : i32
      %dma_wait3A_113 = tpu.memref_slice %arg9[%add3A_23, %dma_wait3A_112] : memref<10240x128xf32, #tpu.memory_space<vmem_shared>> -> memref<128x128xf32, #tpu.memory_space<vmem_shared>>
      %dma_wait3A_114 = arith.constant 0 : i32
      %dma_wait3A_115 = tpu.memref_slice %arg9[%add3A_23, %dma_wait3A_114] : memref<10240x128xf32, #tpu.memory_space<vmem_shared>> -> memref<128x128xf32, #tpu.memory_space<vmem_shared>>
      %dma_wait3A_116 = arith.constant 0 : i32
      %dma_wait3A_117 = arith.constant 0 : i32
      %dma_wait3A_118 = tpu.memref_slice %arg8[%run_scoped3A_24, %dma_wait3A_116, %dma_wait3A_117] : memref<2x128x128xf32, #tpu.memory_space<vmem>> -> memref<1x128x128xf32, #tpu.memory_space<vmem>>
      %dma_wait3A_119 = tpu.memref_squeeze %dma_wait3A_118 : memref<1x128x128xf32, #tpu.memory_space<vmem>> -> memref<128x128xf32, #tpu.memory_space<vmem>>
      tpu.wait_dma2 semaphore(%run_scoped3A_96 : memref<!tpu.dma_semaphore, #tpu.memory_space<semaphore_mem>>) src(%dma_wait3A_119 : memref<128x128xf32, #tpu.memory_space<vmem>>) dst(%dma_wait3A_115 : memref<128x128xf32, #tpu.memory_space<vmem_shared>>)
      tpu.yield
    }) : () -> ()
    %barrier3A = arith.constant 0 : index
    tpu.barrier barrier_id(%barrier3A)
    %add3A_25 = arith.constant 0 : i32
    %add3A_26 = arith.addi %mul3A_2, %add3A_25 : i32
    "tpu.region"() ({
      %run_scoped3A_96 = tpu.sem_alloc : memref<!tpu.dma_semaphore, #tpu.memory_space<semaphore_mem>>
      %dma_start3A = arith.constant 0 : i32
      %dma_start3A_97 = tpu.memref_slice %arg3[%add3A_26, %dma_start3A] : memref<2560x128xi32, #tpu.memory_space<hbm>> -> memref<40x128xi32, #tpu.memory_space<hbm>>
      %dma_start3A_98 = arith.constant 0 : i32
      %dma_start3A_99 = tpu.memref_slice %arg3[%add3A_26, %dma_start3A_98] : memref<2560x128xi32, #tpu.memory_space<hbm>> -> memref<40x128xi32, #tpu.memory_space<hbm>>
      tpu.enqueue_dma source(%dma_start3A_99 : memref<40x128xi32, #tpu.memory_space<hbm>>) target(%arg6 : memref<40x128xi32, #tpu.memory_space<vmem>>) target_semaphore(%run_scoped3A_96 : memref<!tpu.dma_semaphore, #tpu.memory_space<semaphore_mem>>)
      %dma_wait3A_100 = arith.constant 0 : i32
      %dma_wait3A_101 = tpu.memref_slice %arg3[%add3A_26, %dma_wait3A_100] : memref<2560x128xi32, #tpu.memory_space<hbm>> -> memref<40x128xi32, #tpu.memory_space<hbm>>
      %dma_wait3A_102 = arith.constant 0 : i32
      %dma_wait3A_103 = tpu.memref_slice %arg3[%add3A_26, %dma_wait3A_102] : memref<2560x128xi32, #tpu.memory_space<hbm>> -> memref<40x128xi32, #tpu.memory_space<hbm>>
      tpu.wait_dma2 semaphore(%run_scoped3A_96 : memref<!tpu.dma_semaphore, #tpu.memory_space<semaphore_mem>>) src(%dma_wait3A_103 : memref<40x128xi32, #tpu.memory_space<hbm>>) dst(%arg6 : memref<40x128xi32, #tpu.memory_space<vmem>>)
      tpu.yield
    }) : () -> ()
    %add3A_27 = arith.constant 0 : i32
    %add3A_28 = arith.addi %mul3A_2, %add3A_27 : i32
    "tpu.region"() ({
      %run_scoped3A_96 = tpu.sem_alloc : memref<!tpu.dma_semaphore, #tpu.memory_space<semaphore_mem>>
      %dma_start3A = arith.constant 0 : i32
      %dma_start3A_97 = tpu.memref_slice %arg4[%add3A_28, %dma_start3A] : memref<2560x128xi32, #tpu.memory_space<hbm>> -> memref<40x128xi32, #tpu.memory_space<hbm>>
      %dma_start3A_98 = arith.constant 0 : i32
      %dma_start3A_99 = tpu.memref_slice %arg4[%add3A_28, %dma_start3A_98] : memref<2560x128xi32, #tpu.memory_space<hbm>> -> memref<40x128xi32, #tpu.memory_space<hbm>>
      tpu.enqueue_dma source(%dma_start3A_99 : memref<40x128xi32, #tpu.memory_space<hbm>>) target(%arg7 : memref<40x128xi32, #tpu.memory_space<vmem>>) target_semaphore(%run_scoped3A_96 : memref<!tpu.dma_semaphore, #tpu.memory_space<semaphore_mem>>)
      %dma_wait3A_100 = arith.constant 0 : i32
      %dma_wait3A_101 = tpu.memref_slice %arg4[%add3A_28, %dma_wait3A_100] : memref<2560x128xi32, #tpu.memory_space<hbm>> -> memref<40x128xi32, #tpu.memory_space<hbm>>
      %dma_wait3A_102 = arith.constant 0 : i32
      %dma_wait3A_103 = tpu.memref_slice %arg4[%add3A_28, %dma_wait3A_102] : memref<2560x128xi32, #tpu.memory_space<hbm>> -> memref<40x128xi32, #tpu.memory_space<hbm>>
      tpu.wait_dma2 semaphore(%run_scoped3A_96 : memref<!tpu.dma_semaphore, #tpu.memory_space<semaphore_mem>>) src(%dma_wait3A_103 : memref<40x128xi32, #tpu.memory_space<hbm>>) dst(%arg7 : memref<40x128xi32, #tpu.memory_space<vmem>>)
      tpu.yield
    }) : () -> ()
    %scan3A_29 = arith.constant 0 : i32
    %scan3A_30 = arith.constant 0 : i32
    %scan3A_31 = arith.constant 20 : i32
    %scan3A_32 = arith.addi %scan3A_30, %scan3A_31 : i32
    %scan3A_33 = arith.constant 1 : i32
    scf.for %scan3A_96 = %scan3A_30 to %scan3A_32 step %scan3A_33  : i32 {
      %mul3A_97 = arith.constant 2 : i32
      %mul3A_98 = arith.muli %scan3A_96, %mul3A_97 : i32
      %gt3A = arith.constant 0 : i32
      %gt3A_99 = arith.cmpi sgt, %scan3A_96, %gt3A : i32
      %convert_element_type3A = arith.extui %gt3A_99 : i1 to i32
      %cond3A = arith.constant 0 : i32
      %cond3A_100 = arith.cmpi ne, %convert_element_type3A, %cond3A : i32
      scf.if %cond3A_100 {
        %sub3A = arith.constant 2 : i32
        %sub3A_174 = arith.subi %mul3A_98, %sub3A : i32
        %add3A_175 = arith.constant 0 : i32
        %add3A_176 = arith.addi %sub3A_174, %add3A_175 : i32
        %dma_wait3A_177 = arith.constant 0 : i32
        %dma_wait3A_178 = arith.constant 0 : i32
        %dma_wait3A_179 = arith.constant 0 : i32
        %dma_wait3A_180 = tpu.memref_slice %arg8[%dma_wait3A_177, %dma_wait3A_178, %dma_wait3A_179] : memref<2x128x128xf32, #tpu.memory_space<vmem>> -> memref<1x128x128xf32, #tpu.memory_space<vmem>>
        %dma_wait3A_181 = tpu.memref_squeeze %dma_wait3A_180 : memref<1x128x128xf32, #tpu.memory_space<vmem>> -> memref<128x128xf32, #tpu.memory_space<vmem>>
        %dma_wait3A_182 = arith.constant 0 : i32
        %dma_wait3A_183 = tpu.memref_slice %arg7[%add3A_176, %dma_wait3A_182] : memref<40x128xi32, #tpu.memory_space<vmem>> -> memref<1x128xi32, #tpu.memory_space<vmem>>
        %dma_wait3A_184 = tpu.memref_squeeze %dma_wait3A_183 : memref<1x128xi32, #tpu.memory_space<vmem>> -> memref<128xi32, #tpu.memory_space<vmem>>
        %dma_wait3A_185 = arith.constant 0 : i32
        %dma_wait3A_186 = arith.constant 0 : i32
        %dma_wait3A_187 = tpu.memref_slice %arg9[%dma_wait3A_185, %dma_wait3A_186] : memref<10240x128xf32, #tpu.memory_space<vmem_shared>> -> memref<10240x128xf32, #tpu.memory_space<vmem_shared>>
        tpu.wait_indirect_dma semaphore(%arg12 : memref<!tpu.dma_semaphore, #tpu.memory_space<semaphore_mem>>) src(%dma_wait3A_181 : memref<128x128xf32, #tpu.memory_space<vmem>>) dst(%dma_wait3A_187 : memref<10240x128xf32, #tpu.memory_space<vmem_shared>>)
        %sub3A_188 = arith.constant 2 : i32
        %sub3A_189 = arith.subi %mul3A_98, %sub3A_188 : i32
        %add3A_190 = arith.constant 1 : i32
        %add3A_191 = arith.addi %sub3A_189, %add3A_190 : i32
        %dma_wait3A_192 = arith.constant 1 : i32
        %dma_wait3A_193 = arith.constant 0 : i32
        %dma_wait3A_194 = arith.constant 0 : i32
        %dma_wait3A_195 = tpu.memref_slice %arg8[%dma_wait3A_192, %dma_wait3A_193, %dma_wait3A_194] : memref<2x128x128xf32, #tpu.memory_space<vmem>> -> memref<1x128x128xf32, #tpu.memory_space<vmem>>
        %dma_wait3A_196 = tpu.memref_squeeze %dma_wait3A_195 : memref<1x128x128xf32, #tpu.memory_space<vmem>> -> memref<128x128xf32, #tpu.memory_space<vmem>>
        %dma_wait3A_197 = arith.constant 0 : i32
        %dma_wait3A_198 = tpu.memref_slice %arg7[%add3A_191, %dma_wait3A_197] : memref<40x128xi32, #tpu.memory_space<vmem>> -> memref<1x128xi32, #tpu.memory_space<vmem>>
        %dma_wait3A_199 = tpu.memref_squeeze %dma_wait3A_198 : memref<1x128xi32, #tpu.memory_space<vmem>> -> memref<128xi32, #tpu.memory_space<vmem>>
        %dma_wait3A_200 = arith.constant 0 : i32
        %dma_wait3A_201 = arith.constant 0 : i32
        %dma_wait3A_202 = tpu.memref_slice %arg9[%dma_wait3A_200, %dma_wait3A_201] : memref<10240x128xf32, #tpu.memory_space<vmem_shared>> -> memref<10240x128xf32, #tpu.memory_space<vmem_shared>>
        tpu.wait_indirect_dma semaphore(%arg13 : memref<!tpu.dma_semaphore, #tpu.memory_space<semaphore_mem>>) src(%dma_wait3A_196 : memref<128x128xf32, #tpu.memory_space<vmem>>) dst(%dma_wait3A_202 : memref<10240x128xf32, #tpu.memory_space<vmem_shared>>)
      } else {
      }
      %add3A_101 = arith.constant 0 : i32
      %add3A_102 = arith.addi %mul3A_98, %add3A_101 : i32
      %dma_start3A = arith.constant 0 : i32
      %dma_start3A_103 = arith.constant 0 : i32
      %dma_start3A_104 = arith.constant 0 : i32
      %dma_start3A_105 = tpu.memref_slice %arg8[%dma_start3A, %dma_start3A_103, %dma_start3A_104] : memref<2x128x128xf32, #tpu.memory_space<vmem>> -> memref<1x128x128xf32, #tpu.memory_space<vmem>>
      %dma_start3A_106 = tpu.memref_squeeze %dma_start3A_105 : memref<1x128x128xf32, #tpu.memory_space<vmem>> -> memref<128x128xf32, #tpu.memory_space<vmem>>
      %dma_start3A_107 = arith.constant 0 : i32
      %dma_start3A_108 = tpu.memref_slice %arg6[%add3A_102, %dma_start3A_107] : memref<40x128xi32, #tpu.memory_space<vmem>> -> memref<1x128xi32, #tpu.memory_space<vmem>>
      %dma_start3A_109 = tpu.memref_squeeze %dma_start3A_108 : memref<1x128xi32, #tpu.memory_space<vmem>> -> memref<128xi32, #tpu.memory_space<vmem>>
      %dma_start3A_110 = arith.constant 0 : i32
      %dma_start3A_111 = arith.constant 0 : i32
      %dma_start3A_112 = tpu.memref_slice %arg2[%dma_start3A_110, %dma_start3A_111] : memref<10000x128xf32, #tpu.memory_space<hbm>> -> memref<10000x128xf32, #tpu.memory_space<hbm>>
      tpu.enqueue_indirect_dma source(%dma_start3A_112 : memref<10000x128xf32, #tpu.memory_space<hbm>>) target(%dma_start3A_106 : memref<128x128xf32, #tpu.memory_space<vmem>>) offsets(%dma_start3A_109 : memref<128xi32, #tpu.memory_space<vmem>>) semaphore(%arg10 : memref<!tpu.dma_semaphore, #tpu.memory_space<semaphore_mem>>)
      %add3A_113 = arith.constant 1 : i32
      %add3A_114 = arith.addi %mul3A_98, %add3A_113 : i32
      %dma_start3A_115 = arith.constant 1 : i32
      %dma_start3A_116 = arith.constant 0 : i32
      %dma_start3A_117 = arith.constant 0 : i32
      %dma_start3A_118 = tpu.memref_slice %arg8[%dma_start3A_115, %dma_start3A_116, %dma_start3A_117] : memref<2x128x128xf32, #tpu.memory_space<vmem>> -> memref<1x128x128xf32, #tpu.memory_space<vmem>>
      %dma_start3A_119 = tpu.memref_squeeze %dma_start3A_118 : memref<1x128x128xf32, #tpu.memory_space<vmem>> -> memref<128x128xf32, #tpu.memory_space<vmem>>
      %dma_start3A_120 = arith.constant 0 : i32
      %dma_start3A_121 = tpu.memref_slice %arg6[%add3A_114, %dma_start3A_120] : memref<40x128xi32, #tpu.memory_space<vmem>> -> memref<1x128xi32, #tpu.memory_space<vmem>>
      %dma_start3A_122 = tpu.memref_squeeze %dma_start3A_121 : memref<1x128xi32, #tpu.memory_space<vmem>> -> memref<128xi32, #tpu.memory_space<vmem>>
      %dma_start3A_123 = arith.constant 0 : i32
      %dma_start3A_124 = arith.constant 0 : i32
      %dma_start3A_125 = tpu.memref_slice %arg2[%dma_start3A_123, %dma_start3A_124] : memref<10000x128xf32, #tpu.memory_space<hbm>> -> memref<10000x128xf32, #tpu.memory_space<hbm>>
      tpu.enqueue_indirect_dma source(%dma_start3A_125 : memref<10000x128xf32, #tpu.memory_space<hbm>>) target(%dma_start3A_119 : memref<128x128xf32, #tpu.memory_space<vmem>>) offsets(%dma_start3A_122 : memref<128xi32, #tpu.memory_space<vmem>>) semaphore(%arg11 : memref<!tpu.dma_semaphore, #tpu.memory_space<semaphore_mem>>)
      %dma_wait3A_126 = arith.constant 0 : i32
      %dma_wait3A_127 = arith.constant 0 : i32
      %dma_wait3A_128 = arith.constant 0 : i32
      %dma_wait3A_129 = tpu.memref_slice %arg8[%dma_wait3A_126, %dma_wait3A_127, %dma_wait3A_128] : memref<2x128x128xf32, #tpu.memory_space<vmem>> -> memref<1x128x128xf32, #tpu.memory_space<vmem>>
      %dma_wait3A_130 = tpu.memref_squeeze %dma_wait3A_129 : memref<1x128x128xf32, #tpu.memory_space<vmem>> -> memref<128x128xf32, #tpu.memory_space<vmem>>
      %dma_wait3A_131 = arith.constant 0 : i32
      %dma_wait3A_132 = tpu.memref_slice %arg6[%add3A_102, %dma_wait3A_131] : memref<40x128xi32, #tpu.memory_space<vmem>> -> memref<1x128xi32, #tpu.memory_space<vmem>>
      %dma_wait3A_133 = tpu.memref_squeeze %dma_wait3A_132 : memref<1x128xi32, #tpu.memory_space<vmem>> -> memref<128xi32, #tpu.memory_space<vmem>>
      %dma_wait3A_134 = arith.constant 0 : i32
      %dma_wait3A_135 = arith.constant 0 : i32
      %dma_wait3A_136 = tpu.memref_slice %arg2[%dma_wait3A_134, %dma_wait3A_135] : memref<10000x128xf32, #tpu.memory_space<hbm>> -> memref<10000x128xf32, #tpu.memory_space<hbm>>
      tpu.wait_indirect_dma semaphore(%arg10 : memref<!tpu.dma_semaphore, #tpu.memory_space<semaphore_mem>>) src(%dma_wait3A_136 : memref<10000x128xf32, #tpu.memory_space<hbm>>) dst(%dma_wait3A_130 : memref<128x128xf32, #tpu.memory_space<vmem>>)
      %add3A_137 = arith.constant 0 : i32
      %add3A_138 = arith.addi %mul3A_98, %add3A_137 : i32
      %dma_start3A_139 = arith.constant 0 : i32
      %dma_start3A_140 = arith.constant 0 : i32
      %dma_start3A_141 = arith.constant 0 : i32
      %dma_start3A_142 = tpu.memref_slice %arg8[%dma_start3A_139, %dma_start3A_140, %dma_start3A_141] : memref<2x128x128xf32, #tpu.memory_space<vmem>> -> memref<1x128x128xf32, #tpu.memory_space<vmem>>
      %dma_start3A_143 = tpu.memref_squeeze %dma_start3A_142 : memref<1x128x128xf32, #tpu.memory_space<vmem>> -> memref<128x128xf32, #tpu.memory_space<vmem>>
      %dma_start3A_144 = arith.constant 0 : i32
      %dma_start3A_145 = tpu.memref_slice %arg7[%add3A_138, %dma_start3A_144] : memref<40x128xi32, #tpu.memory_space<vmem>> -> memref<1x128xi32, #tpu.memory_space<vmem>>
      %dma_start3A_146 = tpu.memref_squeeze %dma_start3A_145 : memref<1x128xi32, #tpu.memory_space<vmem>> -> memref<128xi32, #tpu.memory_space<vmem>>
      %dma_start3A_147 = arith.constant 0 : i32
      %dma_start3A_148 = arith.constant 0 : i32
      %dma_start3A_149 = tpu.memref_slice %arg9[%dma_start3A_147, %dma_start3A_148] : memref<10240x128xf32, #tpu.memory_space<vmem_shared>> -> memref<10240x128xf32, #tpu.memory_space<vmem_shared>>
      tpu.enqueue_indirect_dma source(%dma_start3A_143 : memref<128x128xf32, #tpu.memory_space<vmem>>) target(%dma_start3A_149 : memref<10240x128xf32, #tpu.memory_space<vmem_shared>>) offsets(%dma_start3A_146 : memref<128xi32, #tpu.memory_space<vmem>>) semaphore(%arg12 : memref<!tpu.dma_semaphore, #tpu.memory_space<semaphore_mem>>) {add = true}
      %dma_wait3A_150 = arith.constant 1 : i32
      %dma_wait3A_151 = arith.constant 0 : i32
      %dma_wait3A_152 = arith.constant 0 : i32
      %dma_wait3A_153 = tpu.memref_slice %arg8[%dma_wait3A_150, %dma_wait3A_151, %dma_wait3A_152] : memref<2x128x128xf32, #tpu.memory_space<vmem>> -> memref<1x128x128xf32, #tpu.memory_space<vmem>>
      %dma_wait3A_154 = tpu.memref_squeeze %dma_wait3A_153 : memref<1x128x128xf32, #tpu.memory_space<vmem>> -> memref<128x128xf32, #tpu.memory_space<vmem>>
      %dma_wait3A_155 = arith.constant 0 : i32
      %dma_wait3A_156 = tpu.memref_slice %arg6[%add3A_114, %dma_wait3A_155] : memref<40x128xi32, #tpu.memory_space<vmem>> -> memref<1x128xi32, #tpu.memory_space<vmem>>
      %dma_wait3A_157 = tpu.memref_squeeze %dma_wait3A_156 : memref<1x128xi32, #tpu.memory_space<vmem>> -> memref<128xi32, #tpu.memory_space<vmem>>
      %dma_wait3A_158 = arith.constant 0 : i32
      %dma_wait3A_159 = arith.constant 0 : i32
      %dma_wait3A_160 = tpu.memref_slice %arg2[%dma_wait3A_158, %dma_wait3A_159] : memref<10000x128xf32, #tpu.memory_space<hbm>> -> memref<10000x128xf32, #tpu.memory_space<hbm>>
      tpu.wait_indirect_dma semaphore(%arg11 : memref<!tpu.dma_semaphore, #tpu.memory_space<semaphore_mem>>) src(%dma_wait3A_160 : memref<10000x128xf32, #tpu.memory_space<hbm>>) dst(%dma_wait3A_154 : memref<128x128xf32, #tpu.memory_space<vmem>>)
      %add3A_161 = arith.constant 1 : i32
      %add3A_162 = arith.addi %mul3A_98, %add3A_161 : i32
      %dma_start3A_163 = arith.constant 1 : i32
      %dma_start3A_164 = arith.constant 0 : i32
      %dma_start3A_165 = arith.constant 0 : i32
      %dma_start3A_166 = tpu.memref_slice %arg8[%dma_start3A_163, %dma_start3A_164, %dma_start3A_165] : memref<2x128x128xf32, #tpu.memory_space<vmem>> -> memref<1x128x128xf32, #tpu.memory_space<vmem>>
      %dma_start3A_167 = tpu.memref_squeeze %dma_start3A_166 : memref<1x128x128xf32, #tpu.memory_space<vmem>> -> memref<128x128xf32, #tpu.memory_space<vmem>>
      %dma_start3A_168 = arith.constant 0 : i32
      %dma_start3A_169 = tpu.memref_slice %arg7[%add3A_162, %dma_start3A_168] : memref<40x128xi32, #tpu.memory_space<vmem>> -> memref<1x128xi32, #tpu.memory_space<vmem>>
      %dma_start3A_170 = tpu.memref_squeeze %dma_start3A_169 : memref<1x128xi32, #tpu.memory_space<vmem>> -> memref<128xi32, #tpu.memory_space<vmem>>
      %dma_start3A_171 = arith.constant 0 : i32
      %dma_start3A_172 = arith.constant 0 : i32
      %dma_start3A_173 = tpu.memref_slice %arg9[%dma_start3A_171, %dma_start3A_172] : memref<10240x128xf32, #tpu.memory_space<vmem_shared>> -> memref<10240x128xf32, #tpu.memory_space<vmem_shared>>
      tpu.enqueue_indirect_dma source(%dma_start3A_167 : memref<128x128xf32, #tpu.memory_space<vmem>>) target(%dma_start3A_173 : memref<10240x128xf32, #tpu.memory_space<vmem_shared>>) offsets(%dma_start3A_170 : memref<128xi32, #tpu.memory_space<vmem>>) semaphore(%arg13 : memref<!tpu.dma_semaphore, #tpu.memory_space<semaphore_mem>>) {add = true}
    }
    %scan3A_34 = arith.constant 20 : i32
    %dma_wait3A = arith.constant 0 : i32
    %dma_wait3A_35 = arith.constant 38 : i32
    %dma_wait3A_36 = arith.constant 0 : i32
    %dma_wait3A_37 = arith.constant 0 : i32
    %dma_wait3A_38 = tpu.memref_slice %arg8[%dma_wait3A, %dma_wait3A_36, %dma_wait3A_37] : memref<2x128x128xf32, #tpu.memory_space<vmem>> -> memref<1x128x128xf32, #tpu.memory_space<vmem>>
    %dma_wait3A_39 = tpu.memref_squeeze %dma_wait3A_38 : memref<1x128x128xf32, #tpu.memory_space<vmem>> -> memref<128x128xf32, #tpu.memory_space<vmem>>
    %dma_wait3A_40 = arith.constant 0 : i32
    %dma_wait3A_41 = tpu.memref_slice %arg7[%dma_wait3A_35, %dma_wait3A_40] : memref<40x128xi32, #tpu.memory_space<vmem>> -> memref<1x128xi32, #tpu.memory_space<vmem>>
    %dma_wait3A_42 = tpu.memref_squeeze %dma_wait3A_41 : memref<1x128xi32, #tpu.memory_space<vmem>> -> memref<128xi32, #tpu.memory_space<vmem>>
    %dma_wait3A_43 = arith.constant 0 : i32
    %dma_wait3A_44 = arith.constant 0 : i32
    %dma_wait3A_45 = tpu.memref_slice %arg9[%dma_wait3A_43, %dma_wait3A_44] : memref<10240x128xf32, #tpu.memory_space<vmem_shared>> -> memref<10240x128xf32, #tpu.memory_space<vmem_shared>>
    tpu.wait_indirect_dma semaphore(%arg12 : memref<!tpu.dma_semaphore, #tpu.memory_space<semaphore_mem>>) src(%dma_wait3A_39 : memref<128x128xf32, #tpu.memory_space<vmem>>) dst(%dma_wait3A_45 : memref<10240x128xf32, #tpu.memory_space<vmem_shared>>)
    %dma_wait3A_46 = arith.constant 1 : i32
    %dma_wait3A_47 = arith.constant 39 : i32
    %dma_wait3A_48 = arith.constant 0 : i32
    %dma_wait3A_49 = arith.constant 0 : i32
    %dma_wait3A_50 = tpu.memref_slice %arg8[%dma_wait3A_46, %dma_wait3A_48, %dma_wait3A_49] : memref<2x128x128xf32, #tpu.memory_space<vmem>> -> memref<1x128x128xf32, #tpu.memory_space<vmem>>
    %dma_wait3A_51 = tpu.memref_squeeze %dma_wait3A_50 : memref<1x128x128xf32, #tpu.memory_space<vmem>> -> memref<128x128xf32, #tpu.memory_space<vmem>>
    %dma_wait3A_52 = arith.constant 0 : i32
    %dma_wait3A_53 = tpu.memref_slice %arg7[%dma_wait3A_47, %dma_wait3A_52] : memref<40x128xi32, #tpu.memory_space<vmem>> -> memref<1x128xi32, #tpu.memory_space<vmem>>
    %dma_wait3A_54 = tpu.memref_squeeze %dma_wait3A_53 : memref<1x128xi32, #tpu.memory_space<vmem>> -> memref<128xi32, #tpu.memory_space<vmem>>
    %dma_wait3A_55 = arith.constant 0 : i32
    %dma_wait3A_56 = arith.constant 0 : i32
    %dma_wait3A_57 = tpu.memref_slice %arg9[%dma_wait3A_55, %dma_wait3A_56] : memref<10240x128xf32, #tpu.memory_space<vmem_shared>> -> memref<10240x128xf32, #tpu.memory_space<vmem_shared>>
    tpu.wait_indirect_dma semaphore(%arg13 : memref<!tpu.dma_semaphore, #tpu.memory_space<semaphore_mem>>) src(%dma_wait3A_51 : memref<128x128xf32, #tpu.memory_space<vmem>>) dst(%dma_wait3A_57 : memref<10240x128xf32, #tpu.memory_space<vmem_shared>>)
    %add3A_58 = arith.constant 40 : i32
    %add3A_59 = arith.addi %mul3A_2, %add3A_58 : i32
    "tpu.region"() ({
      %run_scoped3A_96 = tpu.sem_alloc : memref<!tpu.dma_semaphore, #tpu.memory_space<semaphore_mem>>
      %dma_start3A = arith.constant 0 : i32
      %dma_start3A_97 = tpu.memref_slice %arg3[%add3A_59, %dma_start3A] : memref<2560x128xi32, #tpu.memory_space<hbm>> -> memref<40x128xi32, #tpu.memory_space<hbm>>
      %dma_start3A_98 = arith.constant 0 : i32
      %dma_start3A_99 = tpu.memref_slice %arg3[%add3A_59, %dma_start3A_98] : memref<2560x128xi32, #tpu.memory_space<hbm>> -> memref<40x128xi32, #tpu.memory_space<hbm>>
      tpu.enqueue_dma source(%dma_start3A_99 : memref<40x128xi32, #tpu.memory_space<hbm>>) target(%arg6 : memref<40x128xi32, #tpu.memory_space<vmem>>) target_semaphore(%run_scoped3A_96 : memref<!tpu.dma_semaphore, #tpu.memory_space<semaphore_mem>>)
      %dma_wait3A_100 = arith.constant 0 : i32
      %dma_wait3A_101 = tpu.memref_slice %arg3[%add3A_59, %dma_wait3A_100] : memref<2560x128xi32, #tpu.memory_space<hbm>> -> memref<40x128xi32, #tpu.memory_space<hbm>>
      %dma_wait3A_102 = arith.constant 0 : i32
      %dma_wait3A_103 = tpu.memref_slice %arg3[%add3A_59, %dma_wait3A_102] : memref<2560x128xi32, #tpu.memory_space<hbm>> -> memref<40x128xi32, #tpu.memory_space<hbm>>
      tpu.wait_dma2 semaphore(%run_scoped3A_96 : memref<!tpu.dma_semaphore, #tpu.memory_space<semaphore_mem>>) src(%dma_wait3A_103 : memref<40x128xi32, #tpu.memory_space<hbm>>) dst(%arg6 : memref<40x128xi32, #tpu.memory_space<vmem>>)
      tpu.yield
    }) : () -> ()
    %add3A_60 = arith.constant 40 : i32
    %add3A_61 = arith.addi %mul3A_2, %add3A_60 : i32
    "tpu.region"() ({
      %run_scoped3A_96 = tpu.sem_alloc : memref<!tpu.dma_semaphore, #tpu.memory_space<semaphore_mem>>
      %dma_start3A = arith.constant 0 : i32
      %dma_start3A_97 = tpu.memref_slice %arg4[%add3A_61, %dma_start3A] : memref<2560x128xi32, #tpu.memory_space<hbm>> -> memref<40x128xi32, #tpu.memory_space<hbm>>
      %dma_start3A_98 = arith.constant 0 : i32
      %dma_start3A_99 = tpu.memref_slice %arg4[%add3A_61, %dma_start3A_98] : memref<2560x128xi32, #tpu.memory_space<hbm>> -> memref<40x128xi32, #tpu.memory_space<hbm>>
      tpu.enqueue_dma source(%dma_start3A_99 : memref<40x128xi32, #tpu.memory_space<hbm>>) target(%arg7 : memref<40x128xi32, #tpu.memory_space<vmem>>) target_semaphore(%run_scoped3A_96 : memref<!tpu.dma_semaphore, #tpu.memory_space<semaphore_mem>>)
      %dma_wait3A_100 = arith.constant 0 : i32
      %dma_wait3A_101 = tpu.memref_slice %arg4[%add3A_61, %dma_wait3A_100] : memref<2560x128xi32, #tpu.memory_space<hbm>> -> memref<40x128xi32, #tpu.memory_space<hbm>>
      %dma_wait3A_102 = arith.constant 0 : i32
      %dma_wait3A_103 = tpu.memref_slice %arg4[%add3A_61, %dma_wait3A_102] : memref<2560x128xi32, #tpu.memory_space<hbm>> -> memref<40x128xi32, #tpu.memory_space<hbm>>
      tpu.wait_dma2 semaphore(%run_scoped3A_96 : memref<!tpu.dma_semaphore, #tpu.memory_space<semaphore_mem>>) src(%dma_wait3A_103 : memref<40x128xi32, #tpu.memory_space<hbm>>) dst(%arg7 : memref<40x128xi32, #tpu.memory_space<vmem>>)
      tpu.yield
    }) : () -> ()
    %scan3A_62 = arith.constant 0 : i32
    %scan3A_63 = arith.constant 0 : i32
    %scan3A_64 = arith.constant 20 : i32
    %scan3A_65 = arith.addi %scan3A_63, %scan3A_64 : i32
    %scan3A_66 = arith.constant 1 : i32
    scf.for %scan3A_96 = %scan3A_63 to %scan3A_65 step %scan3A_66  : i32 {
      %mul3A_97 = arith.constant 2 : i32
      %mul3A_98 = arith.muli %scan3A_96, %mul3A_97 : i32
      %gt3A = arith.constant 0 : i32
      %gt3A_99 = arith.cmpi sgt, %scan3A_96, %gt3A : i32
      %convert_element_type3A = arith.extui %gt3A_99 : i1 to i32
      %cond3A = arith.constant 0 : i32
      %cond3A_100 = arith.cmpi ne, %convert_element_type3A, %cond3A : i32
      scf.if %cond3A_100 {
        %sub3A = arith.constant 2 : i32
        %sub3A_174 = arith.subi %mul3A_98, %sub3A : i32
        %add3A_175 = arith.constant 0 : i32
        %add3A_176 = arith.addi %sub3A_174, %add3A_175 : i32
        %dma_wait3A_177 = arith.constant 0 : i32
        %dma_wait3A_178 = arith.constant 0 : i32
        %dma_wait3A_179 = arith.constant 0 : i32
        %dma_wait3A_180 = tpu.memref_slice %arg8[%dma_wait3A_177, %dma_wait3A_178, %dma_wait3A_179] : memref<2x128x128xf32, #tpu.memory_space<vmem>> -> memref<1x128x128xf32, #tpu.memory_space<vmem>>
        %dma_wait3A_181 = tpu.memref_squeeze %dma_wait3A_180 : memref<1x128x128xf32, #tpu.memory_space<vmem>> -> memref<128x128xf32, #tpu.memory_space<vmem>>
        %dma_wait3A_182 = arith.constant 0 : i32
        %dma_wait3A_183 = tpu.memref_slice %arg7[%add3A_176, %dma_wait3A_182] : memref<40x128xi32, #tpu.memory_space<vmem>> -> memref<1x128xi32, #tpu.memory_space<vmem>>
        %dma_wait3A_184 = tpu.memref_squeeze %dma_wait3A_183 : memref<1x128xi32, #tpu.memory_space<vmem>> -> memref<128xi32, #tpu.memory_space<vmem>>
        %dma_wait3A_185 = arith.constant 0 : i32
        %dma_wait3A_186 = arith.constant 0 : i32
        %dma_wait3A_187 = tpu.memref_slice %arg9[%dma_wait3A_185, %dma_wait3A_186] : memref<10240x128xf32, #tpu.memory_space<vmem_shared>> -> memref<10240x128xf32, #tpu.memory_space<vmem_shared>>
        tpu.wait_indirect_dma semaphore(%arg12 : memref<!tpu.dma_semaphore, #tpu.memory_space<semaphore_mem>>) src(%dma_wait3A_181 : memref<128x128xf32, #tpu.memory_space<vmem>>) dst(%dma_wait3A_187 : memref<10240x128xf32, #tpu.memory_space<vmem_shared>>)
        %sub3A_188 = arith.constant 2 : i32
        %sub3A_189 = arith.subi %mul3A_98, %sub3A_188 : i32
        %add3A_190 = arith.constant 1 : i32
        %add3A_191 = arith.addi %sub3A_189, %add3A_190 : i32
        %dma_wait3A_192 = arith.constant 1 : i32
        %dma_wait3A_193 = arith.constant 0 : i32
        %dma_wait3A_194 = arith.constant 0 : i32
        %dma_wait3A_195 = tpu.memref_slice %arg8[%dma_wait3A_192, %dma_wait3A_193, %dma_wait3A_194] : memref<2x128x128xf32, #tpu.memory_space<vmem>> -> memref<1x128x128xf32, #tpu.memory_space<vmem>>
        %dma_wait3A_196 = tpu.memref_squeeze %dma_wait3A_195 : memref<1x128x128xf32, #tpu.memory_space<vmem>> -> memref<128x128xf32, #tpu.memory_space<vmem>>
        %dma_wait3A_197 = arith.constant 0 : i32
        %dma_wait3A_198 = tpu.memref_slice %arg7[%add3A_191, %dma_wait3A_197] : memref<40x128xi32, #tpu.memory_space<vmem>> -> memref<1x128xi32, #tpu.memory_space<vmem>>
        %dma_wait3A_199 = tpu.memref_squeeze %dma_wait3A_198 : memref<1x128xi32, #tpu.memory_space<vmem>> -> memref<128xi32, #tpu.memory_space<vmem>>
        %dma_wait3A_200 = arith.constant 0 : i32
        %dma_wait3A_201 = arith.constant 0 : i32
        %dma_wait3A_202 = tpu.memref_slice %arg9[%dma_wait3A_200, %dma_wait3A_201] : memref<10240x128xf32, #tpu.memory_space<vmem_shared>> -> memref<10240x128xf32, #tpu.memory_space<vmem_shared>>
        tpu.wait_indirect_dma semaphore(%arg13 : memref<!tpu.dma_semaphore, #tpu.memory_space<semaphore_mem>>) src(%dma_wait3A_196 : memref<128x128xf32, #tpu.memory_space<vmem>>) dst(%dma_wait3A_202 : memref<10240x128xf32, #tpu.memory_space<vmem_shared>>)
      } else {
      }
      %add3A_101 = arith.constant 0 : i32
      %add3A_102 = arith.addi %mul3A_98, %add3A_101 : i32
      %dma_start3A = arith.constant 0 : i32
      %dma_start3A_103 = arith.constant 0 : i32
      %dma_start3A_104 = arith.constant 0 : i32
      %dma_start3A_105 = tpu.memref_slice %arg8[%dma_start3A, %dma_start3A_103, %dma_start3A_104] : memref<2x128x128xf32, #tpu.memory_space<vmem>> -> memref<1x128x128xf32, #tpu.memory_space<vmem>>
      %dma_start3A_106 = tpu.memref_squeeze %dma_start3A_105 : memref<1x128x128xf32, #tpu.memory_space<vmem>> -> memref<128x128xf32, #tpu.memory_space<vmem>>
      %dma_start3A_107 = arith.constant 0 : i32
      %dma_start3A_108 = tpu.memref_slice %arg6[%add3A_102, %dma_start3A_107] : memref<40x128xi32, #tpu.memory_space<vmem>> -> memref<1x128xi32, #tpu.memory_space<vmem>>
      %dma_start3A_109 = tpu.memref_squeeze %dma_start3A_108 : memref<1x128xi32, #tpu.memory_space<vmem>> -> memref<128xi32, #tpu.memory_space<vmem>>
      %dma_start3A_110 = arith.constant 0 : i32
      %dma_start3A_111 = arith.constant 0 : i32
      %dma_start3A_112 = tpu.memref_slice %arg2[%dma_start3A_110, %dma_start3A_111] : memref<10000x128xf32, #tpu.memory_space<hbm>> -> memref<10000x128xf32, #tpu.memory_space<hbm>>
      tpu.enqueue_indirect_dma source(%dma_start3A_112 : memref<10000x128xf32, #tpu.memory_space<hbm>>) target(%dma_start3A_106 : memref<128x128xf32, #tpu.memory_space<vmem>>) offsets(%dma_start3A_109 : memref<128xi32, #tpu.memory_space<vmem>>) semaphore(%arg10 : memref<!tpu.dma_semaphore, #tpu.memory_space<semaphore_mem>>)
      %add3A_113 = arith.constant 1 : i32
      %add3A_114 = arith.addi %mul3A_98, %add3A_113 : i32
      %dma_start3A_115 = arith.constant 1 : i32
      %dma_start3A_116 = arith.constant 0 : i32
      %dma_start3A_117 = arith.constant 0 : i32
      %dma_start3A_118 = tpu.memref_slice %arg8[%dma_start3A_115, %dma_start3A_116, %dma_start3A_117] : memref<2x128x128xf32, #tpu.memory_space<vmem>> -> memref<1x128x128xf32, #tpu.memory_space<vmem>>
      %dma_start3A_119 = tpu.memref_squeeze %dma_start3A_118 : memref<1x128x128xf32, #tpu.memory_space<vmem>> -> memref<128x128xf32, #tpu.memory_space<vmem>>
      %dma_start3A_120 = arith.constant 0 : i32
      %dma_start3A_121 = tpu.memref_slice %arg6[%add3A_114, %dma_start3A_120] : memref<40x128xi32, #tpu.memory_space<vmem>> -> memref<1x128xi32, #tpu.memory_space<vmem>>
      %dma_start3A_122 = tpu.memref_squeeze %dma_start3A_121 : memref<1x128xi32, #tpu.memory_space<vmem>> -> memref<128xi32, #tpu.memory_space<vmem>>
      %dma_start3A_123 = arith.constant 0 : i32
      %dma_start3A_124 = arith.constant 0 : i32
      %dma_start3A_125 = tpu.memref_slice %arg2[%dma_start3A_123, %dma_start3A_124] : memref<10000x128xf32, #tpu.memory_space<hbm>> -> memref<10000x128xf32, #tpu.memory_space<hbm>>
      tpu.enqueue_indirect_dma source(%dma_start3A_125 : memref<10000x128xf32, #tpu.memory_space<hbm>>) target(%dma_start3A_119 : memref<128x128xf32, #tpu.memory_space<vmem>>) offsets(%dma_start3A_122 : memref<128xi32, #tpu.memory_space<vmem>>) semaphore(%arg11 : memref<!tpu.dma_semaphore, #tpu.memory_space<semaphore_mem>>)
      %dma_wait3A_126 = arith.constant 0 : i32
      %dma_wait3A_127 = arith.constant 0 : i32
      %dma_wait3A_128 = arith.constant 0 : i32
      %dma_wait3A_129 = tpu.memref_slice %arg8[%dma_wait3A_126, %dma_wait3A_127, %dma_wait3A_128] : memref<2x128x128xf32, #tpu.memory_space<vmem>> -> memref<1x128x128xf32, #tpu.memory_space<vmem>>
      %dma_wait3A_130 = tpu.memref_squeeze %dma_wait3A_129 : memref<1x128x128xf32, #tpu.memory_space<vmem>> -> memref<128x128xf32, #tpu.memory_space<vmem>>
      %dma_wait3A_131 = arith.constant 0 : i32
      %dma_wait3A_132 = tpu.memref_slice %arg6[%add3A_102, %dma_wait3A_131] : memref<40x128xi32, #tpu.memory_space<vmem>> -> memref<1x128xi32, #tpu.memory_space<vmem>>
      %dma_wait3A_133 = tpu.memref_squeeze %dma_wait3A_132 : memref<1x128xi32, #tpu.memory_space<vmem>> -> memref<128xi32, #tpu.memory_space<vmem>>
      %dma_wait3A_134 = arith.constant 0 : i32
      %dma_wait3A_135 = arith.constant 0 : i32
      %dma_wait3A_136 = tpu.memref_slice %arg2[%dma_wait3A_134, %dma_wait3A_135] : memref<10000x128xf32, #tpu.memory_space<hbm>> -> memref<10000x128xf32, #tpu.memory_space<hbm>>
      tpu.wait_indirect_dma semaphore(%arg10 : memref<!tpu.dma_semaphore, #tpu.memory_space<semaphore_mem>>) src(%dma_wait3A_136 : memref<10000x128xf32, #tpu.memory_space<hbm>>) dst(%dma_wait3A_130 : memref<128x128xf32, #tpu.memory_space<vmem>>)
      %add3A_137 = arith.constant 0 : i32
      %add3A_138 = arith.addi %mul3A_98, %add3A_137 : i32
      %dma_start3A_139 = arith.constant 0 : i32
      %dma_start3A_140 = arith.constant 0 : i32
      %dma_start3A_141 = arith.constant 0 : i32
      %dma_start3A_142 = tpu.memref_slice %arg8[%dma_start3A_139, %dma_start3A_140, %dma_start3A_141] : memref<2x128x128xf32, #tpu.memory_space<vmem>> -> memref<1x128x128xf32, #tpu.memory_space<vmem>>
      %dma_start3A_143 = tpu.memref_squeeze %dma_start3A_142 : memref<1x128x128xf32, #tpu.memory_space<vmem>> -> memref<128x128xf32, #tpu.memory_space<vmem>>
      %dma_start3A_144 = arith.constant 0 : i32
      %dma_start3A_145 = tpu.memref_slice %arg7[%add3A_138, %dma_start3A_144] : memref<40x128xi32, #tpu.memory_space<vmem>> -> memref<1x128xi32, #tpu.memory_space<vmem>>
      %dma_start3A_146 = tpu.memref_squeeze %dma_start3A_145 : memref<1x128xi32, #tpu.memory_space<vmem>> -> memref<128xi32, #tpu.memory_space<vmem>>
      %dma_start3A_147 = arith.constant 0 : i32
      %dma_start3A_148 = arith.constant 0 : i32
      %dma_start3A_149 = tpu.memref_slice %arg9[%dma_start3A_147, %dma_start3A_148] : memref<10240x128xf32, #tpu.memory_space<vmem_shared>> -> memref<10240x128xf32, #tpu.memory_space<vmem_shared>>
      tpu.enqueue_indirect_dma source(%dma_start3A_143 : memref<128x128xf32, #tpu.memory_space<vmem>>) target(%dma_start3A_149 : memref<10240x128xf32, #tpu.memory_space<vmem_shared>>) offsets(%dma_start3A_146 : memref<128xi32, #tpu.memory_space<vmem>>) semaphore(%arg12 : memref<!tpu.dma_semaphore, #tpu.memory_space<semaphore_mem>>) {add = true}
      %dma_wait3A_150 = arith.constant 1 : i32
      %dma_wait3A_151 = arith.constant 0 : i32
      %dma_wait3A_152 = arith.constant 0 : i32
      %dma_wait3A_153 = tpu.memref_slice %arg8[%dma_wait3A_150, %dma_wait3A_151, %dma_wait3A_152] : memref<2x128x128xf32, #tpu.memory_space<vmem>> -> memref<1x128x128xf32, #tpu.memory_space<vmem>>
      %dma_wait3A_154 = tpu.memref_squeeze %dma_wait3A_153 : memref<1x128x128xf32, #tpu.memory_space<vmem>> -> memref<128x128xf32, #tpu.memory_space<vmem>>
      %dma_wait3A_155 = arith.constant 0 : i32
      %dma_wait3A_156 = tpu.memref_slice %arg6[%add3A_114, %dma_wait3A_155] : memref<40x128xi32, #tpu.memory_space<vmem>> -> memref<1x128xi32, #tpu.memory_space<vmem>>
      %dma_wait3A_157 = tpu.memref_squeeze %dma_wait3A_156 : memref<1x128xi32, #tpu.memory_space<vmem>> -> memref<128xi32, #tpu.memory_space<vmem>>
      %dma_wait3A_158 = arith.constant 0 : i32
      %dma_wait3A_159 = arith.constant 0 : i32
      %dma_wait3A_160 = tpu.memref_slice %arg2[%dma_wait3A_158, %dma_wait3A_159] : memref<10000x128xf32, #tpu.memory_space<hbm>> -> memref<10000x128xf32, #tpu.memory_space<hbm>>
      tpu.wait_indirect_dma semaphore(%arg11 : memref<!tpu.dma_semaphore, #tpu.memory_space<semaphore_mem>>) src(%dma_wait3A_160 : memref<10000x128xf32, #tpu.memory_space<hbm>>) dst(%dma_wait3A_154 : memref<128x128xf32, #tpu.memory_space<vmem>>)
      %add3A_161 = arith.constant 1 : i32
      %add3A_162 = arith.addi %mul3A_98, %add3A_161 : i32
      %dma_start3A_163 = arith.constant 1 : i32
      %dma_start3A_164 = arith.constant 0 : i32
      %dma_start3A_165 = arith.constant 0 : i32
      %dma_start3A_166 = tpu.memref_slice %arg8[%dma_start3A_163, %dma_start3A_164, %dma_start3A_165] : memref<2x128x128xf32, #tpu.memory_space<vmem>> -> memref<1x128x128xf32, #tpu.memory_space<vmem>>
      %dma_start3A_167 = tpu.memref_squeeze %dma_start3A_166 : memref<1x128x128xf32, #tpu.memory_space<vmem>> -> memref<128x128xf32, #tpu.memory_space<vmem>>
      %dma_start3A_168 = arith.constant 0 : i32
      %dma_start3A_169 = tpu.memref_slice %arg7[%add3A_162, %dma_start3A_168] : memref<40x128xi32, #tpu.memory_space<vmem>> -> memref<1x128xi32, #tpu.memory_space<vmem>>
      %dma_start3A_170 = tpu.memref_squeeze %dma_start3A_169 : memref<1x128xi32, #tpu.memory_space<vmem>> -> memref<128xi32, #tpu.memory_space<vmem>>
      %dma_start3A_171 = arith.constant 0 : i32
      %dma_start3A_172 = arith.constant 0 : i32
      %dma_start3A_173 = tpu.memref_slice %arg9[%dma_start3A_171, %dma_start3A_172] : memref<10240x128xf32, #tpu.memory_space<vmem_shared>> -> memref<10240x128xf32, #tpu.memory_space<vmem_shared>>
      tpu.enqueue_indirect_dma source(%dma_start3A_167 : memref<128x128xf32, #tpu.memory_space<vmem>>) target(%dma_start3A_173 : memref<10240x128xf32, #tpu.memory_space<vmem_shared>>) offsets(%dma_start3A_170 : memref<128xi32, #tpu.memory_space<vmem>>) semaphore(%arg13 : memref<!tpu.dma_semaphore, #tpu.memory_space<semaphore_mem>>) {add = true}
    }
    %scan3A_67 = arith.constant 20 : i32
    %dma_wait3A_68 = arith.constant 0 : i32
    %dma_wait3A_69 = arith.constant 38 : i32
    %dma_wait3A_70 = arith.constant 0 : i32
    %dma_wait3A_71 = arith.constant 0 : i32
    %dma_wait3A_72 = tpu.memref_slice %arg8[%dma_wait3A_68, %dma_wait3A_70, %dma_wait3A_71] : memref<2x128x128xf32, #tpu.memory_space<vmem>> -> memref<1x128x128xf32, #tpu.memory_space<vmem>>
    %dma_wait3A_73 = tpu.memref_squeeze %dma_wait3A_72 : memref<1x128x128xf32, #tpu.memory_space<vmem>> -> memref<128x128xf32, #tpu.memory_space<vmem>>
    %dma_wait3A_74 = arith.constant 0 : i32
    %dma_wait3A_75 = tpu.memref_slice %arg7[%dma_wait3A_69, %dma_wait3A_74] : memref<40x128xi32, #tpu.memory_space<vmem>> -> memref<1x128xi32, #tpu.memory_space<vmem>>
    %dma_wait3A_76 = tpu.memref_squeeze %dma_wait3A_75 : memref<1x128xi32, #tpu.memory_space<vmem>> -> memref<128xi32, #tpu.memory_space<vmem>>
    %dma_wait3A_77 = arith.constant 0 : i32
    %dma_wait3A_78 = arith.constant 0 : i32
    %dma_wait3A_79 = tpu.memref_slice %arg9[%dma_wait3A_77, %dma_wait3A_78] : memref<10240x128xf32, #tpu.memory_space<vmem_shared>> -> memref<10240x128xf32, #tpu.memory_space<vmem_shared>>
    tpu.wait_indirect_dma semaphore(%arg12 : memref<!tpu.dma_semaphore, #tpu.memory_space<semaphore_mem>>) src(%dma_wait3A_73 : memref<128x128xf32, #tpu.memory_space<vmem>>) dst(%dma_wait3A_79 : memref<10240x128xf32, #tpu.memory_space<vmem_shared>>)
    %dma_wait3A_80 = arith.constant 1 : i32
    %dma_wait3A_81 = arith.constant 39 : i32
    %dma_wait3A_82 = arith.constant 0 : i32
    %dma_wait3A_83 = arith.constant 0 : i32
    %dma_wait3A_84 = tpu.memref_slice %arg8[%dma_wait3A_80, %dma_wait3A_82, %dma_wait3A_83] : memref<2x128x128xf32, #tpu.memory_space<vmem>> -> memref<1x128x128xf32, #tpu.memory_space<vmem>>
    %dma_wait3A_85 = tpu.memref_squeeze %dma_wait3A_84 : memref<1x128x128xf32, #tpu.memory_space<vmem>> -> memref<128x128xf32, #tpu.memory_space<vmem>>
    %dma_wait3A_86 = arith.constant 0 : i32
    %dma_wait3A_87 = tpu.memref_slice %arg7[%dma_wait3A_81, %dma_wait3A_86] : memref<40x128xi32, #tpu.memory_space<vmem>> -> memref<1x128xi32, #tpu.memory_space<vmem>>
    %dma_wait3A_88 = tpu.memref_squeeze %dma_wait3A_87 : memref<1x128xi32, #tpu.memory_space<vmem>> -> memref<128xi32, #tpu.memory_space<vmem>>
    %dma_wait3A_89 = arith.constant 0 : i32
    %dma_wait3A_90 = arith.constant 0 : i32
    %dma_wait3A_91 = tpu.memref_slice %arg9[%dma_wait3A_89, %dma_wait3A_90] : memref<10240x128xf32, #tpu.memory_space<vmem_shared>> -> memref<10240x128xf32, #tpu.memory_space<vmem_shared>>
    tpu.wait_indirect_dma semaphore(%arg13 : memref<!tpu.dma_semaphore, #tpu.memory_space<semaphore_mem>>) src(%dma_wait3A_85 : memref<128x128xf32, #tpu.memory_space<vmem>>) dst(%dma_wait3A_91 : memref<10240x128xf32, #tpu.memory_space<vmem_shared>>)
    %barrier3A_92 = arith.constant 0 : index
    tpu.barrier barrier_id(%barrier3A_92)
    %mul3A_93 = arith.constant 10240 : i32
    %mul3A_94 = arith.muli %arg0, %mul3A_93 : i32
    %add3A_95 = arith.addi %mul3A_94, %mul3A_10 : i32
    "tpu.region"() ({
      %run_scoped3A_96 = tpu.sem_alloc : memref<!tpu.dma_semaphore, #tpu.memory_space<semaphore_mem>>
      %dma_start3A = arith.constant 0 : i32
      %dma_start3A_97 = tpu.memref_slice %arg5[%add3A_95, %dma_start3A] : memref<20480x128xf32, #tpu.memory_space<hbm>> -> memref<640x128xf32, #tpu.memory_space<hbm>>
      %dma_start3A_98 = arith.constant 0 : i32
      %dma_start3A_99 = tpu.memref_slice %arg9[%mul3A_10, %dma_start3A_98] : memref<10240x128xf32, #tpu.memory_space<vmem_shared>> -> memref<640x128xf32, #tpu.memory_space<vmem_shared>>
      tpu.enqueue_dma source(%dma_start3A_99 : memref<640x128xf32, #tpu.memory_space<vmem_shared>>) target(%dma_start3A_97 : memref<640x128xf32, #tpu.memory_space<hbm>>) target_semaphore(%run_scoped3A_96 : memref<!tpu.dma_semaphore, #tpu.memory_space<semaphore_mem>>)
      %dma_wait3A_100 = arith.constant 0 : i32
      %dma_wait3A_101 = tpu.memref_slice %arg5[%add3A_95, %dma_wait3A_100] : memref<20480x128xf32, #tpu.memory_space<hbm>> -> memref<640x128xf32, #tpu.memory_space<hbm>>
      %dma_wait3A_102 = arith.constant 0 : i32
      %dma_wait3A_103 = tpu.memref_slice %arg9[%mul3A_10, %dma_wait3A_102] : memref<10240x128xf32, #tpu.memory_space<vmem_shared>> -> memref<640x128xf32, #tpu.memory_space<vmem_shared>>
      tpu.wait_dma2 semaphore(%run_scoped3A_96 : memref<!tpu.dma_semaphore, #tpu.memory_space<semaphore_mem>>) src(%dma_wait3A_103 : memref<640x128xf32, #tpu.memory_space<vmem_shared>>) dst(%dma_wait3A_101 : memref<640x128xf32, #tpu.memory_space<hbm>>)
      tpu.yield
    }) : () -> ()
    return
  }
}

#map = affine_map<(d0, d1) -> (0, 0)>
module attributes {stable_mosaic.version = 14 : i64} {
  func.func @k(%arg0: i32, %arg1: i32, %arg2: memref<10000x128xf32, #tpu.memory_space<hbm>>, %arg3: memref<2560x128xi32, #tpu.memory_space<hbm>>, %arg4: memref<2560x128xi32, #tpu.memory_space<hbm>>, %arg5: memref<20480x128xf32, #tpu.memory_space<hbm>>, %arg6: memref<40x128xi32, #tpu.memory_space<vmem>>, %arg7: memref<40x128xi32, #tpu.memory_space<vmem>>, %arg8: memref<2x128x128xf32, #tpu.memory_space<vmem>>, %arg9: memref<10240x128xf32, #tpu.memory_space<vmem_shared>>, %arg10: memref<!tpu.dma_semaphore, #tpu.memory_space<semaphore_mem>>, %arg11: memref<!tpu.dma_semaphore, #tpu.memory_space<semaphore_mem>>, %arg12: memref<!tpu.dma_semaphore, #tpu.memory_space<semaphore_mem>>, %arg13: memref<!tpu.dma_semaphore, #tpu.memory_space<semaphore_mem>>) attributes {dimension_semantics = [#tpu.dimension_semantics<core_parallel>, #tpu.dimension_semantics<subcore_parallel>], iteration_bounds = array<i64: 2, 16>, scalar_prefetch = 0 : i64, scratch_operands = 8 : i64, tpu.core_type = #tpu.core_type<sc_vector_subcore>, window_params = [{transform_indices = #map}, {transform_indices = #map}, {transform_indices = #map}, {transform_indices = #map}]} {
    %mul3A = arith.constant 2 : i32
    %mul3A_0 = arith.muli %arg1, %mul3A : i32
    %add3A = arith.addi %mul3A_0, %arg0 : i32
    %mul3A_1 = arith.constant 80 : i32
    %mul3A_2 = arith.muli %add3A, %mul3A_1 : i32
    %broadcast_in_dim3A = arith.constant 0.000000e+00 : f32
    %broadcast_in_dim3A_3 = vector.broadcast %broadcast_in_dim3A : f32 to vector<16xf32>
    %scan3A = arith.constant 0 : i32
    %scan3A_4 = arith.constant 0 : i32
    %scan3A_5 = arith.constant 128 : i32
    %scan3A_6 = arith.addi %scan3A_4, %scan3A_5 : i32
    %scan3A_7 = arith.constant 1 : i32
    scf.for %scan3A_96 = %scan3A_4 to %scan3A_6 step %scan3A_7  : i32 {
      %swap3A = arith.constant 0 : i32
      %swap3A_97 = arith.index_cast %swap3A : i32 to index
      %swap3A_98 = arith.index_cast %scan3A_96 : i32 to index
      %swap3A_99 = arith.constant 0 : index
      %swap3A_100 = tpu.vector_load %arg8[%swap3A_97, %swap3A_98, %swap3A_99] {strides = array<i32>} : memref<2x128x128xf32, #tpu.memory_space<vmem>>, vector<1x1x16xf32>,
      %swap3A_101 = vector.shape_cast %swap3A_100 : vector<1x1x16xf32> to vector<16xf32>
      %swap3A_102 = vector.shape_cast %broadcast_in_dim3A_3 : vector<16xf32> to vector<1x1x16xf32>
      tpu.vector_store %arg8[%swap3A_97, %swap3A_98, %swap3A_99], %swap3A_102 {strides = array<i32>} : memref<2x128x128xf32, #tpu.memory_space<vmem>>, vector<1x1x16xf32>,
      %swap3A_103 = arith.constant 0 : i32
      %swap3A_104 = arith.index_cast %swap3A_103 : i32 to index
      %swap3A_105 = arith.index_cast %scan3A_96 : i32 to index
      %swap3A_106 = arith.constant 16 : index
      %swap3A_107 = tpu.vector_load %arg8[%swap3A_104, %swap3A_105, %swap3A_106] {strides = array<i32>} : memref<2x128x128xf32, #tpu.memory_space<vmem>>, vector<1x1x16xf32>,
      %swap3A_108 = vector.shape_cast %swap3A_107 : vector<1x1x16xf32> to vector<16xf32>
      %swap3A_109 = vector.shape_cast %broadcast_in_dim3A_3 : vector<16xf32> to vector<1x1x16xf32>
      tpu.vector_store %arg8[%swap3A_104, %swap3A_105, %swap3A_106], %swap3A_109 {strides = array<i32>} : memref<2x128x128xf32, #tpu.memory_space<vmem>>, vector<1x1x16xf32>,
      %swap3A_110 = arith.constant 0 : i32
      %swap3A_111 = arith.index_cast %swap3A_110 : i32 to index
      %swap3A_112 = arith.index_cast %scan3A_96 : i32 to index
      %swap3A_113 = arith.constant 32 : index
      %swap3A_114 = tpu.vector_load %arg8[%swap3A_111, %swap3A_112, %swap3A_113] {strides = array<i32>} : memref<2x128x128xf32, #tpu.memory_space<vmem>>, vector<1x1x16xf32>,
      %swap3A_115 = vector.shape_cast %swap3A_114 : vector<1x1x16xf32> to vector<16xf32>
      %swap3A_116 = vector.shape_cast %broadcast_in_dim3A_3 : vector<16xf32> to vector<1x1x16xf32>
      tpu.vector_store %arg8[%swap3A_111, %swap3A_112, %swap3A_113], %swap3A_116 {strides = array<i32>} : memref<2x128x128xf32, #tpu.memory_space<vmem>>, vector<1x1x16xf32>,
      %swap3A_117 = arith.constant 0 : i32
      %swap3A_118 = arith.index_cast %swap3A_117 : i32 to index
      %swap3A_119 = arith.index_cast %scan3A_96 : i32 to index
      %swap3A_120 = arith.constant 48 : index
      %swap3A_121 = tpu.vector_load %arg8[%swap3A_118, %swap3A_119, %swap3A_120] {strides = array<i32>} : memref<2x128x128xf32, #tpu.memory_space<vmem>>, vector<1x1x16xf32>,
      %swap3A_122 = vector.shape_cast %swap3A_121 : vector<1x1x16xf32> to vector<16xf32>
      %swap3A_123 = vector.shape_cast %broadcast_in_dim3A_3 : vector<16xf32> to vector<1x1x16xf32>
      tpu.vector_store %arg8[%swap3A_118, %swap3A_119, %swap3A_120], %swap3A_123 {strides = array<i32>} : memref<2x128x128xf32, #tpu.memory_space<vmem>>, vector<1x1x16xf32>,
      %swap3A_124 = arith.constant 0 : i32
      %swap3A_125 = arith.index_cast %swap3A_124 : i32 to index
      %swap3A_126 = arith.index_cast %scan3A_96 : i32 to index
      %swap3A_127 = arith.constant 64 : index
      %swap3A_128 = tpu.vector_load %arg8[%swap3A_125, %swap3A_126, %swap3A_127] {strides = array<i32>} : memref<2x128x128xf32, #tpu.memory_space<vmem>>, vector<1x1x16xf32>,
      %swap3A_129 = vector.shape_cast %swap3A_128 : vector<1x1x16xf32> to vector<16xf32>
      %swap3A_130 = vector.shape_cast %broadcast_in_dim3A_3 : vector<16xf32> to vector<1x1x16xf32>
      tpu.vector_store %arg8[%swap3A_125, %swap3A_126, %swap3A_127], %swap3A_130 {strides = array<i32>} : memref<2x128x128xf32, #tpu.memory_space<vmem>>, vector<1x1x16xf32>,
      %swap3A_131 = arith.constant 0 : i32
      %swap3A_132 = arith.index_cast %swap3A_131 : i32 to index
      %swap3A_133 = arith.index_cast %scan3A_96 : i32 to index
      %swap3A_134 = arith.constant 80 : index
      %swap3A_135 = tpu.vector_load %arg8[%swap3A_132, %swap3A_133, %swap3A_134] {strides = array<i32>} : memref<2x128x128xf32, #tpu.memory_space<vmem>>, vector<1x1x16xf32>,
      %swap3A_136 = vector.shape_cast %swap3A_135 : vector<1x1x16xf32> to vector<16xf32>
      %swap3A_137 = vector.shape_cast %broadcast_in_dim3A_3 : vector<16xf32> to vector<1x1x16xf32>
      tpu.vector_store %arg8[%swap3A_132, %swap3A_133, %swap3A_134], %swap3A_137 {strides = array<i32>} : memref<2x128x128xf32, #tpu.memory_space<vmem>>, vector<1x1x16xf32>,
      %swap3A_138 = arith.constant 0 : i32
      %swap3A_139 = arith.index_cast %swap3A_138 : i32 to index
      %swap3A_140 = arith.index_cast %scan3A_96 : i32 to index
      %swap3A_141 = arith.constant 96 : index
      %swap3A_142 = tpu.vector_load %arg8[%swap3A_139, %swap3A_140, %swap3A_141] {strides = array<i32>} : memref<2x128x128xf32, #tpu.memory_space<vmem>>, vector<1x1x16xf32>,
      %swap3A_143 = vector.shape_cast %swap3A_142 : vector<1x1x16xf32> to vector<16xf32>
      %swap3A_144 = vector.shape_cast %broadcast_in_dim3A_3 : vector<16xf32> to vector<1x1x16xf32>
      tpu.vector_store %arg8[%swap3A_139, %swap3A_140, %swap3A_141], %swap3A_144 {strides = array<i32>} : memref<2x128x128xf32, #tpu.memory_space<vmem>>, vector<1x1x16xf32>,
      %swap3A_145 = arith.constant 0 : i32
      %swap3A_146 = arith.index_cast %swap3A_145 : i32 to index
      %swap3A_147 = arith.index_cast %scan3A_96 : i32 to index
      %swap3A_148 = arith.constant 112 : index
      %swap3A_149 = tpu.vector_load %arg8[%swap3A_146, %swap3A_147, %swap3A_148] {strides = array<i32>} : memref<2x128x128xf32, #tpu.memory_space<vmem>>, vector<1x1x16xf32>,
      %swap3A_150 = vector.shape_cast %swap3A_149 : vector<1x1x16xf32> to vector<16xf32>
      %swap3A_151 = vector.shape_cast %broadcast_in_dim3A_3 : vector<16xf32> to vector<1x1x16xf32>
      tpu.vector_store %arg8[%swap3A_146, %swap3A_147, %swap3A_148], %swap3A_151 {strides = array<i32>} : memref<2x128x128xf32, #tpu.memory_space<vmem>>, vector<1x1x16xf32>,
    }
    %scan3A_8 = arith.constant 128 : i32
    %mul3A_9 = arith.constant 640 : i32
    %mul3A_10 = arith.muli %arg1, %mul3A_9 : i32
    %add3A_11 = arith.constant 0 : i32
    %add3A_12 = arith.addi %mul3A_10, %add3A_11 : i32
    %run_scoped3A = arith.constant 0 : i32
    "tpu.region"() ({
      %run_scoped3A_96 = tpu.sem_alloc : memref<!tpu.dma_semaphore, #tpu.memory_space<semaphore_mem>>
      %dma_start3A = arith.constant 0 : i32
      %dma_start3A_97 = arith.constant 0 : i32
      %dma_start3A_98 = tpu.memref_slice %arg8[%run_scoped3A, %dma_start3A, %dma_start3A_97] : memref<2x128x128xf32, #tpu.memory_space<vmem>> -> memref<1x128x128xf32, #tpu.memory_space<vmem>>
      %dma_start3A_99 = tpu.memref_squeeze %dma_start3A_98 : memref<1x128x128xf32, #tpu.memory_space<vmem>> -> memref<128x128xf32, #tpu.memory_space<vmem>>
      %dma_start3A_100 = arith.constant 0 : i32
      %dma_start3A_101 = tpu.memref_slice %arg9[%add3A_12, %dma_start3A_100] : memref<10240x128xf32, #tpu.memory_space<vmem_shared>> -> memref<128x128xf32, #tpu.memory_space<vmem_shared>>
      %dma_start3A_102 = arith.constant 0 : i32
      %dma_start3A_103 = tpu.memref_slice %arg9[%add3A_12, %dma_start3A_102] : memref<10240x128xf32, #tpu.memory_space<vmem_shared>> -> memref<128x128xf32, #tpu.memory_space<vmem_shared>>
      %dma_start3A_104 = arith.constant 0 : i32
      %dma_start3A_105 = arith.constant 0 : i32
      %dma_start3A_106 = tpu.memref_slice %arg8[%run_scoped3A, %dma_start3A_104, %dma_start3A_105] : memref<2x128x128xf32, #tpu.memory_space<vmem>> -> memref<1x128x128xf32, #tpu.memory_space<vmem>>
      %dma_start3A_107 = tpu.memref_squeeze %dma_start3A_106 : memref<1x128x128xf32, #tpu.memory_space<vmem>> -> memref<128x128xf32, #tpu.memory_space<vmem>>
      tpu.enqueue_dma source(%dma_start3A_107 : memref<128x128xf32, #tpu.memory_space<vmem>>) target(%dma_start3A_103 : memref<128x128xf32, #tpu.memory_space<vmem_shared>>) target_semaphore(%run_scoped3A_96 : memref<!tpu.dma_semaphore, #tpu.memory_space<semaphore_mem>>)
      %dma_wait3A_108 = arith.constant 0 : i32
      %dma_wait3A_109 = arith.constant 0 : i32
      %dma_wait3A_110 = tpu.memref_slice %arg8[%run_scoped3A, %dma_wait3A_108, %dma_wait3A_109] : memref<2x128x128xf32, #tpu.memory_space<vmem>> -> memref<1x128x128xf32, #tpu.memory_space<vmem>>
      %dma_wait3A_111 = tpu.memref_squeeze %dma_wait3A_110 : memref<1x128x128xf32, #tpu.memory_space<vmem>> -> memref<128x128xf32, #tpu.memory_space<vmem>>
      %dma_wait3A_112 = arith.constant 0 : i32
      %dma_wait3A_113 = tpu.memref_slice %arg9[%add3A_12, %dma_wait3A_112] : memref<10240x128xf32, #tpu.memory_space<vmem_shared>> -> memref<128x128xf32, #tpu.memory_space<vmem_shared>>
      %dma_wait3A_114 = arith.constant 0 : i32
      %dma_wait3A_115 = tpu.memref_slice %arg9[%add3A_12, %dma_wait3A_114] : memref<10240x128xf32, #tpu.memory_space<vmem_shared>> -> memref<128x128xf32, #tpu.memory_space<vmem_shared>>
      %dma_wait3A_116 = arith.constant 0 : i32
      %dma_wait3A_117 = arith.constant 0 : i32
      %dma_wait3A_118 = tpu.memref_slice %arg8[%run_scoped3A, %dma_wait3A_116, %dma_wait3A_117] : memref<2x128x128xf32, #tpu.memory_space<vmem>> -> memref<1x128x128xf32, #tpu.memory_space<vmem>>
      %dma_wait3A_119 = tpu.memref_squeeze %dma_wait3A_118 : memref<1x128x128xf32, #tpu.memory_space<vmem>> -> memref<128x128xf32, #tpu.memory_space<vmem>>
      tpu.wait_dma2 semaphore(%run_scoped3A_96 : memref<!tpu.dma_semaphore, #tpu.memory_space<semaphore_mem>>) src(%dma_wait3A_119 : memref<128x128xf32, #tpu.memory_space<vmem>>) dst(%dma_wait3A_115 : memref<128x128xf32, #tpu.memory_space<vmem_shared>>)
      tpu.yield
    }) : () -> ()
    %add3A_13 = arith.constant 128 : i32
    %add3A_14 = arith.addi %mul3A_10, %add3A_13 : i32
    %run_scoped3A_15 = arith.constant 0 : i32
    "tpu.region"() ({
      %run_scoped3A_96 = tpu.sem_alloc : memref<!tpu.dma_semaphore, #tpu.memory_space<semaphore_mem>>
      %dma_start3A = arith.constant 0 : i32
      %dma_start3A_97 = arith.constant 0 : i32
      %dma_start3A_98 = tpu.memref_slice %arg8[%run_scoped3A_15, %dma_start3A, %dma_start3A_97] : memref<2x128x128xf32, #tpu.memory_space<vmem>> -> memref<1x128x128xf32, #tpu.memory_space<vmem>>
      %dma_start3A_99 = tpu.memref_squeeze %dma_start3A_98 : memref<1x128x128xf32, #tpu.memory_space<vmem>> -> memref<128x128xf32, #tpu.memory_space<vmem>>
      %dma_start3A_100 = arith.constant 0 : i32
      %dma_start3A_101 = tpu.memref_slice %arg9[%add3A_14, %dma_start3A_100] : memref<10240x128xf32, #tpu.memory_space<vmem_shared>> -> memref<128x128xf32, #tpu.memory_space<vmem_shared>>
      %dma_start3A_102 = arith.constant 0 : i32
      %dma_start3A_103 = tpu.memref_slice %arg9[%add3A_14, %dma_start3A_102] : memref<10240x128xf32, #tpu.memory_space<vmem_shared>> -> memref<128x128xf32, #tpu.memory_space<vmem_shared>>
      %dma_start3A_104 = arith.constant 0 : i32
      %dma_start3A_105 = arith.constant 0 : i32
      %dma_start3A_106 = tpu.memref_slice %arg8[%run_scoped3A_15, %dma_start3A_104, %dma_start3A_105] : memref<2x128x128xf32, #tpu.memory_space<vmem>> -> memref<1x128x128xf32, #tpu.memory_space<vmem>>
      %dma_start3A_107 = tpu.memref_squeeze %dma_start3A_106 : memref<1x128x128xf32, #tpu.memory_space<vmem>> -> memref<128x128xf32, #tpu.memory_space<vmem>>
      tpu.enqueue_dma source(%dma_start3A_107 : memref<128x128xf32, #tpu.memory_space<vmem>>) target(%dma_start3A_103 : memref<128x128xf32, #tpu.memory_space<vmem_shared>>) target_semaphore(%run_scoped3A_96 : memref<!tpu.dma_semaphore, #tpu.memory_space<semaphore_mem>>)
      %dma_wait3A_108 = arith.constant 0 : i32
      %dma_wait3A_109 = arith.constant 0 : i32
      %dma_wait3A_110 = tpu.memref_slice %arg8[%run_scoped3A_15, %dma_wait3A_108, %dma_wait3A_109] : memref<2x128x128xf32, #tpu.memory_space<vmem>> -> memref<1x128x128xf32, #tpu.memory_space<vmem>>
      %dma_wait3A_111 = tpu.memref_squeeze %dma_wait3A_110 : memref<1x128x128xf32, #tpu.memory_space<vmem>> -> memref<128x128xf32, #tpu.memory_space<vmem>>
      %dma_wait3A_112 = arith.constant 0 : i32
      %dma_wait3A_113 = tpu.memref_slice %arg9[%add3A_14, %dma_wait3A_112] : memref<10240x128xf32, #tpu.memory_space<vmem_shared>> -> memref<128x128xf32, #tpu.memory_space<vmem_shared>>
      %dma_wait3A_114 = arith.constant 0 : i32
      %dma_wait3A_115 = tpu.memref_slice %arg9[%add3A_14, %dma_wait3A_114] : memref<10240x128xf32, #tpu.memory_space<vmem_shared>> -> memref<128x128xf32, #tpu.memory_space<vmem_shared>>
      %dma_wait3A_116 = arith.constant 0 : i32
      %dma_wait3A_117 = arith.constant 0 : i32
      %dma_wait3A_118 = tpu.memref_slice %arg8[%run_scoped3A_15, %dma_wait3A_116, %dma_wait3A_117] : memref<2x128x128xf32, #tpu.memory_space<vmem>> -> memref<1x128x128xf32, #tpu.memory_space<vmem>>
      %dma_wait3A_119 = tpu.memref_squeeze %dma_wait3A_118 : memref<1x128x128xf32, #tpu.memory_space<vmem>> -> memref<128x128xf32, #tpu.memory_space<vmem>>
      tpu.wait_dma2 semaphore(%run_scoped3A_96 : memref<!tpu.dma_semaphore, #tpu.memory_space<semaphore_mem>>) src(%dma_wait3A_119 : memref<128x128xf32, #tpu.memory_space<vmem>>) dst(%dma_wait3A_115 : memref<128x128xf32, #tpu.memory_space<vmem_shared>>)
      tpu.yield
    }) : () -> ()
    %add3A_16 = arith.constant 256 : i32
    %add3A_17 = arith.addi %mul3A_10, %add3A_16 : i32
    %run_scoped3A_18 = arith.constant 0 : i32
    "tpu.region"() ({
      %run_scoped3A_96 = tpu.sem_alloc : memref<!tpu.dma_semaphore, #tpu.memory_space<semaphore_mem>>
      %dma_start3A = arith.constant 0 : i32
      %dma_start3A_97 = arith.constant 0 : i32
      %dma_start3A_98 = tpu.memref_slice %arg8[%run_scoped3A_18, %dma_start3A, %dma_start3A_97] : memref<2x128x128xf32, #tpu.memory_space<vmem>> -> memref<1x128x128xf32, #tpu.memory_space<vmem>>
      %dma_start3A_99 = tpu.memref_squeeze %dma_start3A_98 : memref<1x128x128xf32, #tpu.memory_space<vmem>> -> memref<128x128xf32, #tpu.memory_space<vmem>>
      %dma_start3A_100 = arith.constant 0 : i32
      %dma_start3A_101 = tpu.memref_slice %arg9[%add3A_17, %dma_start3A_100] : memref<10240x128xf32, #tpu.memory_space<vmem_shared>> -> memref<128x128xf32, #tpu.memory_space<vmem_shared>>
      %dma_start3A_102 = arith.constant 0 : i32
      %dma_start3A_103 = tpu.memref_slice %arg9[%add3A_17, %dma_start3A_102] : memref<10240x128xf32, #tpu.memory_space<vmem_shared>> -> memref<128x128xf32, #tpu.memory_space<vmem_shared>>
      %dma_start3A_104 = arith.constant 0 : i32
      %dma_start3A_105 = arith.constant 0 : i32
      %dma_start3A_106 = tpu.memref_slice %arg8[%run_scoped3A_18, %dma_start3A_104, %dma_start3A_105] : memref<2x128x128xf32, #tpu.memory_space<vmem>> -> memref<1x128x128xf32, #tpu.memory_space<vmem>>
      %dma_start3A_107 = tpu.memref_squeeze %dma_start3A_106 : memref<1x128x128xf32, #tpu.memory_space<vmem>> -> memref<128x128xf32, #tpu.memory_space<vmem>>
      tpu.enqueue_dma source(%dma_start3A_107 : memref<128x128xf32, #tpu.memory_space<vmem>>) target(%dma_start3A_103 : memref<128x128xf32, #tpu.memory_space<vmem_shared>>) target_semaphore(%run_scoped3A_96 : memref<!tpu.dma_semaphore, #tpu.memory_space<semaphore_mem>>)
      %dma_wait3A_108 = arith.constant 0 : i32
      %dma_wait3A_109 = arith.constant 0 : i32
      %dma_wait3A_110 = tpu.memref_slice %arg8[%run_scoped3A_18, %dma_wait3A_108, %dma_wait3A_109] : memref<2x128x128xf32, #tpu.memory_space<vmem>> -> memref<1x128x128xf32, #tpu.memory_space<vmem>>
      %dma_wait3A_111 = tpu.memref_squeeze %dma_wait3A_110 : memref<1x128x128xf32, #tpu.memory_space<vmem>> -> memref<128x128xf32, #tpu.memory_space<vmem>>
      %dma_wait3A_112 = arith.constant 0 : i32
      %dma_wait3A_113 = tpu.memref_slice %arg9[%add3A_17, %dma_wait3A_112] : memref<10240x128xf32, #tpu.memory_space<vmem_shared>> -> memref<128x128xf32, #tpu.memory_space<vmem_shared>>
      %dma_wait3A_114 = arith.constant 0 : i32
      %dma_wait3A_115 = tpu.memref_slice %arg9[%add3A_17, %dma_wait3A_114] : memref<10240x128xf32, #tpu.memory_space<vmem_shared>> -> memref<128x128xf32, #tpu.memory_space<vmem_shared>>
      %dma_wait3A_116 = arith.constant 0 : i32
      %dma_wait3A_117 = arith.constant 0 : i32
      %dma_wait3A_118 = tpu.memref_slice %arg8[%run_scoped3A_18, %dma_wait3A_116, %dma_wait3A_117] : memref<2x128x128xf32, #tpu.memory_space<vmem>> -> memref<1x128x128xf32, #tpu.memory_space<vmem>>
      %dma_wait3A_119 = tpu.memref_squeeze %dma_wait3A_118 : memref<1x128x128xf32, #tpu.memory_space<vmem>> -> memref<128x128xf32, #tpu.memory_space<vmem>>
      tpu.wait_dma2 semaphore(%run_scoped3A_96 : memref<!tpu.dma_semaphore, #tpu.memory_space<semaphore_mem>>) src(%dma_wait3A_119 : memref<128x128xf32, #tpu.memory_space<vmem>>) dst(%dma_wait3A_115 : memref<128x128xf32, #tpu.memory_space<vmem_shared>>)
      tpu.yield
    }) : () -> ()
    %add3A_19 = arith.constant 384 : i32
    %add3A_20 = arith.addi %mul3A_10, %add3A_19 : i32
    %run_scoped3A_21 = arith.constant 0 : i32
    "tpu.region"() ({
      %run_scoped3A_96 = tpu.sem_alloc : memref<!tpu.dma_semaphore, #tpu.memory_space<semaphore_mem>>
      %dma_start3A = arith.constant 0 : i32
      %dma_start3A_97 = arith.constant 0 : i32
      %dma_start3A_98 = tpu.memref_slice %arg8[%run_scoped3A_21, %dma_start3A, %dma_start3A_97] : memref<2x128x128xf32, #tpu.memory_space<vmem>> -> memref<1x128x128xf32, #tpu.memory_space<vmem>>
      %dma_start3A_99 = tpu.memref_squeeze %dma_start3A_98 : memref<1x128x128xf32, #tpu.memory_space<vmem>> -> memref<128x128xf32, #tpu.memory_space<vmem>>
      %dma_start3A_100 = arith.constant 0 : i32
      %dma_start3A_101 = tpu.memref_slice %arg9[%add3A_20, %dma_start3A_100] : memref<10240x128xf32, #tpu.memory_space<vmem_shared>> -> memref<128x128xf32, #tpu.memory_space<vmem_shared>>
      %dma_start3A_102 = arith.constant 0 : i32
      %dma_start3A_103 = tpu.memref_slice %arg9[%add3A_20, %dma_start3A_102] : memref<10240x128xf32, #tpu.memory_space<vmem_shared>> -> memref<128x128xf32, #tpu.memory_space<vmem_shared>>
      %dma_start3A_104 = arith.constant 0 : i32
      %dma_start3A_105 = arith.constant 0 : i32
      %dma_start3A_106 = tpu.memref_slice %arg8[%run_scoped3A_21, %dma_start3A_104, %dma_start3A_105] : memref<2x128x128xf32, #tpu.memory_space<vmem>> -> memref<1x128x128xf32, #tpu.memory_space<vmem>>
      %dma_start3A_107 = tpu.memref_squeeze %dma_start3A_106 : memref<1x128x128xf32, #tpu.memory_space<vmem>> -> memref<128x128xf32, #tpu.memory_space<vmem>>
      tpu.enqueue_dma source(%dma_start3A_107 : memref<128x128xf32, #tpu.memory_space<vmem>>) target(%dma_start3A_103 : memref<128x128xf32, #tpu.memory_space<vmem_shared>>) target_semaphore(%run_scoped3A_96 : memref<!tpu.dma_semaphore, #tpu.memory_space<semaphore_mem>>)
      %dma_wait3A_108 = arith.constant 0 : i32
      %dma_wait3A_109 = arith.constant 0 : i32
      %dma_wait3A_110 = tpu.memref_slice %arg8[%run_scoped3A_21, %dma_wait3A_108, %dma_wait3A_109] : memref<2x128x128xf32, #tpu.memory_space<vmem>> -> memref<1x128x128xf32, #tpu.memory_space<vmem>>
      %dma_wait3A_111 = tpu.memref_squeeze %dma_wait3A_110 : memref<1x128x128xf32, #tpu.memory_space<vmem>> -> memref<128x128xf32, #tpu.memory_space<vmem>>
      %dma_wait3A_112 = arith.constant 0 : i32
      %dma_wait3A_113 = tpu.memref_slice %arg9[%add3A_20, %dma_wait3A_112] : memref<10240x128xf32, #tpu.memory_space<vmem_shared>> -> memref<128x128xf32, #tpu.memory_space<vmem_shared>>
      %dma_wait3A_114 = arith.constant 0 : i32
      %dma_wait3A_115 = tpu.memref_slice %arg9[%add3A_20, %dma_wait3A_114] : memref<10240x128xf32, #tpu.memory_space<vmem_shared>> -> memref<128x128xf32, #tpu.memory_space<vmem_shared>>
      %dma_wait3A_116 = arith.constant 0 : i32
      %dma_wait3A_117 = arith.constant 0 : i32
      %dma_wait3A_118 = tpu.memref_slice %arg8[%run_scoped3A_21, %dma_wait3A_116, %dma_wait3A_117] : memref<2x128x128xf32, #tpu.memory_space<vmem>> -> memref<1x128x128xf32, #tpu.memory_space<vmem>>
      %dma_wait3A_119 = tpu.memref_squeeze %dma_wait3A_118 : memref<1x128x128xf32, #tpu.memory_space<vmem>> -> memref<128x128xf32, #tpu.memory_space<vmem>>
      tpu.wait_dma2 semaphore(%run_scoped3A_96 : memref<!tpu.dma_semaphore, #tpu.memory_space<semaphore_mem>>) src(%dma_wait3A_119 : memref<128x128xf32, #tpu.memory_space<vmem>>) dst(%dma_wait3A_115 : memref<128x128xf32, #tpu.memory_space<vmem_shared>>)
      tpu.yield
    }) : () -> ()
    %add3A_22 = arith.constant 512 : i32
    %add3A_23 = arith.addi %mul3A_10, %add3A_22 : i32
    %run_scoped3A_24 = arith.constant 0 : i32
    "tpu.region"() ({
      %run_scoped3A_96 = tpu.sem_alloc : memref<!tpu.dma_semaphore, #tpu.memory_space<semaphore_mem>>
      %dma_start3A = arith.constant 0 : i32
      %dma_start3A_97 = arith.constant 0 : i32
      %dma_start3A_98 = tpu.memref_slice %arg8[%run_scoped3A_24, %dma_start3A, %dma_start3A_97] : memref<2x128x128xf32, #tpu.memory_space<vmem>> -> memref<1x128x128xf32, #tpu.memory_space<vmem>>
      %dma_start3A_99 = tpu.memref_squeeze %dma_start3A_98 : memref<1x128x128xf32, #tpu.memory_space<vmem>> -> memref<128x128xf32, #tpu.memory_space<vmem>>
      %dma_start3A_100 = arith.constant 0 : i32
      %dma_start3A_101 = tpu.memref_slice %arg9[%add3A_23, %dma_start3A_100] : memref<10240x128xf32, #tpu.memory_space<vmem_shared>> -> memref<128x128xf32, #tpu.memory_space<vmem_shared>>
      %dma_start3A_102 = arith.constant 0 : i32
      %dma_start3A_103 = tpu.memref_slice %arg9[%add3A_23, %dma_start3A_102] : memref<10240x128xf32, #tpu.memory_space<vmem_shared>> -> memref<128x128xf32, #tpu.memory_space<vmem_shared>>
      %dma_start3A_104 = arith.constant 0 : i32
      %dma_start3A_105 = arith.constant 0 : i32
      %dma_start3A_106 = tpu.memref_slice %arg8[%run_scoped3A_24, %dma_start3A_104, %dma_start3A_105] : memref<2x128x128xf32, #tpu.memory_space<vmem>> -> memref<1x128x128xf32, #tpu.memory_space<vmem>>
      %dma_start3A_107 = tpu.memref_squeeze %dma_start3A_106 : memref<1x128x128xf32, #tpu.memory_space<vmem>> -> memref<128x128xf32, #tpu.memory_space<vmem>>
      tpu.enqueue_dma source(%dma_start3A_107 : memref<128x128xf32, #tpu.memory_space<vmem>>) target(%dma_start3A_103 : memref<128x128xf32, #tpu.memory_space<vmem_shared>>) target_semaphore(%run_scoped3A_96 : memref<!tpu.dma_semaphore, #tpu.memory_space<semaphore_mem>>)
      %dma_wait3A_108 = arith.constant 0 : i32
      %dma_wait3A_109 = arith.constant 0 : i32
      %dma_wait3A_110 = tpu.memref_slice %arg8[%run_scoped3A_24, %dma_wait3A_108, %dma_wait3A_109] : memref<2x128x128xf32, #tpu.memory_space<vmem>> -> memref<1x128x128xf32, #tpu.memory_space<vmem>>
      %dma_wait3A_111 = tpu.memref_squeeze %dma_wait3A_110 : memref<1x128x128xf32, #tpu.memory_space<vmem>> -> memref<128x128xf32, #tpu.memory_space<vmem>>
      %dma_wait3A_112 = arith.constant 0 : i32
      %dma_wait3A_113 = tpu.memref_slice %arg9[%add3A_23, %dma_wait3A_112] : memref<10240x128xf32, #tpu.memory_space<vmem_shared>> -> memref<128x128xf32, #tpu.memory_space<vmem_shared>>
      %dma_wait3A_114 = arith.constant 0 : i32
      %dma_wait3A_115 = tpu.memref_slice %arg9[%add3A_23, %dma_wait3A_114] : memref<10240x128xf32, #tpu.memory_space<vmem_shared>> -> memref<128x128xf32, #tpu.memory_space<vmem_shared>>
      %dma_wait3A_116 = arith.constant 0 : i32
      %dma_wait3A_117 = arith.constant 0 : i32
      %dma_wait3A_118 = tpu.memref_slice %arg8[%run_scoped3A_24, %dma_wait3A_116, %dma_wait3A_117] : memref<2x128x128xf32, #tpu.memory_space<vmem>> -> memref<1x128x128xf32, #tpu.memory_space<vmem>>
      %dma_wait3A_119 = tpu.memref_squeeze %dma_wait3A_118 : memref<1x128x128xf32, #tpu.memory_space<vmem>> -> memref<128x128xf32, #tpu.memory_space<vmem>>
      tpu.wait_dma2 semaphore(%run_scoped3A_96 : memref<!tpu.dma_semaphore, #tpu.memory_space<semaphore_mem>>) src(%dma_wait3A_119 : memref<128x128xf32, #tpu.memory_space<vmem>>) dst(%dma_wait3A_115 : memref<128x128xf32, #tpu.memory_space<vmem_shared>>)
      tpu.yield
    }) : () -> ()
    %barrier3A = arith.constant 0 : index
    tpu.barrier barrier_id(%barrier3A)
    %add3A_25 = arith.constant 0 : i32
    %add3A_26 = arith.addi %mul3A_2, %add3A_25 : i32
    "tpu.region"() ({
      %run_scoped3A_96 = tpu.sem_alloc : memref<!tpu.dma_semaphore, #tpu.memory_space<semaphore_mem>>
      %dma_start3A = arith.constant 0 : i32
      %dma_start3A_97 = tpu.memref_slice %arg3[%add3A_26, %dma_start3A] : memref<2560x128xi32, #tpu.memory_space<hbm>> -> memref<40x128xi32, #tpu.memory_space<hbm>>
      %dma_start3A_98 = arith.constant 0 : i32
      %dma_start3A_99 = tpu.memref_slice %arg3[%add3A_26, %dma_start3A_98] : memref<2560x128xi32, #tpu.memory_space<hbm>> -> memref<40x128xi32, #tpu.memory_space<hbm>>
      tpu.enqueue_dma source(%dma_start3A_99 : memref<40x128xi32, #tpu.memory_space<hbm>>) target(%arg6 : memref<40x128xi32, #tpu.memory_space<vmem>>) target_semaphore(%run_scoped3A_96 : memref<!tpu.dma_semaphore, #tpu.memory_space<semaphore_mem>>)
      %dma_wait3A_100 = arith.constant 0 : i32
      %dma_wait3A_101 = tpu.memref_slice %arg3[%add3A_26, %dma_wait3A_100] : memref<2560x128xi32, #tpu.memory_space<hbm>> -> memref<40x128xi32, #tpu.memory_space<hbm>>
      %dma_wait3A_102 = arith.constant 0 : i32
      %dma_wait3A_103 = tpu.memref_slice %arg3[%add3A_26, %dma_wait3A_102] : memref<2560x128xi32, #tpu.memory_space<hbm>> -> memref<40x128xi32, #tpu.memory_space<hbm>>
      tpu.wait_dma2 semaphore(%run_scoped3A_96 : memref<!tpu.dma_semaphore, #tpu.memory_space<semaphore_mem>>) src(%dma_wait3A_103 : memref<40x128xi32, #tpu.memory_space<hbm>>) dst(%arg6 : memref<40x128xi32, #tpu.memory_space<vmem>>)
      tpu.yield
    }) : () -> ()
    %add3A_27 = arith.constant 0 : i32
    %add3A_28 = arith.addi %mul3A_2, %add3A_27 : i32
    "tpu.region"() ({
      %run_scoped3A_96 = tpu.sem_alloc : memref<!tpu.dma_semaphore, #tpu.memory_space<semaphore_mem>>
      %dma_start3A = arith.constant 0 : i32
      %dma_start3A_97 = tpu.memref_slice %arg4[%add3A_28, %dma_start3A] : memref<2560x128xi32, #tpu.memory_space<hbm>> -> memref<40x128xi32, #tpu.memory_space<hbm>>
      %dma_start3A_98 = arith.constant 0 : i32
      %dma_start3A_99 = tpu.memref_slice %arg4[%add3A_28, %dma_start3A_98] : memref<2560x128xi32, #tpu.memory_space<hbm>> -> memref<40x128xi32, #tpu.memory_space<hbm>>
      tpu.enqueue_dma source(%dma_start3A_99 : memref<40x128xi32, #tpu.memory_space<hbm>>) target(%arg7 : memref<40x128xi32, #tpu.memory_space<vmem>>) target_semaphore(%run_scoped3A_96 : memref<!tpu.dma_semaphore, #tpu.memory_space<semaphore_mem>>)
      %dma_wait3A_100 = arith.constant 0 : i32
      %dma_wait3A_101 = tpu.memref_slice %arg4[%add3A_28, %dma_wait3A_100] : memref<2560x128xi32, #tpu.memory_space<hbm>> -> memref<40x128xi32, #tpu.memory_space<hbm>>
      %dma_wait3A_102 = arith.constant 0 : i32
      %dma_wait3A_103 = tpu.memref_slice %arg4[%add3A_28, %dma_wait3A_102] : memref<2560x128xi32, #tpu.memory_space<hbm>> -> memref<40x128xi32, #tpu.memory_space<hbm>>
      tpu.wait_dma2 semaphore(%run_scoped3A_96 : memref<!tpu.dma_semaphore, #tpu.memory_space<semaphore_mem>>) src(%dma_wait3A_103 : memref<40x128xi32, #tpu.memory_space<hbm>>) dst(%arg7 : memref<40x128xi32, #tpu.memory_space<vmem>>)
      tpu.yield
    }) : () -> ()
    %scan3A_29 = arith.constant 0 : i32
    %scan3A_30 = arith.constant 0 : i32
    %scan3A_31 = arith.constant 20 : i32
    %scan3A_32 = arith.addi %scan3A_30, %scan3A_31 : i32
    %scan3A_33 = arith.constant 1 : i32
    scf.for %scan3A_96 = %scan3A_30 to %scan3A_32 step %scan3A_33  : i32 {
      %mul3A_97 = arith.constant 2 : i32
      %mul3A_98 = arith.muli %scan3A_96, %mul3A_97 : i32
      %gt3A = arith.constant 0 : i32
      %gt3A_99 = arith.cmpi sgt, %scan3A_96, %gt3A : i32
      %convert_element_type3A = arith.extui %gt3A_99 : i1 to i32
      %cond3A = arith.constant 0 : i32
      %cond3A_100 = arith.cmpi ne, %convert_element_type3A, %cond3A : i32
      scf.if %cond3A_100 {
        %sub3A = arith.constant 2 : i32
        %sub3A_174 = arith.subi %mul3A_98, %sub3A : i32
        %add3A_175 = arith.constant 0 : i32
        %add3A_176 = arith.addi %sub3A_174, %add3A_175 : i32
        %dma_wait3A_177 = arith.constant 0 : i32
        %dma_wait3A_178 = arith.constant 0 : i32
        %dma_wait3A_179 = arith.constant 0 : i32
        %dma_wait3A_180 = tpu.memref_slice %arg8[%dma_wait3A_177, %dma_wait3A_178, %dma_wait3A_179] : memref<2x128x128xf32, #tpu.memory_space<vmem>> -> memref<1x128x128xf32, #tpu.memory_space<vmem>>
        %dma_wait3A_181 = tpu.memref_squeeze %dma_wait3A_180 : memref<1x128x128xf32, #tpu.memory_space<vmem>> -> memref<128x128xf32, #tpu.memory_space<vmem>>
        %dma_wait3A_182 = arith.constant 0 : i32
        %dma_wait3A_183 = tpu.memref_slice %arg7[%add3A_176, %dma_wait3A_182] : memref<40x128xi32, #tpu.memory_space<vmem>> -> memref<1x128xi32, #tpu.memory_space<vmem>>
        %dma_wait3A_184 = tpu.memref_squeeze %dma_wait3A_183 : memref<1x128xi32, #tpu.memory_space<vmem>> -> memref<128xi32, #tpu.memory_space<vmem>>
        %dma_wait3A_185 = arith.constant 0 : i32
        %dma_wait3A_186 = arith.constant 0 : i32
        %dma_wait3A_187 = tpu.memref_slice %arg9[%dma_wait3A_185, %dma_wait3A_186] : memref<10240x128xf32, #tpu.memory_space<vmem_shared>> -> memref<10240x128xf32, #tpu.memory_space<vmem_shared>>
        tpu.wait_indirect_dma semaphore(%arg12 : memref<!tpu.dma_semaphore, #tpu.memory_space<semaphore_mem>>) src(%dma_wait3A_181 : memref<128x128xf32, #tpu.memory_space<vmem>>) dst(%dma_wait3A_187 : memref<10240x128xf32, #tpu.memory_space<vmem_shared>>)
        %sub3A_188 = arith.constant 2 : i32
        %sub3A_189 = arith.subi %mul3A_98, %sub3A_188 : i32
        %add3A_190 = arith.constant 1 : i32
        %add3A_191 = arith.addi %sub3A_189, %add3A_190 : i32
        %dma_wait3A_192 = arith.constant 1 : i32
        %dma_wait3A_193 = arith.constant 0 : i32
        %dma_wait3A_194 = arith.constant 0 : i32
        %dma_wait3A_195 = tpu.memref_slice %arg8[%dma_wait3A_192, %dma_wait3A_193, %dma_wait3A_194] : memref<2x128x128xf32, #tpu.memory_space<vmem>> -> memref<1x128x128xf32, #tpu.memory_space<vmem>>
        %dma_wait3A_196 = tpu.memref_squeeze %dma_wait3A_195 : memref<1x128x128xf32, #tpu.memory_space<vmem>> -> memref<128x128xf32, #tpu.memory_space<vmem>>
        %dma_wait3A_197 = arith.constant 0 : i32
        %dma_wait3A_198 = tpu.memref_slice %arg7[%add3A_191, %dma_wait3A_197] : memref<40x128xi32, #tpu.memory_space<vmem>> -> memref<1x128xi32, #tpu.memory_space<vmem>>
        %dma_wait3A_199 = tpu.memref_squeeze %dma_wait3A_198 : memref<1x128xi32, #tpu.memory_space<vmem>> -> memref<128xi32, #tpu.memory_space<vmem>>
        %dma_wait3A_200 = arith.constant 0 : i32
        %dma_wait3A_201 = arith.constant 0 : i32
        %dma_wait3A_202 = tpu.memref_slice %arg9[%dma_wait3A_200, %dma_wait3A_201] : memref<10240x128xf32, #tpu.memory_space<vmem_shared>> -> memref<10240x128xf32, #tpu.memory_space<vmem_shared>>
        tpu.wait_indirect_dma semaphore(%arg13 : memref<!tpu.dma_semaphore, #tpu.memory_space<semaphore_mem>>) src(%dma_wait3A_196 : memref<128x128xf32, #tpu.memory_space<vmem>>) dst(%dma_wait3A_202 : memref<10240x128xf32, #tpu.memory_space<vmem_shared>>)
      } else {
      }
      %add3A_101 = arith.constant 0 : i32
      %add3A_102 = arith.addi %mul3A_98, %add3A_101 : i32
      %dma_start3A = arith.constant 0 : i32
      %dma_start3A_103 = arith.constant 0 : i32
      %dma_start3A_104 = arith.constant 0 : i32
      %dma_start3A_105 = tpu.memref_slice %arg8[%dma_start3A, %dma_start3A_103, %dma_start3A_104] : memref<2x128x128xf32, #tpu.memory_space<vmem>> -> memref<1x128x128xf32, #tpu.memory_space<vmem>>
      %dma_start3A_106 = tpu.memref_squeeze %dma_start3A_105 : memref<1x128x128xf32, #tpu.memory_space<vmem>> -> memref<128x128xf32, #tpu.memory_space<vmem>>
      %dma_start3A_107 = arith.constant 0 : i32
      %dma_start3A_108 = tpu.memref_slice %arg6[%add3A_102, %dma_start3A_107] : memref<40x128xi32, #tpu.memory_space<vmem>> -> memref<1x128xi32, #tpu.memory_space<vmem>>
      %dma_start3A_109 = tpu.memref_squeeze %dma_start3A_108 : memref<1x128xi32, #tpu.memory_space<vmem>> -> memref<128xi32, #tpu.memory_space<vmem>>
      %dma_start3A_110 = arith.constant 0 : i32
      %dma_start3A_111 = arith.constant 0 : i32
      %dma_start3A_112 = tpu.memref_slice %arg2[%dma_start3A_110, %dma_start3A_111] : memref<10000x128xf32, #tpu.memory_space<hbm>> -> memref<10000x128xf32, #tpu.memory_space<hbm>>
      tpu.enqueue_indirect_dma source(%dma_start3A_112 : memref<10000x128xf32, #tpu.memory_space<hbm>>) target(%dma_start3A_106 : memref<128x128xf32, #tpu.memory_space<vmem>>) offsets(%dma_start3A_109 : memref<128xi32, #tpu.memory_space<vmem>>) semaphore(%arg10 : memref<!tpu.dma_semaphore, #tpu.memory_space<semaphore_mem>>)
      %add3A_113 = arith.constant 1 : i32
      %add3A_114 = arith.addi %mul3A_98, %add3A_113 : i32
      %dma_start3A_115 = arith.constant 1 : i32
      %dma_start3A_116 = arith.constant 0 : i32
      %dma_start3A_117 = arith.constant 0 : i32
      %dma_start3A_118 = tpu.memref_slice %arg8[%dma_start3A_115, %dma_start3A_116, %dma_start3A_117] : memref<2x128x128xf32, #tpu.memory_space<vmem>> -> memref<1x128x128xf32, #tpu.memory_space<vmem>>
      %dma_start3A_119 = tpu.memref_squeeze %dma_start3A_118 : memref<1x128x128xf32, #tpu.memory_space<vmem>> -> memref<128x128xf32, #tpu.memory_space<vmem>>
      %dma_start3A_120 = arith.constant 0 : i32
      %dma_start3A_121 = tpu.memref_slice %arg6[%add3A_114, %dma_start3A_120] : memref<40x128xi32, #tpu.memory_space<vmem>> -> memref<1x128xi32, #tpu.memory_space<vmem>>
      %dma_start3A_122 = tpu.memref_squeeze %dma_start3A_121 : memref<1x128xi32, #tpu.memory_space<vmem>> -> memref<128xi32, #tpu.memory_space<vmem>>
      %dma_start3A_123 = arith.constant 0 : i32
      %dma_start3A_124 = arith.constant 0 : i32
      %dma_start3A_125 = tpu.memref_slice %arg2[%dma_start3A_123, %dma_start3A_124] : memref<10000x128xf32, #tpu.memory_space<hbm>> -> memref<10000x128xf32, #tpu.memory_space<hbm>>
      tpu.enqueue_indirect_dma source(%dma_start3A_125 : memref<10000x128xf32, #tpu.memory_space<hbm>>) target(%dma_start3A_119 : memref<128x128xf32, #tpu.memory_space<vmem>>) offsets(%dma_start3A_122 : memref<128xi32, #tpu.memory_space<vmem>>) semaphore(%arg11 : memref<!tpu.dma_semaphore, #tpu.memory_space<semaphore_mem>>)
      %dma_wait3A_126 = arith.constant 0 : i32
      %dma_wait3A_127 = arith.constant 0 : i32
      %dma_wait3A_128 = arith.constant 0 : i32
      %dma_wait3A_129 = tpu.memref_slice %arg8[%dma_wait3A_126, %dma_wait3A_127, %dma_wait3A_128] : memref<2x128x128xf32, #tpu.memory_space<vmem>> -> memref<1x128x128xf32, #tpu.memory_space<vmem>>
      %dma_wait3A_130 = tpu.memref_squeeze %dma_wait3A_129 : memref<1x128x128xf32, #tpu.memory_space<vmem>> -> memref<128x128xf32, #tpu.memory_space<vmem>>
      %dma_wait3A_131 = arith.constant 0 : i32
      %dma_wait3A_132 = tpu.memref_slice %arg6[%add3A_102, %dma_wait3A_131] : memref<40x128xi32, #tpu.memory_space<vmem>> -> memref<1x128xi32, #tpu.memory_space<vmem>>
      %dma_wait3A_133 = tpu.memref_squeeze %dma_wait3A_132 : memref<1x128xi32, #tpu.memory_space<vmem>> -> memref<128xi32, #tpu.memory_space<vmem>>
      %dma_wait3A_134 = arith.constant 0 : i32
      %dma_wait3A_135 = arith.constant 0 : i32
      %dma_wait3A_136 = tpu.memref_slice %arg2[%dma_wait3A_134, %dma_wait3A_135] : memref<10000x128xf32, #tpu.memory_space<hbm>> -> memref<10000x128xf32, #tpu.memory_space<hbm>>
      tpu.wait_indirect_dma semaphore(%arg10 : memref<!tpu.dma_semaphore, #tpu.memory_space<semaphore_mem>>) src(%dma_wait3A_136 : memref<10000x128xf32, #tpu.memory_space<hbm>>) dst(%dma_wait3A_130 : memref<128x128xf32, #tpu.memory_space<vmem>>)
      %add3A_137 = arith.constant 0 : i32
      %add3A_138 = arith.addi %mul3A_98, %add3A_137 : i32
      %dma_start3A_139 = arith.constant 0 : i32
      %dma_start3A_140 = arith.constant 0 : i32
      %dma_start3A_141 = arith.constant 0 : i32
      %dma_start3A_142 = tpu.memref_slice %arg8[%dma_start3A_139, %dma_start3A_140, %dma_start3A_141] : memref<2x128x128xf32, #tpu.memory_space<vmem>> -> memref<1x128x128xf32, #tpu.memory_space<vmem>>
      %dma_start3A_143 = tpu.memref_squeeze %dma_start3A_142 : memref<1x128x128xf32, #tpu.memory_space<vmem>> -> memref<128x128xf32, #tpu.memory_space<vmem>>
      %dma_start3A_144 = arith.constant 0 : i32
      %dma_start3A_145 = tpu.memref_slice %arg7[%add3A_138, %dma_start3A_144] : memref<40x128xi32, #tpu.memory_space<vmem>> -> memref<1x128xi32, #tpu.memory_space<vmem>>
      %dma_start3A_146 = tpu.memref_squeeze %dma_start3A_145 : memref<1x128xi32, #tpu.memory_space<vmem>> -> memref<128xi32, #tpu.memory_space<vmem>>
      %dma_start3A_147 = arith.constant 0 : i32
      %dma_start3A_148 = arith.constant 0 : i32
      %dma_start3A_149 = tpu.memref_slice %arg9[%dma_start3A_147, %dma_start3A_148] : memref<10240x128xf32, #tpu.memory_space<vmem_shared>> -> memref<10240x128xf32, #tpu.memory_space<vmem_shared>>
      tpu.enqueue_indirect_dma source(%dma_start3A_143 : memref<128x128xf32, #tpu.memory_space<vmem>>) target(%dma_start3A_149 : memref<10240x128xf32, #tpu.memory_space<vmem_shared>>) offsets(%dma_start3A_146 : memref<128xi32, #tpu.memory_space<vmem>>) semaphore(%arg12 : memref<!tpu.dma_semaphore, #tpu.memory_space<semaphore_mem>>) {add = true}
      %dma_wait3A_150 = arith.constant 1 : i32
      %dma_wait3A_151 = arith.constant 0 : i32
      %dma_wait3A_152 = arith.constant 0 : i32
      %dma_wait3A_153 = tpu.memref_slice %arg8[%dma_wait3A_150, %dma_wait3A_151, %dma_wait3A_152] : memref<2x128x128xf32, #tpu.memory_space<vmem>> -> memref<1x128x128xf32, #tpu.memory_space<vmem>>
      %dma_wait3A_154 = tpu.memref_squeeze %dma_wait3A_153 : memref<1x128x128xf32, #tpu.memory_space<vmem>> -> memref<128x128xf32, #tpu.memory_space<vmem>>
      %dma_wait3A_155 = arith.constant 0 : i32
      %dma_wait3A_156 = tpu.memref_slice %arg6[%add3A_114, %dma_wait3A_155] : memref<40x128xi32, #tpu.memory_space<vmem>> -> memref<1x128xi32, #tpu.memory_space<vmem>>
      %dma_wait3A_157 = tpu.memref_squeeze %dma_wait3A_156 : memref<1x128xi32, #tpu.memory_space<vmem>> -> memref<128xi32, #tpu.memory_space<vmem>>
      %dma_wait3A_158 = arith.constant 0 : i32
      %dma_wait3A_159 = arith.constant 0 : i32
      %dma_wait3A_160 = tpu.memref_slice %arg2[%dma_wait3A_158, %dma_wait3A_159] : memref<10000x128xf32, #tpu.memory_space<hbm>> -> memref<10000x128xf32, #tpu.memory_space<hbm>>
      tpu.wait_indirect_dma semaphore(%arg11 : memref<!tpu.dma_semaphore, #tpu.memory_space<semaphore_mem>>) src(%dma_wait3A_160 : memref<10000x128xf32, #tpu.memory_space<hbm>>) dst(%dma_wait3A_154 : memref<128x128xf32, #tpu.memory_space<vmem>>)
      %add3A_161 = arith.constant 1 : i32
      %add3A_162 = arith.addi %mul3A_98, %add3A_161 : i32
      %dma_start3A_163 = arith.constant 1 : i32
      %dma_start3A_164 = arith.constant 0 : i32
      %dma_start3A_165 = arith.constant 0 : i32
      %dma_start3A_166 = tpu.memref_slice %arg8[%dma_start3A_163, %dma_start3A_164, %dma_start3A_165] : memref<2x128x128xf32, #tpu.memory_space<vmem>> -> memref<1x128x128xf32, #tpu.memory_space<vmem>>
      %dma_start3A_167 = tpu.memref_squeeze %dma_start3A_166 : memref<1x128x128xf32, #tpu.memory_space<vmem>> -> memref<128x128xf32, #tpu.memory_space<vmem>>
      %dma_start3A_168 = arith.constant 0 : i32
      %dma_start3A_169 = tpu.memref_slice %arg7[%add3A_162, %dma_start3A_168] : memref<40x128xi32, #tpu.memory_space<vmem>> -> memref<1x128xi32, #tpu.memory_space<vmem>>
      %dma_start3A_170 = tpu.memref_squeeze %dma_start3A_169 : memref<1x128xi32, #tpu.memory_space<vmem>> -> memref<128xi32, #tpu.memory_space<vmem>>
      %dma_start3A_171 = arith.constant 0 : i32
      %dma_start3A_172 = arith.constant 0 : i32
      %dma_start3A_173 = tpu.memref_slice %arg9[%dma_start3A_171, %dma_start3A_172] : memref<10240x128xf32, #tpu.memory_space<vmem_shared>> -> memref<10240x128xf32, #tpu.memory_space<vmem_shared>>
      tpu.enqueue_indirect_dma source(%dma_start3A_167 : memref<128x128xf32, #tpu.memory_space<vmem>>) target(%dma_start3A_173 : memref<10240x128xf32, #tpu.memory_space<vmem_shared>>) offsets(%dma_start3A_170 : memref<128xi32, #tpu.memory_space<vmem>>) semaphore(%arg13 : memref<!tpu.dma_semaphore, #tpu.memory_space<semaphore_mem>>) {add = true}
    }
    %scan3A_34 = arith.constant 20 : i32
    %dma_wait3A = arith.constant 0 : i32
    %dma_wait3A_35 = arith.constant 38 : i32
    %dma_wait3A_36 = arith.constant 0 : i32
    %dma_wait3A_37 = arith.constant 0 : i32
    %dma_wait3A_38 = tpu.memref_slice %arg8[%dma_wait3A, %dma_wait3A_36, %dma_wait3A_37] : memref<2x128x128xf32, #tpu.memory_space<vmem>> -> memref<1x128x128xf32, #tpu.memory_space<vmem>>
    %dma_wait3A_39 = tpu.memref_squeeze %dma_wait3A_38 : memref<1x128x128xf32, #tpu.memory_space<vmem>> -> memref<128x128xf32, #tpu.memory_space<vmem>>
    %dma_wait3A_40 = arith.constant 0 : i32
    %dma_wait3A_41 = tpu.memref_slice %arg7[%dma_wait3A_35, %dma_wait3A_40] : memref<40x128xi32, #tpu.memory_space<vmem>> -> memref<1x128xi32, #tpu.memory_space<vmem>>
    %dma_wait3A_42 = tpu.memref_squeeze %dma_wait3A_41 : memref<1x128xi32, #tpu.memory_space<vmem>> -> memref<128xi32, #tpu.memory_space<vmem>>
    %dma_wait3A_43 = arith.constant 0 : i32
    %dma_wait3A_44 = arith.constant 0 : i32
    %dma_wait3A_45 = tpu.memref_slice %arg9[%dma_wait3A_43, %dma_wait3A_44] : memref<10240x128xf32, #tpu.memory_space<vmem_shared>> -> memref<10240x128xf32, #tpu.memory_space<vmem_shared>>
    tpu.wait_indirect_dma semaphore(%arg12 : memref<!tpu.dma_semaphore, #tpu.memory_space<semaphore_mem>>) src(%dma_wait3A_39 : memref<128x128xf32, #tpu.memory_space<vmem>>) dst(%dma_wait3A_45 : memref<10240x128xf32, #tpu.memory_space<vmem_shared>>)
    %dma_wait3A_46 = arith.constant 1 : i32
    %dma_wait3A_47 = arith.constant 39 : i32
    %dma_wait3A_48 = arith.constant 0 : i32
    %dma_wait3A_49 = arith.constant 0 : i32
    %dma_wait3A_50 = tpu.memref_slice %arg8[%dma_wait3A_46, %dma_wait3A_48, %dma_wait3A_49] : memref<2x128x128xf32, #tpu.memory_space<vmem>> -> memref<1x128x128xf32, #tpu.memory_space<vmem>>
    %dma_wait3A_51 = tpu.memref_squeeze %dma_wait3A_50 : memref<1x128x128xf32, #tpu.memory_space<vmem>> -> memref<128x128xf32, #tpu.memory_space<vmem>>
    %dma_wait3A_52 = arith.constant 0 : i32
    %dma_wait3A_53 = tpu.memref_slice %arg7[%dma_wait3A_47, %dma_wait3A_52] : memref<40x128xi32, #tpu.memory_space<vmem>> -> memref<1x128xi32, #tpu.memory_space<vmem>>
    %dma_wait3A_54 = tpu.memref_squeeze %dma_wait3A_53 : memref<1x128xi32, #tpu.memory_space<vmem>> -> memref<128xi32, #tpu.memory_space<vmem>>
    %dma_wait3A_55 = arith.constant 0 : i32
    %dma_wait3A_56 = arith.constant 0 : i32
    %dma_wait3A_57 = tpu.memref_slice %arg9[%dma_wait3A_55, %dma_wait3A_56] : memref<10240x128xf32, #tpu.memory_space<vmem_shared>> -> memref<10240x128xf32, #tpu.memory_space<vmem_shared>>
    tpu.wait_indirect_dma semaphore(%arg13 : memref<!tpu.dma_semaphore, #tpu.memory_space<semaphore_mem>>) src(%dma_wait3A_51 : memref<128x128xf32, #tpu.memory_space<vmem>>) dst(%dma_wait3A_57 : memref<10240x128xf32, #tpu.memory_space<vmem_shared>>)
    %add3A_58 = arith.constant 40 : i32
    %add3A_59 = arith.addi %mul3A_2, %add3A_58 : i32
    "tpu.region"() ({
      %run_scoped3A_96 = tpu.sem_alloc : memref<!tpu.dma_semaphore, #tpu.memory_space<semaphore_mem>>
      %dma_start3A = arith.constant 0 : i32
      %dma_start3A_97 = tpu.memref_slice %arg3[%add3A_59, %dma_start3A] : memref<2560x128xi32, #tpu.memory_space<hbm>> -> memref<40x128xi32, #tpu.memory_space<hbm>>
      %dma_start3A_98 = arith.constant 0 : i32
      %dma_start3A_99 = tpu.memref_slice %arg3[%add3A_59, %dma_start3A_98] : memref<2560x128xi32, #tpu.memory_space<hbm>> -> memref<40x128xi32, #tpu.memory_space<hbm>>
      tpu.enqueue_dma source(%dma_start3A_99 : memref<40x128xi32, #tpu.memory_space<hbm>>) target(%arg6 : memref<40x128xi32, #tpu.memory_space<vmem>>) target_semaphore(%run_scoped3A_96 : memref<!tpu.dma_semaphore, #tpu.memory_space<semaphore_mem>>)
      %dma_wait3A_100 = arith.constant 0 : i32
      %dma_wait3A_101 = tpu.memref_slice %arg3[%add3A_59, %dma_wait3A_100] : memref<2560x128xi32, #tpu.memory_space<hbm>> -> memref<40x128xi32, #tpu.memory_space<hbm>>
      %dma_wait3A_102 = arith.constant 0 : i32
      %dma_wait3A_103 = tpu.memref_slice %arg3[%add3A_59, %dma_wait3A_102] : memref<2560x128xi32, #tpu.memory_space<hbm>> -> memref<40x128xi32, #tpu.memory_space<hbm>>
      tpu.wait_dma2 semaphore(%run_scoped3A_96 : memref<!tpu.dma_semaphore, #tpu.memory_space<semaphore_mem>>) src(%dma_wait3A_103 : memref<40x128xi32, #tpu.memory_space<hbm>>) dst(%arg6 : memref<40x128xi32, #tpu.memory_space<vmem>>)
      tpu.yield
    }) : () -> ()
    %add3A_60 = arith.constant 40 : i32
    %add3A_61 = arith.addi %mul3A_2, %add3A_60 : i32
    "tpu.region"() ({
      %run_scoped3A_96 = tpu.sem_alloc : memref<!tpu.dma_semaphore, #tpu.memory_space<semaphore_mem>>
      %dma_start3A = arith.constant 0 : i32
      %dma_start3A_97 = tpu.memref_slice %arg4[%add3A_61, %dma_start3A] : memref<2560x128xi32, #tpu.memory_space<hbm>> -> memref<40x128xi32, #tpu.memory_space<hbm>>
      %dma_start3A_98 = arith.constant 0 : i32
      %dma_start3A_99 = tpu.memref_slice %arg4[%add3A_61, %dma_start3A_98] : memref<2560x128xi32, #tpu.memory_space<hbm>> -> memref<40x128xi32, #tpu.memory_space<hbm>>
      tpu.enqueue_dma source(%dma_start3A_99 : memref<40x128xi32, #tpu.memory_space<hbm>>) target(%arg7 : memref<40x128xi32, #tpu.memory_space<vmem>>) target_semaphore(%run_scoped3A_96 : memref<!tpu.dma_semaphore, #tpu.memory_space<semaphore_mem>>)
      %dma_wait3A_100 = arith.constant 0 : i32
      %dma_wait3A_101 = tpu.memref_slice %arg4[%add3A_61, %dma_wait3A_100] : memref<2560x128xi32, #tpu.memory_space<hbm>> -> memref<40x128xi32, #tpu.memory_space<hbm>>
      %dma_wait3A_102 = arith.constant 0 : i32
      %dma_wait3A_103 = tpu.memref_slice %arg4[%add3A_61, %dma_wait3A_102] : memref<2560x128xi32, #tpu.memory_space<hbm>> -> memref<40x128xi32, #tpu.memory_space<hbm>>
      tpu.wait_dma2 semaphore(%run_scoped3A_96 : memref<!tpu.dma_semaphore, #tpu.memory_space<semaphore_mem>>) src(%dma_wait3A_103 : memref<40x128xi32, #tpu.memory_space<hbm>>) dst(%arg7 : memref<40x128xi32, #tpu.memory_space<vmem>>)
      tpu.yield
    }) : () -> ()
    %scan3A_62 = arith.constant 0 : i32
    %scan3A_63 = arith.constant 0 : i32
    %scan3A_64 = arith.constant 20 : i32
    %scan3A_65 = arith.addi %scan3A_63, %scan3A_64 : i32
    %scan3A_66 = arith.constant 1 : i32
    scf.for %scan3A_96 = %scan3A_63 to %scan3A_65 step %scan3A_66  : i32 {
      %mul3A_97 = arith.constant 2 : i32
      %mul3A_98 = arith.muli %scan3A_96, %mul3A_97 : i32
      %gt3A = arith.constant 0 : i32
      %gt3A_99 = arith.cmpi sgt, %scan3A_96, %gt3A : i32
      %convert_element_type3A = arith.extui %gt3A_99 : i1 to i32
      %cond3A = arith.constant 0 : i32
      %cond3A_100 = arith.cmpi ne, %convert_element_type3A, %cond3A : i32
      scf.if %cond3A_100 {
        %sub3A = arith.constant 2 : i32
        %sub3A_174 = arith.subi %mul3A_98, %sub3A : i32
        %add3A_175 = arith.constant 0 : i32
        %add3A_176 = arith.addi %sub3A_174, %add3A_175 : i32
        %dma_wait3A_177 = arith.constant 0 : i32
        %dma_wait3A_178 = arith.constant 0 : i32
        %dma_wait3A_179 = arith.constant 0 : i32
        %dma_wait3A_180 = tpu.memref_slice %arg8[%dma_wait3A_177, %dma_wait3A_178, %dma_wait3A_179] : memref<2x128x128xf32, #tpu.memory_space<vmem>> -> memref<1x128x128xf32, #tpu.memory_space<vmem>>
        %dma_wait3A_181 = tpu.memref_squeeze %dma_wait3A_180 : memref<1x128x128xf32, #tpu.memory_space<vmem>> -> memref<128x128xf32, #tpu.memory_space<vmem>>
        %dma_wait3A_182 = arith.constant 0 : i32
        %dma_wait3A_183 = tpu.memref_slice %arg7[%add3A_176, %dma_wait3A_182] : memref<40x128xi32, #tpu.memory_space<vmem>> -> memref<1x128xi32, #tpu.memory_space<vmem>>
        %dma_wait3A_184 = tpu.memref_squeeze %dma_wait3A_183 : memref<1x128xi32, #tpu.memory_space<vmem>> -> memref<128xi32, #tpu.memory_space<vmem>>
        %dma_wait3A_185 = arith.constant 0 : i32
        %dma_wait3A_186 = arith.constant 0 : i32
        %dma_wait3A_187 = tpu.memref_slice %arg9[%dma_wait3A_185, %dma_wait3A_186] : memref<10240x128xf32, #tpu.memory_space<vmem_shared>> -> memref<10240x128xf32, #tpu.memory_space<vmem_shared>>
        tpu.wait_indirect_dma semaphore(%arg12 : memref<!tpu.dma_semaphore, #tpu.memory_space<semaphore_mem>>) src(%dma_wait3A_181 : memref<128x128xf32, #tpu.memory_space<vmem>>) dst(%dma_wait3A_187 : memref<10240x128xf32, #tpu.memory_space<vmem_shared>>)
        %sub3A_188 = arith.constant 2 : i32
        %sub3A_189 = arith.subi %mul3A_98, %sub3A_188 : i32
        %add3A_190 = arith.constant 1 : i32
        %add3A_191 = arith.addi %sub3A_189, %add3A_190 : i32
        %dma_wait3A_192 = arith.constant 1 : i32
        %dma_wait3A_193 = arith.constant 0 : i32
        %dma_wait3A_194 = arith.constant 0 : i32
        %dma_wait3A_195 = tpu.memref_slice %arg8[%dma_wait3A_192, %dma_wait3A_193, %dma_wait3A_194] : memref<2x128x128xf32, #tpu.memory_space<vmem>> -> memref<1x128x128xf32, #tpu.memory_space<vmem>>
        %dma_wait3A_196 = tpu.memref_squeeze %dma_wait3A_195 : memref<1x128x128xf32, #tpu.memory_space<vmem>> -> memref<128x128xf32, #tpu.memory_space<vmem>>
        %dma_wait3A_197 = arith.constant 0 : i32
        %dma_wait3A_198 = tpu.memref_slice %arg7[%add3A_191, %dma_wait3A_197] : memref<40x128xi32, #tpu.memory_space<vmem>> -> memref<1x128xi32, #tpu.memory_space<vmem>>
        %dma_wait3A_199 = tpu.memref_squeeze %dma_wait3A_198 : memref<1x128xi32, #tpu.memory_space<vmem>> -> memref<128xi32, #tpu.memory_space<vmem>>
        %dma_wait3A_200 = arith.constant 0 : i32
        %dma_wait3A_201 = arith.constant 0 : i32
        %dma_wait3A_202 = tpu.memref_slice %arg9[%dma_wait3A_200, %dma_wait3A_201] : memref<10240x128xf32, #tpu.memory_space<vmem_shared>> -> memref<10240x128xf32, #tpu.memory_space<vmem_shared>>
        tpu.wait_indirect_dma semaphore(%arg13 : memref<!tpu.dma_semaphore, #tpu.memory_space<semaphore_mem>>) src(%dma_wait3A_196 : memref<128x128xf32, #tpu.memory_space<vmem>>) dst(%dma_wait3A_202 : memref<10240x128xf32, #tpu.memory_space<vmem_shared>>)
      } else {
      }
      %add3A_101 = arith.constant 0 : i32
      %add3A_102 = arith.addi %mul3A_98, %add3A_101 : i32
      %dma_start3A = arith.constant 0 : i32
      %dma_start3A_103 = arith.constant 0 : i32
      %dma_start3A_104 = arith.constant 0 : i32
      %dma_start3A_105 = tpu.memref_slice %arg8[%dma_start3A, %dma_start3A_103, %dma_start3A_104] : memref<2x128x128xf32, #tpu.memory_space<vmem>> -> memref<1x128x128xf32, #tpu.memory_space<vmem>>
      %dma_start3A_106 = tpu.memref_squeeze %dma_start3A_105 : memref<1x128x128xf32, #tpu.memory_space<vmem>> -> memref<128x128xf32, #tpu.memory_space<vmem>>
      %dma_start3A_107 = arith.constant 0 : i32
      %dma_start3A_108 = tpu.memref_slice %arg6[%add3A_102, %dma_start3A_107] : memref<40x128xi32, #tpu.memory_space<vmem>> -> memref<1x128xi32, #tpu.memory_space<vmem>>
      %dma_start3A_109 = tpu.memref_squeeze %dma_start3A_108 : memref<1x128xi32, #tpu.memory_space<vmem>> -> memref<128xi32, #tpu.memory_space<vmem>>
      %dma_start3A_110 = arith.constant 0 : i32
      %dma_start3A_111 = arith.constant 0 : i32
      %dma_start3A_112 = tpu.memref_slice %arg2[%dma_start3A_110, %dma_start3A_111] : memref<10000x128xf32, #tpu.memory_space<hbm>> -> memref<10000x128xf32, #tpu.memory_space<hbm>>
      tpu.enqueue_indirect_dma source(%dma_start3A_112 : memref<10000x128xf32, #tpu.memory_space<hbm>>) target(%dma_start3A_106 : memref<128x128xf32, #tpu.memory_space<vmem>>) offsets(%dma_start3A_109 : memref<128xi32, #tpu.memory_space<vmem>>) semaphore(%arg10 : memref<!tpu.dma_semaphore, #tpu.memory_space<semaphore_mem>>)
      %add3A_113 = arith.constant 1 : i32
      %add3A_114 = arith.addi %mul3A_98, %add3A_113 : i32
      %dma_start3A_115 = arith.constant 1 : i32
      %dma_start3A_116 = arith.constant 0 : i32
      %dma_start3A_117 = arith.constant 0 : i32
      %dma_start3A_118 = tpu.memref_slice %arg8[%dma_start3A_115, %dma_start3A_116, %dma_start3A_117] : memref<2x128x128xf32, #tpu.memory_space<vmem>> -> memref<1x128x128xf32, #tpu.memory_space<vmem>>
      %dma_start3A_119 = tpu.memref_squeeze %dma_start3A_118 : memref<1x128x128xf32, #tpu.memory_space<vmem>> -> memref<128x128xf32, #tpu.memory_space<vmem>>
      %dma_start3A_120 = arith.constant 0 : i32
      %dma_start3A_121 = tpu.memref_slice %arg6[%add3A_114, %dma_start3A_120] : memref<40x128xi32, #tpu.memory_space<vmem>> -> memref<1x128xi32, #tpu.memory_space<vmem>>
      %dma_start3A_122 = tpu.memref_squeeze %dma_start3A_121 : memref<1x128xi32, #tpu.memory_space<vmem>> -> memref<128xi32, #tpu.memory_space<vmem>>
      %dma_start3A_123 = arith.constant 0 : i32
      %dma_start3A_124 = arith.constant 0 : i32
      %dma_start3A_125 = tpu.memref_slice %arg2[%dma_start3A_123, %dma_start3A_124] : memref<10000x128xf32, #tpu.memory_space<hbm>> -> memref<10000x128xf32, #tpu.memory_space<hbm>>
      tpu.enqueue_indirect_dma source(%dma_start3A_125 : memref<10000x128xf32, #tpu.memory_space<hbm>>) target(%dma_start3A_119 : memref<128x128xf32, #tpu.memory_space<vmem>>) offsets(%dma_start3A_122 : memref<128xi32, #tpu.memory_space<vmem>>) semaphore(%arg11 : memref<!tpu.dma_semaphore, #tpu.memory_space<semaphore_mem>>)
      %dma_wait3A_126 = arith.constant 0 : i32
      %dma_wait3A_127 = arith.constant 0 : i32
      %dma_wait3A_128 = arith.constant 0 : i32
      %dma_wait3A_129 = tpu.memref_slice %arg8[%dma_wait3A_126, %dma_wait3A_127, %dma_wait3A_128] : memref<2x128x128xf32, #tpu.memory_space<vmem>> -> memref<1x128x128xf32, #tpu.memory_space<vmem>>
      %dma_wait3A_130 = tpu.memref_squeeze %dma_wait3A_129 : memref<1x128x128xf32, #tpu.memory_space<vmem>> -> memref<128x128xf32, #tpu.memory_space<vmem>>
      %dma_wait3A_131 = arith.constant 0 : i32
      %dma_wait3A_132 = tpu.memref_slice %arg6[%add3A_102, %dma_wait3A_131] : memref<40x128xi32, #tpu.memory_space<vmem>> -> memref<1x128xi32, #tpu.memory_space<vmem>>
      %dma_wait3A_133 = tpu.memref_squeeze %dma_wait3A_132 : memref<1x128xi32, #tpu.memory_space<vmem>> -> memref<128xi32, #tpu.memory_space<vmem>>
      %dma_wait3A_134 = arith.constant 0 : i32
      %dma_wait3A_135 = arith.constant 0 : i32
      %dma_wait3A_136 = tpu.memref_slice %arg2[%dma_wait3A_134, %dma_wait3A_135] : memref<10000x128xf32, #tpu.memory_space<hbm>> -> memref<10000x128xf32, #tpu.memory_space<hbm>>
      tpu.wait_indirect_dma semaphore(%arg10 : memref<!tpu.dma_semaphore, #tpu.memory_space<semaphore_mem>>) src(%dma_wait3A_136 : memref<10000x128xf32, #tpu.memory_space<hbm>>) dst(%dma_wait3A_130 : memref<128x128xf32, #tpu.memory_space<vmem>>)
      %add3A_137 = arith.constant 0 : i32
      %add3A_138 = arith.addi %mul3A_98, %add3A_137 : i32
      %dma_start3A_139 = arith.constant 0 : i32
      %dma_start3A_140 = arith.constant 0 : i32
      %dma_start3A_141 = arith.constant 0 : i32
      %dma_start3A_142 = tpu.memref_slice %arg8[%dma_start3A_139, %dma_start3A_140, %dma_start3A_141] : memref<2x128x128xf32, #tpu.memory_space<vmem>> -> memref<1x128x128xf32, #tpu.memory_space<vmem>>
      %dma_start3A_143 = tpu.memref_squeeze %dma_start3A_142 : memref<1x128x128xf32, #tpu.memory_space<vmem>> -> memref<128x128xf32, #tpu.memory_space<vmem>>
      %dma_start3A_144 = arith.constant 0 : i32
      %dma_start3A_145 = tpu.memref_slice %arg7[%add3A_138, %dma_start3A_144] : memref<40x128xi32, #tpu.memory_space<vmem>> -> memref<1x128xi32, #tpu.memory_space<vmem>>
      %dma_start3A_146 = tpu.memref_squeeze %dma_start3A_145 : memref<1x128xi32, #tpu.memory_space<vmem>> -> memref<128xi32, #tpu.memory_space<vmem>>
      %dma_start3A_147 = arith.constant 0 : i32
      %dma_start3A_148 = arith.constant 0 : i32
      %dma_start3A_149 = tpu.memref_slice %arg9[%dma_start3A_147, %dma_start3A_148] : memref<10240x128xf32, #tpu.memory_space<vmem_shared>> -> memref<10240x128xf32, #tpu.memory_space<vmem_shared>>
      tpu.enqueue_indirect_dma source(%dma_start3A_143 : memref<128x128xf32, #tpu.memory_space<vmem>>) target(%dma_start3A_149 : memref<10240x128xf32, #tpu.memory_space<vmem_shared>>) offsets(%dma_start3A_146 : memref<128xi32, #tpu.memory_space<vmem>>) semaphore(%arg12 : memref<!tpu.dma_semaphore, #tpu.memory_space<semaphore_mem>>) {add = true}
      %dma_wait3A_150 = arith.constant 1 : i32
      %dma_wait3A_151 = arith.constant 0 : i32
      %dma_wait3A_152 = arith.constant 0 : i32
      %dma_wait3A_153 = tpu.memref_slice %arg8[%dma_wait3A_150, %dma_wait3A_151, %dma_wait3A_152] : memref<2x128x128xf32, #tpu.memory_space<vmem>> -> memref<1x128x128xf32, #tpu.memory_space<vmem>>
      %dma_wait3A_154 = tpu.memref_squeeze %dma_wait3A_153 : memref<1x128x128xf32, #tpu.memory_space<vmem>> -> memref<128x128xf32, #tpu.memory_space<vmem>>
      %dma_wait3A_155 = arith.constant 0 : i32
      %dma_wait3A_156 = tpu.memref_slice %arg6[%add3A_114, %dma_wait3A_155] : memref<40x128xi32, #tpu.memory_space<vmem>> -> memref<1x128xi32, #tpu.memory_space<vmem>>
      %dma_wait3A_157 = tpu.memref_squeeze %dma_wait3A_156 : memref<1x128xi32, #tpu.memory_space<vmem>> -> memref<128xi32, #tpu.memory_space<vmem>>
      %dma_wait3A_158 = arith.constant 0 : i32
      %dma_wait3A_159 = arith.constant 0 : i32
      %dma_wait3A_160 = tpu.memref_slice %arg2[%dma_wait3A_158, %dma_wait3A_159] : memref<10000x128xf32, #tpu.memory_space<hbm>> -> memref<10000x128xf32, #tpu.memory_space<hbm>>
      tpu.wait_indirect_dma semaphore(%arg11 : memref<!tpu.dma_semaphore, #tpu.memory_space<semaphore_mem>>) src(%dma_wait3A_160 : memref<10000x128xf32, #tpu.memory_space<hbm>>) dst(%dma_wait3A_154 : memref<128x128xf32, #tpu.memory_space<vmem>>)
      %add3A_161 = arith.constant 1 : i32
      %add3A_162 = arith.addi %mul3A_98, %add3A_161 : i32
      %dma_start3A_163 = arith.constant 1 : i32
      %dma_start3A_164 = arith.constant 0 : i32
      %dma_start3A_165 = arith.constant 0 : i32
      %dma_start3A_166 = tpu.memref_slice %arg8[%dma_start3A_163, %dma_start3A_164, %dma_start3A_165] : memref<2x128x128xf32, #tpu.memory_space<vmem>> -> memref<1x128x128xf32, #tpu.memory_space<vmem>>
      %dma_start3A_167 = tpu.memref_squeeze %dma_start3A_166 : memref<1x128x128xf32, #tpu.memory_space<vmem>> -> memref<128x128xf32, #tpu.memory_space<vmem>>
      %dma_start3A_168 = arith.constant 0 : i32
      %dma_start3A_169 = tpu.memref_slice %arg7[%add3A_162, %dma_start3A_168] : memref<40x128xi32, #tpu.memory_space<vmem>> -> memref<1x128xi32, #tpu.memory_space<vmem>>
      %dma_start3A_170 = tpu.memref_squeeze %dma_start3A_169 : memref<1x128xi32, #tpu.memory_space<vmem>> -> memref<128xi32, #tpu.memory_space<vmem>>
      %dma_start3A_171 = arith.constant 0 : i32
      %dma_start3A_172 = arith.constant 0 : i32
      %dma_start3A_173 = tpu.memref_slice %arg9[%dma_start3A_171, %dma_start3A_172] : memref<10240x128xf32, #tpu.memory_space<vmem_shared>> -> memref<10240x128xf32, #tpu.memory_space<vmem_shared>>
      tpu.enqueue_indirect_dma source(%dma_start3A_167 : memref<128x128xf32, #tpu.memory_space<vmem>>) target(%dma_start3A_173 : memref<10240x128xf32, #tpu.memory_space<vmem_shared>>) offsets(%dma_start3A_170 : memref<128xi32, #tpu.memory_space<vmem>>) semaphore(%arg13 : memref<!tpu.dma_semaphore, #tpu.memory_space<semaphore_mem>>) {add = true}
    }
    %scan3A_67 = arith.constant 20 : i32
    %dma_wait3A_68 = arith.constant 0 : i32
    %dma_wait3A_69 = arith.constant 38 : i32
    %dma_wait3A_70 = arith.constant 0 : i32
    %dma_wait3A_71 = arith.constant 0 : i32
    %dma_wait3A_72 = tpu.memref_slice %arg8[%dma_wait3A_68, %dma_wait3A_70, %dma_wait3A_71] : memref<2x128x128xf32, #tpu.memory_space<vmem>> -> memref<1x128x128xf32, #tpu.memory_space<vmem>>
    %dma_wait3A_73 = tpu.memref_squeeze %dma_wait3A_72 : memref<1x128x128xf32, #tpu.memory_space<vmem>> -> memref<128x128xf32, #tpu.memory_space<vmem>>
    %dma_wait3A_74 = arith.constant 0 : i32
    %dma_wait3A_75 = tpu.memref_slice %arg7[%dma_wait3A_69, %dma_wait3A_74] : memref<40x128xi32, #tpu.memory_space<vmem>> -> memref<1x128xi32, #tpu.memory_space<vmem>>
    %dma_wait3A_76 = tpu.memref_squeeze %dma_wait3A_75 : memref<1x128xi32, #tpu.memory_space<vmem>> -> memref<128xi32, #tpu.memory_space<vmem>>
    %dma_wait3A_77 = arith.constant 0 : i32
    %dma_wait3A_78 = arith.constant 0 : i32
    %dma_wait3A_79 = tpu.memref_slice %arg9[%dma_wait3A_77, %dma_wait3A_78] : memref<10240x128xf32, #tpu.memory_space<vmem_shared>> -> memref<10240x128xf32, #tpu.memory_space<vmem_shared>>
    tpu.wait_indirect_dma semaphore(%arg12 : memref<!tpu.dma_semaphore, #tpu.memory_space<semaphore_mem>>) src(%dma_wait3A_73 : memref<128x128xf32, #tpu.memory_space<vmem>>) dst(%dma_wait3A_79 : memref<10240x128xf32, #tpu.memory_space<vmem_shared>>)
    %dma_wait3A_80 = arith.constant 1 : i32
    %dma_wait3A_81 = arith.constant 39 : i32
    %dma_wait3A_82 = arith.constant 0 : i32
    %dma_wait3A_83 = arith.constant 0 : i32
    %dma_wait3A_84 = tpu.memref_slice %arg8[%dma_wait3A_80, %dma_wait3A_82, %dma_wait3A_83] : memref<2x128x128xf32, #tpu.memory_space<vmem>> -> memref<1x128x128xf32, #tpu.memory_space<vmem>>
    %dma_wait3A_85 = tpu.memref_squeeze %dma_wait3A_84 : memref<1x128x128xf32, #tpu.memory_space<vmem>> -> memref<128x128xf32, #tpu.memory_space<vmem>>
    %dma_wait3A_86 = arith.constant 0 : i32
    %dma_wait3A_87 = tpu.memref_slice %arg7[%dma_wait3A_81, %dma_wait3A_86] : memref<40x128xi32, #tpu.memory_space<vmem>> -> memref<1x128xi32, #tpu.memory_space<vmem>>
    %dma_wait3A_88 = tpu.memref_squeeze %dma_wait3A_87 : memref<1x128xi32, #tpu.memory_space<vmem>> -> memref<128xi32, #tpu.memory_space<vmem>>
    %dma_wait3A_89 = arith.constant 0 : i32
    %dma_wait3A_90 = arith.constant 0 : i32
    %dma_wait3A_91 = tpu.memref_slice %arg9[%dma_wait3A_89, %dma_wait3A_90] : memref<10240x128xf32, #tpu.memory_space<vmem_shared>> -> memref<10240x128xf32, #tpu.memory_space<vmem_shared>>
    tpu.wait_indirect_dma semaphore(%arg13 : memref<!tpu.dma_semaphore, #tpu.memory_space<semaphore_mem>>) src(%dma_wait3A_85 : memref<128x128xf32, #tpu.memory_space<vmem>>) dst(%dma_wait3A_91 : memref<10240x128xf32, #tpu.memory_space<vmem_shared>>)
    %barrier3A_92 = arith.constant 0 : index
    tpu.barrier barrier_id(%barrier3A_92)
    %mul3A_93 = arith.constant 10240 : i32
    %mul3A_94 = arith.muli %arg0, %mul3A_93 : i32
    %add3A_95 = arith.addi %mul3A_94, %mul3A_10 : i32
    "tpu.region"() ({
      %run_scoped3A_96 = tpu.sem_alloc : memref<!tpu.dma_semaphore, #tpu.memory_space<semaphore_mem>>
      %dma_start3A = arith.constant 0 : i32
      %dma_start3A_97 = tpu.memref_slice %arg5[%add3A_95, %dma_start3A] : memref<20480x128xf32, #tpu.memory_space<hbm>> -> memref<640x128xf32, #tpu.memory_space<hbm>>
      %dma_start3A_98 = arith.constant 0 : i32
      %dma_start3A_99 = tpu.memref_slice %arg9[%mul3A_10, %dma_start3A_98] : memref<10240x128xf32, #tpu.memory_space<vmem_shared>> -> memref<640x128xf32, #tpu.memory_space<vmem_shared>>
      tpu.enqueue_dma source(%dma_start3A_99 : memref<640x128xf32, #tpu.memory_space<vmem_shared>>) target(%dma_start3A_97 : memref<640x128xf32, #tpu.memory_space<hbm>>) target_semaphore(%run_scoped3A_96 : memref<!tpu.dma_semaphore, #tpu.memory_space<semaphore_mem>>)
      %dma_wait3A_100 = arith.constant 0 : i32
      %dma_wait3A_101 = tpu.memref_slice %arg5[%add3A_95, %dma_wait3A_100] : memref<20480x128xf32, #tpu.memory_space<hbm>> -> memref<640x128xf32, #tpu.memory_space<hbm>>
      %dma_wait3A_102 = arith.constant 0 : i32
      %dma_wait3A_103 = tpu.memref_slice %arg9[%mul3A_10, %dma_wait3A_102] : memref<10240x128xf32, #tpu.memory_space<vmem_shared>> -> memref<640x128xf32, #tpu.memory_space<vmem_shared>>
      tpu.wait_dma2 semaphore(%run_scoped3A_96 : memref<!tpu.dma_semaphore, #tpu.memory_space<semaphore_mem>>) src(%dma_wait3A_103 : memref<640x128xf32, #tpu.memory_space<vmem_shared>>) dst(%dma_wait3A_101 : memref<640x128xf32, #tpu.memory_space<hbm>>)
      tpu.yield
    }) : () -> ()
    return
  }
}

module attributes {stable_mosaic.version = 14 : i64} {
  func.func @_enc_mlp_body(%arg0: i32, %arg1: memref<2000x128xf32, #tpu.memory_space<vmem>>, %arg2: memref<128x128xf32, #tpu.memory_space<vmem>>, %arg3: memref<1x128xf32, #tpu.memory_space<vmem>>, %arg4: memref<128x128xf32, #tpu.memory_space<vmem>>, %arg5: memref<1x128xf32, #tpu.memory_space<vmem>>, %arg6: memref<128x128xf32, #tpu.memory_space<vmem>>, %arg7: memref<1x128xf32, #tpu.memory_space<vmem>>, %arg8: memref<128x128xf32, #tpu.memory_space<vmem>>, %arg9: memref<1x128xf32, #tpu.memory_space<vmem>>, %arg10: memref<2000x128xf32, #tpu.memory_space<vmem>>, %arg11: memref<2000x128xf32, #tpu.memory_space<vmem>>) attributes {dimension_semantics = [#tpu.dimension_semantics<arbitrary>], iteration_bounds = array<i64: 5>, scalar_prefetch = 0 : i64, scratch_operands = 0 : i64, tpu.core_type = #tpu.core_type<tc>, window_params = [{transform_indices = @transform_0, window_bounds = array<i64: 2000, 128>}, {pipeline_mode = #tpu.pipeline_mode<synchronous>, transform_indices = @transform_1, window_bounds = array<i64: 128, 128>}, {pipeline_mode = #tpu.pipeline_mode<synchronous>, transform_indices = @transform_2, window_bounds = array<i64: 1, 128>}, {pipeline_mode = #tpu.pipeline_mode<synchronous>, transform_indices = @transform_3, window_bounds = array<i64: 128, 128>}, {pipeline_mode = #tpu.pipeline_mode<synchronous>, transform_indices = @transform_4, window_bounds = array<i64: 1, 128>}, {pipeline_mode = #tpu.pipeline_mode<synchronous>, transform_indices = @transform_5, window_bounds = array<i64: 128, 128>}, {pipeline_mode = #tpu.pipeline_mode<synchronous>, transform_indices = @transform_6, window_bounds = array<i64: 1, 128>}, {pipeline_mode = #tpu.pipeline_mode<synchronous>, transform_indices = @transform_7, window_bounds = array<i64: 128, 128>}, {pipeline_mode = #tpu.pipeline_mode<synchronous>, transform_indices = @transform_8, window_bounds = array<i64: 1, 128>}, {transform_indices = @transform_9, window_bounds = array<i64: 2000, 128>}, {transform_indices = @transform_10, window_bounds = array<i64: 2000, 128>}]} {
    %get3A = arith.constant 0 : index
    %get3A_0 = arith.constant 0 : index
    %get3A_1 = vector.load %arg1[%get3A, %get3A_0] : memref<2000x128xf32, #tpu.memory_space<vmem>>, vector<2000x128xf32>
    %get3A_2 = arith.constant 0 : index
    %get3A_3 = arith.constant 0 : index
    %get3A_4 = vector.load %arg2[%get3A_2, %get3A_3] : memref<128x128xf32, #tpu.memory_space<vmem>>, vector<128x128xf32>
    %dot_general3A = arith.constant dense<0.000000e+00> : vector<2000x128xf32>
    %dot_general3A_5 = tpu.matmul %get3A_1, %get3A_4, %dot_general3A {dimension_numbers = #tpu.dot_dimension_numbers<[1], [1], [0], [0], [0, 0, 1, 0], [], []>, transpose_lhs_hint = false} : vector<2000x128xf32>, vector<128x128xf32>, vector<2000x128xf32> -> vector<2000x128xf32>
    %get3A_6 = arith.constant 0 : index
    %get3A_7 = arith.constant 0 : index
    %get3A_8 = vector.load %arg3[%get3A_6, %get3A_7] : memref<1x128xf32, #tpu.memory_space<vmem>>, vector<1x128xf32>
    %add3A = vector.broadcast %get3A_8 : vector<1x128xf32> to vector<2000x128xf32>
    %add3A_9 = arith.addf %dot_general3A_5, %add3A : vector<2000x128xf32>
    %mul3A = arith.constant 5.000000e-01 : f32
    %mul3A_10 = vector.broadcast %mul3A : f32 to vector<2000x128xf32>
    %mul3A_11 = arith.mulf %mul3A_10, %add3A_9 : vector<2000x128xf32>
    %div3A = arith.constant 5.000000e-01 : f32
    %div3A_12 = vector.broadcast %div3A : f32 to vector<2000x128xf32>
    %div3A_13 = arith.divf %add3A_9, %div3A_12 : vector<2000x128xf32>
    %add3A_14 = arith.constant 1.000000e+00 : f32
    %add3A_15 = vector.broadcast %add3A_14 : f32 to vector<2000x128xf32>
    %add3A_16 = arith.addf %add3A_15, %div3A_13 : vector<2000x128xf32>
    %min3A = arith.minimumf %mul3A_11, %add3A_16 : vector<2000x128xf32>
    %max3A = arith.constant 0.000000e+00 : f32
    %max3A_17 = vector.broadcast %max3A : f32 to vector<2000x128xf32>
    %max3A_18 = arith.maximumf %max3A_17, %min3A : vector<2000x128xf32>
    %get3A_19 = arith.constant 0 : index
    %get3A_20 = arith.constant 0 : index
    %get3A_21 = vector.load %arg4[%get3A_19, %get3A_20] : memref<128x128xf32, #tpu.memory_space<vmem>>, vector<128x128xf32>
    %dot_general3A_22 = arith.constant dense<0.000000e+00> : vector<2000x128xf32>
    %dot_general3A_23 = tpu.matmul %max3A_18, %get3A_21, %dot_general3A_22 {dimension_numbers = #tpu.dot_dimension_numbers<[1], [1], [0], [0], [0, 0, 1, 0], [], []>, transpose_lhs_hint = false} : vector<2000x128xf32>, vector<128x128xf32>, vector<2000x128xf32> -> vector<2000x128xf32>
    %get3A_24 = arith.constant 0 : index
    %get3A_25 = arith.constant 0 : index
    %get3A_26 = vector.load %arg5[%get3A_24, %get3A_25] : memref<1x128xf32, #tpu.memory_space<vmem>>, vector<1x128xf32>
    %add3A_27 = vector.broadcast %get3A_26 : vector<1x128xf32> to vector<2000x128xf32>
    %add3A_28 = arith.addf %dot_general3A_23, %add3A_27 : vector<2000x128xf32>
    %mul3A_29 = arith.constant 5.000000e-01 : f32
    %mul3A_30 = vector.broadcast %mul3A_29 : f32 to vector<2000x128xf32>
    %mul3A_31 = arith.mulf %mul3A_30, %add3A_28 : vector<2000x128xf32>
    %div3A_32 = arith.constant 5.000000e-01 : f32
    %div3A_33 = vector.broadcast %div3A_32 : f32 to vector<2000x128xf32>
    %div3A_34 = arith.divf %add3A_28, %div3A_33 : vector<2000x128xf32>
    %add3A_35 = arith.constant 1.000000e+00 : f32
    %add3A_36 = vector.broadcast %add3A_35 : f32 to vector<2000x128xf32>
    %add3A_37 = arith.addf %add3A_36, %div3A_34 : vector<2000x128xf32>
    %min3A_38 = arith.minimumf %mul3A_31, %add3A_37 : vector<2000x128xf32>
    %max3A_39 = arith.constant 0.000000e+00 : f32
    %max3A_40 = vector.broadcast %max3A_39 : f32 to vector<2000x128xf32>
    %max3A_41 = arith.maximumf %max3A_40, %min3A_38 : vector<2000x128xf32>
    %get3A_42 = arith.constant 0 : index
    %get3A_43 = arith.constant 0 : index
    %get3A_44 = vector.load %arg6[%get3A_42, %get3A_43] : memref<128x128xf32, #tpu.memory_space<vmem>>, vector<128x128xf32>
    %dot_general3A_45 = arith.constant dense<0.000000e+00> : vector<2000x128xf32>
    %dot_general3A_46 = tpu.matmul %max3A_41, %get3A_44, %dot_general3A_45 {dimension_numbers = #tpu.dot_dimension_numbers<[1], [1], [0], [0], [0, 0, 1, 0], [], []>, transpose_lhs_hint = false} : vector<2000x128xf32>, vector<128x128xf32>, vector<2000x128xf32> -> vector<2000x128xf32>
    %get3A_47 = arith.constant 0 : index
    %get3A_48 = arith.constant 0 : index
    %get3A_49 = vector.load %arg7[%get3A_47, %get3A_48] : memref<1x128xf32, #tpu.memory_space<vmem>>, vector<1x128xf32>
    %add3A_50 = vector.broadcast %get3A_49 : vector<1x128xf32> to vector<2000x128xf32>
    %add3A_51 = arith.addf %dot_general3A_46, %add3A_50 : vector<2000x128xf32>
    %mul3A_52 = arith.constant 5.000000e-01 : f32
    %mul3A_53 = vector.broadcast %mul3A_52 : f32 to vector<2000x128xf32>
    %mul3A_54 = arith.mulf %mul3A_53, %add3A_51 : vector<2000x128xf32>
    %div3A_55 = arith.constant 5.000000e-01 : f32
    %div3A_56 = vector.broadcast %div3A_55 : f32 to vector<2000x128xf32>
    %div3A_57 = arith.divf %add3A_51, %div3A_56 : vector<2000x128xf32>
    %add3A_58 = arith.constant 1.000000e+00 : f32
    %add3A_59 = vector.broadcast %add3A_58 : f32 to vector<2000x128xf32>
    %add3A_60 = arith.addf %add3A_59, %div3A_57 : vector<2000x128xf32>
    %min3A_61 = arith.minimumf %mul3A_54, %add3A_60 : vector<2000x128xf32>
    %max3A_62 = arith.constant 0.000000e+00 : f32
    %max3A_63 = vector.broadcast %max3A_62 : f32 to vector<2000x128xf32>
    %max3A_64 = arith.maximumf %max3A_63, %min3A_61 : vector<2000x128xf32>
    %swap3A = arith.constant 0 : index
    %swap3A_65 = arith.constant 0 : index
    %swap3A_66 = vector.load %arg10[%swap3A, %swap3A_65] : memref<2000x128xf32, #tpu.memory_space<vmem>>, vector<2000x128xf32>
    tpu.vector_store %arg10[%swap3A, %swap3A_65], %max3A_64 {strides = array<i32>} : memref<2000x128xf32, #tpu.memory_space<vmem>>, vector<2000x128xf32>,
    %get3A_67 = arith.constant 0 : index
    %get3A_68 = arith.constant 0 : index
    %get3A_69 = vector.load %arg8[%get3A_67, %get3A_68] : memref<128x128xf32, #tpu.memory_space<vmem>>, vector<128x128xf32>
    %dot_general3A_70 = arith.constant dense<0.000000e+00> : vector<2000x128xf32>
    %dot_general3A_71 = tpu.matmul %max3A_64, %get3A_69, %dot_general3A_70 {dimension_numbers = #tpu.dot_dimension_numbers<[1], [1], [0], [0], [0, 0, 1, 0], [], []>, transpose_lhs_hint = false} : vector<2000x128xf32>, vector<128x128xf32>, vector<2000x128xf32> -> vector<2000x128xf32>
    %get3A_72 = arith.constant 0 : index
    %get3A_73 = arith.constant 0 : index
    %get3A_74 = vector.load %arg9[%get3A_72, %get3A_73] : memref<1x128xf32, #tpu.memory_space<vmem>>, vector<1x128xf32>
    %add3A_75 = vector.broadcast %get3A_74 : vector<1x128xf32> to vector<2000x128xf32>
    %add3A_76 = arith.addf %dot_general3A_71, %add3A_75 : vector<2000x128xf32>
    %swap3A_77 = arith.constant 0 : index
    %swap3A_78 = arith.constant 0 : index
    %swap3A_79 = vector.load %arg11[%swap3A_77, %swap3A_78] : memref<2000x128xf32, #tpu.memory_space<vmem>>, vector<2000x128xf32>
    tpu.vector_store %arg11[%swap3A_77, %swap3A_78], %add3A_76 {strides = array<i32>} : memref<2000x128xf32, #tpu.memory_space<vmem>>, vector<2000x128xf32>,
    return
  }
  func.func @transform_0(%arg0: i32) -> (i32, i32) {
    %c0_i32 = arith.constant 0 : i32
    %c0_i32_0 = arith.constant 0 : i32
    return %arg0, %c0_i32 : i32, i32
  }
  func.func @transform_1(%arg0: i32) -> (i32, i32) {
    %c0_i32 = arith.constant 0 : i32
    %c0_i32_0 = arith.constant 0 : i32
    %c0_i32_1 = arith.constant 0 : i32
    return %c0_i32, %c0_i32_0 : i32, i32
  }
  func.func @transform_2(%arg0: i32) -> (i32, i32) {
    %c0_i32 = arith.constant 0 : i32
    %c0_i32_0 = arith.constant 0 : i32
    %c0_i32_1 = arith.constant 0 : i32
    return %c0_i32, %c0_i32_0 : i32, i32
  }
  func.func @transform_3(%arg0: i32) -> (i32, i32) {
    %c0_i32 = arith.constant 0 : i32
    %c0_i32_0 = arith.constant 0 : i32
    %c0_i32_1 = arith.constant 0 : i32
    return %c0_i32, %c0_i32_0 : i32, i32
  }
  func.func @transform_4(%arg0: i32) -> (i32, i32) {
    %c0_i32 = arith.constant 0 : i32
    %c0_i32_0 = arith.constant 0 : i32
    %c0_i32_1 = arith.constant 0 : i32
    return %c0_i32, %c0_i32_0 : i32, i32
  }
  func.func @transform_5(%arg0: i32) -> (i32, i32) {
    %c0_i32 = arith.constant 0 : i32
    %c0_i32_0 = arith.constant 0 : i32
    %c0_i32_1 = arith.constant 0 : i32
    return %c0_i32, %c0_i32_0 : i32, i32
  }
  func.func @transform_6(%arg0: i32) -> (i32, i32) {
    %c0_i32 = arith.constant 0 : i32
    %c0_i32_0 = arith.constant 0 : i32
    %c0_i32_1 = arith.constant 0 : i32
    return %c0_i32, %c0_i32_0 : i32, i32
  }
  func.func @transform_7(%arg0: i32) -> (i32, i32) {
    %c0_i32 = arith.constant 0 : i32
    %c0_i32_0 = arith.constant 0 : i32
    %c0_i32_1 = arith.constant 0 : i32
    return %c0_i32, %c0_i32_0 : i32, i32
  }
  func.func @transform_8(%arg0: i32) -> (i32, i32) {
    %c0_i32 = arith.constant 0 : i32
    %c0_i32_0 = arith.constant 0 : i32
    %c0_i32_1 = arith.constant 0 : i32
    return %c0_i32, %c0_i32_0 : i32, i32
  }
  func.func @transform_9(%arg0: i32) -> (i32, i32) {
    %c0_i32 = arith.constant 0 : i32
    %c0_i32_0 = arith.constant 0 : i32
    return %arg0, %c0_i32 : i32, i32
  }
  func.func @transform_10(%arg0: i32) -> (i32, i32) {
    %c0_i32 = arith.constant 0 : i32
    %c0_i32_0 = arith.constant 0 : i32
    return %arg0, %c0_i32 : i32, i32
  }
}

module attributes {stable_mosaic.version = 14 : i64} {
  func.func @_agg_mlp_body(%arg0: i32, %arg1: memref<1x2000x128xf32, #tpu.memory_space<vmem>>, %arg2: memref<1x2000x128xf32, #tpu.memory_space<vmem>>, %arg3: memref<2000x128xf32, #tpu.memory_space<vmem>>, %arg4: memref<128x128xf32, #tpu.memory_space<vmem>>, %arg5: memref<128x128xf32, #tpu.memory_space<vmem>>, %arg6: memref<1x128xf32, #tpu.memory_space<vmem>>, %arg7: memref<128x128xf32, #tpu.memory_space<vmem>>, %arg8: memref<1x128xf32, #tpu.memory_space<vmem>>, %arg9: memref<128x128xf32, #tpu.memory_space<vmem>>, %arg10: memref<1x128xf32, #tpu.memory_space<vmem>>, %arg11: memref<2000x128xf32, #tpu.memory_space<vmem>>, %arg12: memref<2000x128xf32, #tpu.memory_space<vmem>>) attributes {dimension_semantics = [#tpu.dimension_semantics<arbitrary>], iteration_bounds = array<i64: 5>, scalar_prefetch = 0 : i64, scratch_operands = 0 : i64, tpu.core_type = #tpu.core_type<tc>, window_params = [{transform_indices = @transform_0, window_bounds = array<i64: 1, 2000, 128>}, {transform_indices = @transform_1, window_bounds = array<i64: 1, 2000, 128>}, {transform_indices = @transform_2, window_bounds = array<i64: 2000, 128>}, {pipeline_mode = #tpu.pipeline_mode<synchronous>, transform_indices = @transform_3, window_bounds = array<i64: 128, 128>}, {pipeline_mode = #tpu.pipeline_mode<synchronous>, transform_indices = @transform_4, window_bounds = array<i64: 128, 128>}, {pipeline_mode = #tpu.pipeline_mode<synchronous>, transform_indices = @transform_5, window_bounds = array<i64: 1, 128>}, {pipeline_mode = #tpu.pipeline_mode<synchronous>, transform_indices = @transform_6, window_bounds = array<i64: 128, 128>}, {pipeline_mode = #tpu.pipeline_mode<synchronous>, transform_indices = @transform_7, window_bounds = array<i64: 1, 128>}, {pipeline_mode = #tpu.pipeline_mode<synchronous>, transform_indices = @transform_8, window_bounds = array<i64: 128, 128>}, {pipeline_mode = #tpu.pipeline_mode<synchronous>, transform_indices = @transform_9, window_bounds = array<i64: 1, 128>}, {transform_indices = @transform_10, window_bounds = array<i64: 2000, 128>}, {transform_indices = @transform_11, window_bounds = array<i64: 2000, 128>}]} {
    %get3A = arith.constant 0 : index
    %get3A_0 = arith.constant 0 : index
    %get3A_1 = arith.constant 0 : index
    %get3A_2 = vector.load %arg1[%get3A, %get3A_0, %get3A_1] : memref<1x2000x128xf32, #tpu.memory_space<vmem>>, vector<1x2000x128xf32>
    %get3A_3 = vector.shape_cast %get3A_2 : vector<1x2000x128xf32> to vector<2000x128xf32>
    %get3A_4 = arith.constant 0 : index
    %get3A_5 = arith.constant 0 : index
    %get3A_6 = arith.constant 0 : index
    %get3A_7 = vector.load %arg2[%get3A_4, %get3A_5, %get3A_6] : memref<1x2000x128xf32, #tpu.memory_space<vmem>>, vector<1x2000x128xf32>
    %get3A_8 = vector.shape_cast %get3A_7 : vector<1x2000x128xf32> to vector<2000x128xf32>
    %add3A = arith.addf %get3A_3, %get3A_8 : vector<2000x128xf32>
    %get3A_9 = arith.constant 0 : index
    %get3A_10 = arith.constant 0 : index
    %get3A_11 = vector.load %arg4[%get3A_9, %get3A_10] : memref<128x128xf32, #tpu.memory_space<vmem>>, vector<128x128xf32>
    %dot_general3A = arith.constant dense<0.000000e+00> : vector<2000x128xf32>
    %dot_general3A_12 = tpu.matmul %add3A, %get3A_11, %dot_general3A {dimension_numbers = #tpu.dot_dimension_numbers<[1], [1], [0], [0], [0, 0, 1, 0], [], []>, transpose_lhs_hint = false} : vector<2000x128xf32>, vector<128x128xf32>, vector<2000x128xf32> -> vector<2000x128xf32>
    %get3A_13 = arith.constant 0 : index
    %get3A_14 = arith.constant 0 : index
    %get3A_15 = vector.load %arg3[%get3A_13, %get3A_14] : memref<2000x128xf32, #tpu.memory_space<vmem>>, vector<2000x128xf32>
    %add3A_16 = arith.addf %dot_general3A_12, %get3A_15 : vector<2000x128xf32>
    %mul3A = arith.constant 5.000000e-01 : f32
    %mul3A_17 = vector.broadcast %mul3A : f32 to vector<2000x128xf32>
    %mul3A_18 = arith.mulf %mul3A_17, %add3A_16 : vector<2000x128xf32>
    %div3A = arith.constant 5.000000e-01 : f32
    %div3A_19 = vector.broadcast %div3A : f32 to vector<2000x128xf32>
    %div3A_20 = arith.divf %add3A_16, %div3A_19 : vector<2000x128xf32>
    %add3A_21 = arith.constant 1.000000e+00 : f32
    %add3A_22 = vector.broadcast %add3A_21 : f32 to vector<2000x128xf32>
    %add3A_23 = arith.addf %add3A_22, %div3A_20 : vector<2000x128xf32>
    %min3A = arith.minimumf %mul3A_18, %add3A_23 : vector<2000x128xf32>
    %max3A = arith.constant 0.000000e+00 : f32
    %max3A_24 = vector.broadcast %max3A : f32 to vector<2000x128xf32>
    %max3A_25 = arith.maximumf %max3A_24, %min3A : vector<2000x128xf32>
    %get3A_26 = arith.constant 0 : index
    %get3A_27 = arith.constant 0 : index
    %get3A_28 = vector.load %arg5[%get3A_26, %get3A_27] : memref<128x128xf32, #tpu.memory_space<vmem>>, vector<128x128xf32>
    %dot_general3A_29 = arith.constant dense<0.000000e+00> : vector<2000x128xf32>
    %dot_general3A_30 = tpu.matmul %max3A_25, %get3A_28, %dot_general3A_29 {dimension_numbers = #tpu.dot_dimension_numbers<[1], [1], [0], [0], [0, 0, 1, 0], [], []>, transpose_lhs_hint = false} : vector<2000x128xf32>, vector<128x128xf32>, vector<2000x128xf32> -> vector<2000x128xf32>
    %get3A_31 = arith.constant 0 : index
    %get3A_32 = arith.constant 0 : index
    %get3A_33 = vector.load %arg6[%get3A_31, %get3A_32] : memref<1x128xf32, #tpu.memory_space<vmem>>, vector<1x128xf32>
    %add3A_34 = vector.broadcast %get3A_33 : vector<1x128xf32> to vector<2000x128xf32>
    %add3A_35 = arith.addf %dot_general3A_30, %add3A_34 : vector<2000x128xf32>
    %mul3A_36 = arith.constant 5.000000e-01 : f32
    %mul3A_37 = vector.broadcast %mul3A_36 : f32 to vector<2000x128xf32>
    %mul3A_38 = arith.mulf %mul3A_37, %add3A_35 : vector<2000x128xf32>
    %div3A_39 = arith.constant 5.000000e-01 : f32
    %div3A_40 = vector.broadcast %div3A_39 : f32 to vector<2000x128xf32>
    %div3A_41 = arith.divf %add3A_35, %div3A_40 : vector<2000x128xf32>
    %add3A_42 = arith.constant 1.000000e+00 : f32
    %add3A_43 = vector.broadcast %add3A_42 : f32 to vector<2000x128xf32>
    %add3A_44 = arith.addf %add3A_43, %div3A_41 : vector<2000x128xf32>
    %min3A_45 = arith.minimumf %mul3A_38, %add3A_44 : vector<2000x128xf32>
    %max3A_46 = arith.constant 0.000000e+00 : f32
    %max3A_47 = vector.broadcast %max3A_46 : f32 to vector<2000x128xf32>
    %max3A_48 = arith.maximumf %max3A_47, %min3A_45 : vector<2000x128xf32>
    %get3A_49 = arith.constant 0 : index
    %get3A_50 = arith.constant 0 : index
    %get3A_51 = vector.load %arg7[%get3A_49, %get3A_50] : memref<128x128xf32, #tpu.memory_space<vmem>>, vector<128x128xf32>
    %dot_general3A_52 = arith.constant dense<0.000000e+00> : vector<2000x128xf32>
    %dot_general3A_53 = tpu.matmul %max3A_48, %get3A_51, %dot_general3A_52 {dimension_numbers = #tpu.dot_dimension_numbers<[1], [1], [0], [0], [0, 0, 1, 0], [], []>, transpose_lhs_hint = false} : vector<2000x128xf32>, vector<128x128xf32>, vector<2000x128xf32> -> vector<2000x128xf32>
    %get3A_54 = arith.constant 0 : index
    %get3A_55 = arith.constant 0 : index
    %get3A_56 = vector.load %arg8[%get3A_54, %get3A_55] : memref<1x128xf32, #tpu.memory_space<vmem>>, vector<1x128xf32>
    %add3A_57 = vector.broadcast %get3A_56 : vector<1x128xf32> to vector<2000x128xf32>
    %add3A_58 = arith.addf %dot_general3A_53, %add3A_57 : vector<2000x128xf32>
    %mul3A_59 = arith.constant 5.000000e-01 : f32
    %mul3A_60 = vector.broadcast %mul3A_59 : f32 to vector<2000x128xf32>
    %mul3A_61 = arith.mulf %mul3A_60, %add3A_58 : vector<2000x128xf32>
    %div3A_62 = arith.constant 5.000000e-01 : f32
    %div3A_63 = vector.broadcast %div3A_62 : f32 to vector<2000x128xf32>
    %div3A_64 = arith.divf %add3A_58, %div3A_63 : vector<2000x128xf32>
    %add3A_65 = arith.constant 1.000000e+00 : f32
    %add3A_66 = vector.broadcast %add3A_65 : f32 to vector<2000x128xf32>
    %add3A_67 = arith.addf %add3A_66, %div3A_64 : vector<2000x128xf32>
    %min3A_68 = arith.minimumf %mul3A_61, %add3A_67 : vector<2000x128xf32>
    %max3A_69 = arith.constant 0.000000e+00 : f32
    %max3A_70 = vector.broadcast %max3A_69 : f32 to vector<2000x128xf32>
    %max3A_71 = arith.maximumf %max3A_70, %min3A_68 : vector<2000x128xf32>
    %swap3A = arith.constant 0 : index
    %swap3A_72 = arith.constant 0 : index
    %swap3A_73 = vector.load %arg11[%swap3A, %swap3A_72] : memref<2000x128xf32, #tpu.memory_space<vmem>>, vector<2000x128xf32>
    tpu.vector_store %arg11[%swap3A, %swap3A_72], %max3A_71 {strides = array<i32>} : memref<2000x128xf32, #tpu.memory_space<vmem>>, vector<2000x128xf32>,
    %get3A_74 = arith.constant 0 : index
    %get3A_75 = arith.constant 0 : index
    %get3A_76 = vector.load %arg9[%get3A_74, %get3A_75] : memref<128x128xf32, #tpu.memory_space<vmem>>, vector<128x128xf32>
    %dot_general3A_77 = arith.constant dense<0.000000e+00> : vector<2000x128xf32>
    %dot_general3A_78 = tpu.matmul %max3A_71, %get3A_76, %dot_general3A_77 {dimension_numbers = #tpu.dot_dimension_numbers<[1], [1], [0], [0], [0, 0, 1, 0], [], []>, transpose_lhs_hint = false} : vector<2000x128xf32>, vector<128x128xf32>, vector<2000x128xf32> -> vector<2000x128xf32>
    %get3A_79 = arith.constant 0 : index
    %get3A_80 = arith.constant 0 : index
    %get3A_81 = vector.load %arg10[%get3A_79, %get3A_80] : memref<1x128xf32, #tpu.memory_space<vmem>>, vector<1x128xf32>
    %add3A_82 = vector.broadcast %get3A_81 : vector<1x128xf32> to vector<2000x128xf32>
    %add3A_83 = arith.addf %dot_general3A_78, %add3A_82 : vector<2000x128xf32>
    %swap3A_84 = arith.constant 0 : index
    %swap3A_85 = arith.constant 0 : index
    %swap3A_86 = vector.load %arg12[%swap3A_84, %swap3A_85] : memref<2000x128xf32, #tpu.memory_space<vmem>>, vector<2000x128xf32>
    tpu.vector_store %arg12[%swap3A_84, %swap3A_85], %add3A_83 {strides = array<i32>} : memref<2000x128xf32, #tpu.memory_space<vmem>>, vector<2000x128xf32>,
    return
  }
  func.func @transform_0(%arg0: i32) -> (i32, i32, i32) {
    %c0_i32 = arith.constant 0 : i32
    %c0_i32_0 = arith.constant 0 : i32
    %c0_i32_1 = arith.constant 0 : i32
    return %c0_i32, %arg0, %c0_i32_0 : i32, i32, i32
  }
  func.func @transform_1(%arg0: i32) -> (i32, i32, i32) {
    %c1_i32 = arith.constant 1 : i32
    %c0_i32 = arith.constant 0 : i32
    %c0_i32_0 = arith.constant 0 : i32
    return %c1_i32, %arg0, %c0_i32 : i32, i32, i32
  }
  func.func @transform_2(%arg0: i32) -> (i32, i32) {
    %c0_i32 = arith.constant 0 : i32
    %c0_i32_0 = arith.constant 0 : i32
    return %arg0, %c0_i32 : i32, i32
  }
  func.func @transform_3(%arg0: i32) -> (i32, i32) {
    %c0_i32 = arith.constant 0 : i32
    %c0_i32_0 = arith.constant 0 : i32
    %c0_i32_1 = arith.constant 0 : i32
    return %c0_i32, %c0_i32_0 : i32, i32
  }
  func.func @transform_4(%arg0: i32) -> (i32, i32) {
    %c0_i32 = arith.constant 0 : i32
    %c0_i32_0 = arith.constant 0 : i32
    %c0_i32_1 = arith.constant 0 : i32
    return %c0_i32, %c0_i32_0 : i32, i32
  }
  func.func @transform_5(%arg0: i32) -> (i32, i32) {
    %c0_i32 = arith.constant 0 : i32
    %c0_i32_0 = arith.constant 0 : i32
    %c0_i32_1 = arith.constant 0 : i32
    return %c0_i32, %c0_i32_0 : i32, i32
  }
  func.func @transform_6(%arg0: i32) -> (i32, i32) {
    %c0_i32 = arith.constant 0 : i32
    %c0_i32_0 = arith.constant 0 : i32
    %c0_i32_1 = arith.constant 0 : i32
    return %c0_i32, %c0_i32_0 : i32, i32
  }
  func.func @transform_7(%arg0: i32) -> (i32, i32) {
    %c0_i32 = arith.constant 0 : i32
    %c0_i32_0 = arith.constant 0 : i32
    %c0_i32_1 = arith.constant 0 : i32
    return %c0_i32, %c0_i32_0 : i32, i32
  }
  func.func @transform_8(%arg0: i32) -> (i32, i32) {
    %c0_i32 = arith.constant 0 : i32
    %c0_i32_0 = arith.constant 0 : i32
    %c0_i32_1 = arith.constant 0 : i32
    return %c0_i32, %c0_i32_0 : i32, i32
  }
  func.func @transform_9(%arg0: i32) -> (i32, i32) {
    %c0_i32 = arith.constant 0 : i32
    %c0_i32_0 = arith.constant 0 : i32
    %c0_i32_1 = arith.constant 0 : i32
    return %c0_i32, %c0_i32_0 : i32, i32
  }
  func.func @transform_10(%arg0: i32) -> (i32, i32) {
    %c0_i32 = arith.constant 0 : i32
    %c0_i32_0 = arith.constant 0 : i32
    return %arg0, %c0_i32 : i32, i32
  }
  func.func @transform_11(%arg0: i32) -> (i32, i32) {
    %c0_i32 = arith.constant 0 : i32
    %c0_i32_0 = arith.constant 0 : i32
    return %arg0, %c0_i32 : i32, i32
  }
}

module attributes {stable_mosaic.version = 14 : i64} {
  func.func @_agg_dec_body(%arg0: i32, %arg1: memref<1x2000x128xf32, #tpu.memory_space<vmem>>, %arg2: memref<1x2000x128xf32, #tpu.memory_space<vmem>>, %arg3: memref<2000x128xf32, #tpu.memory_space<vmem>>, %arg4: memref<128x128xf32, #tpu.memory_space<vmem>>, %arg5: memref<40x128xf32, #tpu.memory_space<vmem>>, %arg6: memref<1x40xf32, #tpu.memory_space<vmem>>, %arg7: memref<2000x40xf32, #tpu.memory_space<vmem>>) attributes {dimension_semantics = [#tpu.dimension_semantics<arbitrary>], iteration_bounds = array<i64: 5>, scalar_prefetch = 0 : i64, scratch_operands = 0 : i64, tpu.core_type = #tpu.core_type<tc>, window_params = [{transform_indices = @transform_0, window_bounds = array<i64: 1, 2000, 128>}, {transform_indices = @transform_1, window_bounds = array<i64: 1, 2000, 128>}, {transform_indices = @transform_2, window_bounds = array<i64: 2000, 128>}, {pipeline_mode = #tpu.pipeline_mode<synchronous>, transform_indices = @transform_3, window_bounds = array<i64: 128, 128>}, {pipeline_mode = #tpu.pipeline_mode<synchronous>, transform_indices = @transform_4, window_bounds = array<i64: 40, 128>}, {pipeline_mode = #tpu.pipeline_mode<synchronous>, transform_indices = @transform_5, window_bounds = array<i64: 1, 40>}, {transform_indices = @transform_6, window_bounds = array<i64: 2000, 40>}]} {
    %get3A = arith.constant 0 : index
    %get3A_0 = arith.constant 0 : index
    %get3A_1 = arith.constant 0 : index
    %get3A_2 = vector.load %arg1[%get3A, %get3A_0, %get3A_1] : memref<1x2000x128xf32, #tpu.memory_space<vmem>>, vector<1x2000x128xf32>
    %get3A_3 = vector.shape_cast %get3A_2 : vector<1x2000x128xf32> to vector<2000x128xf32>
    %get3A_4 = arith.constant 0 : index
    %get3A_5 = arith.constant 0 : index
    %get3A_6 = arith.constant 0 : index
    %get3A_7 = vector.load %arg2[%get3A_4, %get3A_5, %get3A_6] : memref<1x2000x128xf32, #tpu.memory_space<vmem>>, vector<1x2000x128xf32>
    %get3A_8 = vector.shape_cast %get3A_7 : vector<1x2000x128xf32> to vector<2000x128xf32>
    %add3A = arith.addf %get3A_3, %get3A_8 : vector<2000x128xf32>
    %get3A_9 = arith.constant 0 : index
    %get3A_10 = arith.constant 0 : index
    %get3A_11 = vector.load %arg4[%get3A_9, %get3A_10] : memref<128x128xf32, #tpu.memory_space<vmem>>, vector<128x128xf32>
    %dot_general3A = arith.constant dense<0.000000e+00> : vector<2000x128xf32>
    %dot_general3A_12 = tpu.matmul %add3A, %get3A_11, %dot_general3A {dimension_numbers = #tpu.dot_dimension_numbers<[1], [1], [0], [0], [0, 0, 1, 0], [], []>, transpose_lhs_hint = false} : vector<2000x128xf32>, vector<128x128xf32>, vector<2000x128xf32> -> vector<2000x128xf32>
    %get3A_13 = arith.constant 0 : index
    %get3A_14 = arith.constant 0 : index
    %get3A_15 = vector.load %arg3[%get3A_13, %get3A_14] : memref<2000x128xf32, #tpu.memory_space<vmem>>, vector<2000x128xf32>
    %add3A_16 = arith.addf %dot_general3A_12, %get3A_15 : vector<2000x128xf32>
    %mul3A = arith.constant 5.000000e-01 : f32
    %mul3A_17 = vector.broadcast %mul3A : f32 to vector<2000x128xf32>
    %mul3A_18 = arith.mulf %mul3A_17, %add3A_16 : vector<2000x128xf32>
    %div3A = arith.constant 5.000000e-01 : f32
    %div3A_19 = vector.broadcast %div3A : f32 to vector<2000x128xf32>
    %div3A_20 = arith.divf %add3A_16, %div3A_19 : vector<2000x128xf32>
    %add3A_21 = arith.constant 1.000000e+00 : f32
    %add3A_22 = vector.broadcast %add3A_21 : f32 to vector<2000x128xf32>
    %add3A_23 = arith.addf %add3A_22, %div3A_20 : vector<2000x128xf32>
    %min3A = arith.minimumf %mul3A_18, %add3A_23 : vector<2000x128xf32>
    %max3A = arith.constant 0.000000e+00 : f32
    %max3A_24 = vector.broadcast %max3A : f32 to vector<2000x128xf32>
    %max3A_25 = arith.maximumf %max3A_24, %min3A : vector<2000x128xf32>
    %get3A_26 = arith.constant 0 : index
    %get3A_27 = arith.constant 0 : index
    %get3A_28 = vector.load %arg5[%get3A_26, %get3A_27] : memref<40x128xf32, #tpu.memory_space<vmem>>, vector<40x128xf32>
    %dot_general3A_29 = arith.constant dense<0.000000e+00> : vector<2000x40xf32>
    %dot_general3A_30 = tpu.matmul %max3A_25, %get3A_28, %dot_general3A_29 {dimension_numbers = #tpu.dot_dimension_numbers<[1], [1], [0], [0], [0, 0, 1, 0], [], []>, transpose_lhs_hint = false} : vector<2000x128xf32>, vector<40x128xf32>, vector<2000x40xf32> -> vector<2000x40xf32>
    %get3A_31 = arith.constant 0 : index
    %get3A_32 = arith.constant 0 : index
    %get3A_33 = vector.load %arg6[%get3A_31, %get3A_32] : memref<1x40xf32, #tpu.memory_space<vmem>>, vector<1x40xf32>
    %add3A_34 = vector.broadcast %get3A_33 : vector<1x40xf32> to vector<2000x40xf32>
    %add3A_35 = arith.addf %dot_general3A_30, %add3A_34 : vector<2000x40xf32>
    %mul3A_36 = arith.constant 5.000000e-01 : f32
    %mul3A_37 = vector.broadcast %mul3A_36 : f32 to vector<2000x40xf32>
    %mul3A_38 = arith.mulf %mul3A_37, %add3A_35 : vector<2000x40xf32>
    %div3A_39 = arith.constant 5.000000e-01 : f32
    %div3A_40 = vector.broadcast %div3A_39 : f32 to vector<2000x40xf32>
    %div3A_41 = arith.divf %add3A_35, %div3A_40 : vector<2000x40xf32>
    %add3A_42 = arith.constant 1.000000e+00 : f32
    %add3A_43 = vector.broadcast %add3A_42 : f32 to vector<2000x40xf32>
    %add3A_44 = arith.addf %add3A_43, %div3A_41 : vector<2000x40xf32>
    %min3A_45 = arith.minimumf %mul3A_38, %add3A_44 : vector<2000x40xf32>
    %max3A_46 = arith.constant 0.000000e+00 : f32
    %max3A_47 = vector.broadcast %max3A_46 : f32 to vector<2000x40xf32>
    %max3A_48 = arith.maximumf %max3A_47, %min3A_45 : vector<2000x40xf32>
    %swap3A = arith.constant 0 : index
    %swap3A_49 = arith.constant 0 : index
    %swap3A_50 = vector.load %arg7[%swap3A, %swap3A_49] : memref<2000x40xf32, #tpu.memory_space<vmem>>, vector<2000x40xf32>
    tpu.vector_store %arg7[%swap3A, %swap3A_49], %max3A_48 {strides = array<i32>} : memref<2000x40xf32, #tpu.memory_space<vmem>>, vector<2000x40xf32>,
    return
  }
  func.func @transform_0(%arg0: i32) -> (i32, i32, i32) {
    %c0_i32 = arith.constant 0 : i32
    %c0_i32_0 = arith.constant 0 : i32
    %c0_i32_1 = arith.constant 0 : i32
    return %c0_i32, %arg0, %c0_i32_0 : i32, i32, i32
  }
  func.func @transform_1(%arg0: i32) -> (i32, i32, i32) {
    %c1_i32 = arith.constant 1 : i32
    %c0_i32 = arith.constant 0 : i32
    %c0_i32_0 = arith.constant 0 : i32
    return %c1_i32, %arg0, %c0_i32 : i32, i32, i32
  }
  func.func @transform_2(%arg0: i32) -> (i32, i32) {
    %c0_i32 = arith.constant 0 : i32
    %c0_i32_0 = arith.constant 0 : i32
    return %arg0, %c0_i32 : i32, i32
  }
  func.func @transform_3(%arg0: i32) -> (i32, i32) {
    %c0_i32 = arith.constant 0 : i32
    %c0_i32_0 = arith.constant 0 : i32
    %c0_i32_1 = arith.constant 0 : i32
    return %c0_i32, %c0_i32_0 : i32, i32
  }
  func.func @transform_4(%arg0: i32) -> (i32, i32) {
    %c0_i32 = arith.constant 0 : i32
    %c0_i32_0 = arith.constant 0 : i32
    %c0_i32_1 = arith.constant 0 : i32
    return %c0_i32, %c0_i32_0 : i32, i32
  }
  func.func @transform_5(%arg0: i32) -> (i32, i32) {
    %c0_i32 = arith.constant 0 : i32
    %c0_i32_0 = arith.constant 0 : i32
    %c0_i32_1 = arith.constant 0 : i32
    return %c0_i32, %c0_i32_0 : i32, i32
  }
  func.func @transform_6(%arg0: i32) -> (i32, i32) {
    %c0_i32 = arith.constant 0 : i32
    %c0_i32_0 = arith.constant 0 : i32
    return %arg0, %c0_i32 : i32, i32
  }
}

</mosaic_0001>

<sc_bundles>
// kernel: kernel.10.cloned.1.call-start
scs
__scs_entry_jumppad:
0x0: {  	(pc) =	sbr.rel $0x88, $3  }
0x1: {  	(tag) =	ssettag $0x0;
	lr =	simm.s32 $0x1  }
0x2: {  	[smem:$0x3F8F] =	sst lr;
	_ =	strace $0xD0000000  }
0x3: {  	_ = 	snop  }
0x4: {  	_ = 	snop  }
0x5: {  	_ = 	snop  }
0x6: {  	_ = 	snop  }
0x7: {  	_ = 	snop  }
__scs_overlays_trampoline_lowered:
0x8: {  	[smem:$0x3F9E] =	sst s0  }
0x9: {  	[smem:$0x3F9F] =	sst s1  }
0xa: {  	[smem:$0x3FA0] =	sst s2  }
0xb: {  	[smem:$0x3FA1] =	sst s3  }
0xc: {  	[smem:$0x3FA2] =	sst s4  }
0xd: {  	[smem:$0x3FA3] =	sst s5  }
0xe: {  	[smem:$0x3FA4] =	sst s6  }
0xf: {  	[smem:$0x3FA5] =	sst s7  }
0x10: {  	[smem:$0x3FA6] =	sst s8  }
0x11: {  	[smem:$0x3FA7] =	sst s9;
	s0 =	simm.s32 @!p0 $0x0  }
0x12: {  	s1 =	sld [smem:$0x3F8D];
	s0 =	simm.s32 @p0 $0x1  }
0x13: {  	[smem:$0x3FA8] =	sst s0;
	s0 =	simm.s32 @!p1 $0x0  }
0x14: {  	s2 =	sld [smem:$0x3F8C];
	s0 =	simm.s32 @p1 $0x1  }
0x15: {  	[smem:$0x3FA9] =	sst s0;
	s0 =	simm.s32 @!p2 $0x0  }
0x16: {  	s3 =	sld [smem:$0x3FDB];
	s0 =	simm.s32 @p2 $0x1  }
0x17: {  	s4 =	simm.s32 $0x1BF5;
	[smem:$0x3FAB] =	sst s0  }
0x18: {  	s0 =	sld [smem:$0x3F8E];
	_ =	swait.ge [sflag:s4], $0x0  }
0x19: {  	s7 =	sld [smem:$0x3F8F]  }
0x1a: {  	s8 =	sadd.s32 $0xFFFFE003, lr  }
0x1b: {  	s9 =	sadd.s32 $0xFFFFFEF7, lr;
	s5 =	simm.s32 $0xFFFFFFFF;
	p2 =	slt.u32 s8, $0xFFFFF086  }
0x1c: {  	p1 =	slt.u32 s9, $0xF7A;
	s5 =	simm.s32 @!p2 $0x0  }
0x1d: {  	s5 =	simm.s32 @p1 $0x1;
	p0 =	seq.s32 s7, s2  }
0x1e: {  	s7 =	smul.u32 @!p0 $0xF7A, s2;
	p2 =	seq.s32 @!p0 s5, $0x0  }
0x1f: {  	s9 =	smul.u32 $0xF7A, s1;
	s8 =	simm.s32 @!p0 $0x1BF5;
	p2 =	por !p2, p0  }
0x20: {  	[sflag:s8] =	ssyncset.s32 @!p0 $0xFFFFF086;
	s6 =	sadd.s32 @!p0 s3, s7;
	s7 =	simm.s32 @!p0 $0x108  }
0x21: {  	s3 =	sadd.s32 s3, s9;
	s6 =	sadd.s32 @!p0 $0x88, s6;
	s7 =	simm.s32 @p2 $0x1082  }
0x22: {  	[simem:s7], [sflag:s8] =	dma.local @!p0 [hbm:s6], $0xF7A  }
0x23: {  	s9 =	sor.u32 $0xD0000000, s2;
	s6 =	simm.s32 $0x108;
	_ =	swait.ge @!p0 [sflag:s8], $0x0  }
0x24: {  	s3 =	sadd.s32 $0x88, s3;
	s6 =	simm.s32 @!p1 $0x1082;
	[sflag:s4] =	ssyncset.s32 $0xFFFFF086  }
0x25: {  	[simem:s6], [sflag:s4] =	dma.local [hbm:s3], $0xF7A  }
0x26: {  	[smem:$0x3F8F] =	sst s1;
	(tag) =	ssettag s2;
	_ =	strace s9  }
0x27: {  	s1 =	sld [smem:$0x3F9F]  }
0x28: {  	s2 =	sld [smem:$0x3FA0]  }
0x29: {  	s4 =	sld [smem:$0x3FA2]  }
0x2a: {  	p0 =	seq.s32 s5, $0x0;
	s5 =	sld [smem:$0x3FA3]  }
0x2b: {  	s6 =	sld [smem:$0x3FA4]  }
0x2c: {  	s7 =	sld [smem:$0x3FA5]  }
0x2d: {  	s3 =	simm.s32 $0x108;
	s8 =	sld [smem:$0x3FA6]  }
0x2e: {  	s3 =	simm.s32 @!p0 $0x1082;
	s9 =	sld [smem:$0x3FA7]  }
0x2f: {  	lr =	sadd.s32 s0, s3;
	s0 =	sld [smem:$0x3F9E]  }
0x30: {  	s3 =	sld [smem:$0x3FA1]  }
0x31: {  	[smem:$0x3FAA] =	sst s10  }
0x32: {  	s10 =	sld [smem:$0x3FA8];
	_ =	sdelay $0x3  }
0x33: {  	p0 =	seq.s32 s10, $0x1;
	s10 =	sld [smem:$0x3FAA];
	_ =	sdelay $0x3  }
0x34: {  	[smem:$0x3FAA] =	sst s10  }
0x35: {  	s10 =	sld [smem:$0x3FA9];
	_ =	sdelay $0x3  }
0x36: {  	p1 =	seq.s32 s10, $0x1;
	s10 =	sld [smem:$0x3FAA];
	_ =	sdelay $0x3  }
0x37: {  	[smem:$0x3FAA] =	sst s10  }
0x38: {  	s10 =	sld [smem:$0x3FAB]  }
0x39: {  	_ = 	snop;
	(pc) =	sbr.ind lr, $3  }
0x3a: {  	_ = 	snop  }
0x3b: {  	_ = 	snop  }
0x3c: {  	p2 =	seq.s32 s10, $0x1;
	s10 =	sld [smem:$0x3FAA]  }
0x3d: {  	_ =	shalt  }
0x3e: {  	_ =	shalt  }
0x3f: {  	_ =	shalt  }
0x40: {  	_ =	shalt  }
0x41: {  	_ =	shalt  }
0x42: {  	_ =	shalt  }
0x43: {  	_ =	shalt  }
0x44: {  	_ =	shalt  }
0x45: {  	_ =	shalt  }
0x46: {  	_ =	shalt  }
0x47: {  	_ =	shalt  }
0x48: {  	_ =	shalt  }
0x49: {  	_ =	shalt  }
0x4a: {  	_ =	shalt  }
0x4b: {  	_ =	shalt  }
0x4c: {  	_ =	shalt  }
0x4d: {  	_ =	shalt  }
0x4e: {  	_ =	shalt  }
0x4f: {  	_ =	shalt  }
0x50: {  	_ =	shalt  }
0x51: {  	_ =	shalt  }
0x52: {  	_ =	shalt  }
0x53: {  	_ =	shalt  }
0x54: {  	_ =	shalt  }
0x55: {  	_ =	shalt  }
0x56: {  	_ =	shalt  }
0x57: {  	_ =	shalt  }
0x58: {  	_ =	shalt  }
0x59: {  	_ =	shalt  }
0x5a: {  	_ =	shalt  }
0x5b: {  	_ =	shalt  }
0x5c: {  	_ =	shalt  }
0x5d: {  	_ =	shalt  }
0x5e: {  	_ =	shalt  }
0x5f: {  	_ =	shalt  }
0x60: {  	_ =	shalt  }
0x61: {  	_ =	shalt  }
0x62: {  	_ =	shalt  }
0x63: {  	_ =	shalt  }
0x64: {  	_ =	shalt  }
0x65: {  	_ =	shalt  }
0x66: {  	_ =	shalt  }
0x67: {  	_ =	shalt  }
0x68: {  	_ =	shalt  }
0x69: {  	_ =	shalt  }
0x6a: {  	_ =	shalt  }
0x6b: {  	_ =	shalt  }
0x6c: {  	_ =	shalt  }
0x6d: {  	_ =	shalt  }
0x6e: {  	_ =	shalt  }
0x6f: {  	_ =	shalt  }
0x70: {  	_ =	shalt  }
0x71: {  	_ =	shalt  }
0x72: {  	_ =	shalt  }
0x73: {  	_ =	shalt  }
0x74: {  	_ =	shalt  }
0x75: {  	_ =	shalt  }
0x76: {  	_ =	shalt  }
0x77: {  	_ =	shalt  }
0x78: {  	_ =	shalt  }
0x79: {  	_ =	shalt  }
0x7a: {  	_ =	shalt  }
0x7b: {  	_ =	shalt  }
0x7c: {  	_ =	shalt  }
0x7d: {  	_ =	shalt  }
0x7e: {  	_ =	shalt  }
0x7f: {  	_ =	shalt  }
0x80: {  	_ =	shalt  }
0x81: {  	_ =	shalt  }
0x82: {  	_ =	shalt  }
0x83: {  	_ =	shalt  }
0x84: {  	_ =	shalt  }
0x85: {  	_ =	shalt  }
0x86: {  	_ =	shalt  }
0x87: {  	_ =	shalt  }
.Lfunc_end0:
.L_simem_size_0:
called_computation.1_lowered:
.L_overlay_start_0:
0x88: {  	s2 =	sld [smem:$0x3FD9]  }
0x89: {  	s3 =	sld [smem:$0x3FFE];
	_ =	sdelay $0x1  }
0x8a: {  	s1 =	srdreg.scid  }
0x8b: {  	s0 =	sand.u32 $0x1, s1  }
0x8c: {  	s17 =	sshll.u32 s0, $0xA;
	s2 =	sadd.s32 s3, s2  }
0x8d: {  	s2 =	sadd.s32 s2, s17  }
0x8e: {  	[smem:$0x3FB6] =	sst s2  }
0x8f: {  	_ = 	snop  }
0x90: {  	s2 =	sld [smem:$0x3FD0];
	(tm) =	ssettm $0x1  }
0x91: {  	s18 =	sld [smem:$0x3FFB];
	_ =	sdelay $0x3  }
0x92: {  	_ =	strace s18  }
0x93: {  	s3 =	sld [smem:$0x3FFC];
	_ =	sdelay $0x3  }
0x94: {  	_ =	strace s3  }
0x95: {  	s3 =	sld [smem:$0x3FFD];
	_ =	sdelay $0x3  }
0x96: {  	_ =	strace s3  }
0x97: {  	_ =	strace $0x8FFFFFFF  }
0x98: {  	s19 =	sld [smem:$0x3FDB];
	_ =	sdelay $0x1  }
0x99: {  	s4 =	simm.s32 $_scs_section_size  }
0x9a: {  	s5 =	simm.s32 $_size__tile_overlayer_lowered;
	s6 =	simm.s32 $_tile_overlayer_lowered  }
0x9b: {  	s22 =	simm.s32 $0x1BFF;
	s21 =	sshll.u32 s6, $0x1;
	s3 =	sadd.s32 s4, s19  }
0x9c: {  	s7 =	simm.s32 $0x0;
	s20 =	sshll.u32 s5, $0x1;
	s5 =	sadd.s32 s21, s3  }
0x9d: {  	[timem:s7], [sflag:s22] =	dma.local [hbm:s5], s20  }
0x9e: {  	_ =	swait.ge [sflag:s22], s20  }
0x9f: {  	s4 =	ssub.s32 $0x0, s20;
	[sflag:s22] =	ssyncset.done $0x0  }
0xa0: {  	[sflag:s22] =	ssyncadd.s32 s4;
	_ =	sdelay $0x1  }
0xa1: {  	s23 =	simm.s32 $0x1B8B  }
0xa2: {  	_ =	swait.ge [sflag:s23], $0x1  }
0xa3: {  	[sflag:s23] =	ssyncset.done $0x0  }
0xa4: {  	s25 =	simm.s32 $0x1B8E;
	s24 =	sld [smem:$0x3FFE];
	[sflag:s23] =	ssyncadd.s32 $0xFFFFFFFF  }
0xa5: {  	s26 =	simm.s32 $execute0_lowered;
	[smem:$0x3FD2] =	sst s25  }
0xa6: {  	s5 =	sshll.u32 s26, $0x1;
	_ =	strace $0x80000049;
	[dreg:$0x1] =	wrdreg $0xFFFFFFFF  }
0xa7: {  	s28 =	simm.s32 $_size_execute0_lowered;
	s3 =	sadd.s32 s3, s5;
	[dreg:$0x0] =	wrdreg $0x0  }
0xa8: {  	s5 =	sshll.u32 s28, $0x1;
	[dreg:$0x2] =	wrdreg s3  }
0xa9: {  	[dreg:$0x3] =	wrdreg s5  }
0xaa: {  	[dreg:$0x4] =	wrdreg $0xC0  }
0xab: {  	_ =	task [dreg:s7], $0x5FFFF  }
0xac: {  	[dreg:$0x1] =	wrdreg $0xFFFFFFFF  }
0xad: {  	[dreg:$0x0] =	wrdreg $0x60  }
0xae: {  	[dreg:$0x2] =	wrdreg s24  }
0xaf: {  	[dreg:$0x3] =	wrdreg s2  }
0xb0: {  	[dreg:$0x4] =	wrdreg $0xA8000  }
0xb1: {  	[dreg:$0x5] =	wrdreg $0x9  }
0xb2: {  	_ =	task.clear_ibuf [dreg:s7], $0x6FFFF;
	_ =	strace $0x90000049  }
0xb3: {  	s29 =	simm.s32 $0x9;
	_ =	strace $0x8000004B  }
0xb4: {  	_ =	swait.ge [sflag:s29], $0x1  }
0xb5: {  	[sflag:s29] =	ssyncadd.s32 $0xFFFFFFFF  }
0xb6: {  	_ =	strace $0x9000004B  }
0xb7: {  	_ =	sfence  }
0xb8: {  	s30 =	sld [smem:$0x0];
	_ =	sdelay $0x2  }
0xb9: {  	s31 =	sshll.u32 s1, $0xD;
	s1 =	sshrl.u32 s1, $0x2  }
0xba: {  	s3 =	sand.u32 $0x4000, s31;
	s1 =	sadd.s32 s1, s30  }
0xbb: {  	s0 =	sor.u32 s3, s0;
	s1 =	sshll.u32 s1, $0x11  }
0xbc: {  	s0 =	sor.u32 s1, s0  }
0xbd: {  	s0 =	sadd.s32 $0x8F2B, s0  }
0xbe: {  	[sflag:s0] =	ssyncadd.remote.s32 $0x1  }
0xbf: {  	_ =	sfence.sel $0xFFFF  }
0xc0: {  	[dreg:$0x0] =	wrdreg $0xFFFFFFFF;
	(pc) =	sbr.abs _section_cstart, $3  }
0xc1: {  	[dreg:$0x1] =	wrdreg $0xFFFFFFFF  }
0xc2: {  	_ =	task.clear_ibuf [dreg:s7], $0x2FFFF;
	_ =	strace $0x9FFFFFFF  }
0xc3: {  	(tm) =	ssettm $0x7FFFFFFF  }
tec
execute0_lowered:
.L_overlay_start_1:
0x0: {  	(tag) =	ssettag $0x1  }
0x1: {  	s5 =	rddreg [dreg:$0x0]  }
0x2: {  	s12 =	rddreg [dreg:$0x1]  }
0x3: {  	s2 =	rddreg [dreg:$0x2]  }
0x4: {  	s0 =	rddreg [dreg:$0x3]  }
0x5: {  	s4 =	srdreg.scid;
	s1 =	stileid.u32;
	s3 =	simm.s32 $0x0  }
0x6: {  	s18 =	simm.s32 $0x1400;
	s19 =	simm.s32 $0x80;
	s20 =	simm.s32 $0x6800  }
0x7: {  	s21 =	simm.s32 $0x1;
	s22 =	simm.s32 $0x2;
	s23 =	simm.s32 $0x1480  }
0x8: {  	s24 =	simm.s32 $0x3;
	s25 =	simm.s32 $0x4;
	s6 =	sand.u32 $0x1, s4  }
0x9: {  	s7 =	smul.u32 $0x2800, s1;
	[smem:$0x7FF] =	sst s3;
	s4 =	sadd.s32 $0xD000, s5  }
0xa: {  	s13 =	sadd.s32 $0x3000, s5;
	s26 =	smul.u32 $0x50000, s1;
	s29 =	sshll.u32 s1, $0x1  }
0xb: {  	s8 =	smul.u32 $0x28000, s6;
	s28 =	ssub.s32 $0x2, s6;
	s10 =	sor.u32 s6, s29  }
0xc: {  	_ =	strace $0x8000004A;
	s9 =	sshrl.u32 s28, $0x1;
	s11 =	smul.u32 $0x2800, s10  }
0xd: {  	s30 =	sshrl.u32 s26, $0x2;
	s16 =	smul.u32 $0x500, s10;
	s7 =	sadd.s32 s7, s8  }
0xe: {  	s26 =	simm.s32 $0x0;
	s15 =	ssub.s32 s28, s9;
	s14 =	sadd.s32 s7, s5  }
0xf: {  	s5 =	sadd.s32 s30, s2;
	s17 =	sshrl.u32 s11, $0x3;
	s10 =	sadd.s32 s12, s16  }
0x10: {  	s11 =	sadd.s32 s13, s16;
	s15 =	smax.u32 s15, $0x1;
	s16 =	simm.s32 $0x2800  }
0x11: {  	s6 =	sadd.s32 $0x4000, s5;
	s7 =	sadd.s32 $0x8000, s5;
	s8 =	sadd.s32 $0xC000, s5  }
0x12: {  	s9 =	sadd.s32 $0x10000, s5;
	s31 =	sadd.s32 $0x280, s17;
	s14 =	sadd.s32 $0x34200, s14  }
0x13: {  	v0 =	vimm.f32 $0.0e+00;
	s17 =	simm.s32 $0x5;
	s12 =	sadd.s32 s12, s31;
	s13 =	sadd.s32 s13, s31  }
.LBB2_1:
0x14: {  	s28 =	simm.s32 $0x0;
	s29 =	simm.s32 $0x200  }
.LBB2_2:
0x15: {  	p0 =	sne.s32 s29, $0xFE00;
	[tilespmem:s28+$0x2870] =	vst v0  }
0x16: {  	[tilespmem:s28+$0x2800] =	vst v0  }
0x17: {  	[tilespmem:s28+$0x2810] =	vst v0  }
.Ltmp0:
0x18: {  	[tilespmem:s28+$0x2820] =	vst v0;
	(pc) =	sbr.rel @p0 .LBB2_2-.Ltmp0, $4  }
0x19: {  	[tilespmem:s28+$0x2830] =	vst v0  }
0x1a: {  	[tilespmem:s28+$0x2840] =	vst v0  }
0x1b: {  	[tilespmem:s28+$0x2850] =	vst v0  }
0x1c: {  	[tilespmem:s28+$0x2860] =	vst v0;
	s28 =	sshra.s32 s29, $0x2;
	s29 =	sadd.s32 $0x200, s29  }
0x1d: {  	[tilespmem:s28+$0x2870] =	vst v0  }
0x1e: {  	[tilespmem:s28+$0x2800] =	vst v0  }
0x1f: {  	[tilespmem:s28+$0x2810] =	vst v0  }
0x20: {  	[tilespmem:s28+$0x2820] =	vst v0  }
0x21: {  	[tilespmem:s28+$0x2830] =	vst v0  }
0x22: {  	[tilespmem:s28+$0x2840] =	vst v0  }
0x23: {  	[tilespmem:s28+$0x2850] =	vst v0  }
0x24: {  	[tilespmem:s28+$0x2860] =	vst v0  }
0x25: {  	[spmem:s5] =	stream.linear.scatter [tilespmem:s16], [sflag:$0x5], $0x4000, $0x38;
	[tilespmem:$0x1E800] =	vst v63  }
0x26: {  	_ =	swait.ge [sflag:s17], $0x4000  }
0x27: {  	[sflag:s17] =	ssyncset.done $0x0  }
0x28: {  	[sflag:s17] =	ssyncadd.s32 $0xFFFFC000  }
0x29: {  	[spmem:s6] =	stream.linear.scatter [tilespmem:s16], [sflag:$0x5], $0x4000, $0x38;
	[tilespmem:$0x1E800] =	vst v63  }
0x2a: {  	_ =	swait.ge [sflag:s17], $0x4000  }
0x2b: {  	[sflag:s17] =	ssyncset.done $0x0  }
0x2c: {  	[sflag:s17] =	ssyncadd.s32 $0xFFFFC000  }
0x2d: {  	[spmem:s7] =	stream.linear.scatter [tilespmem:s16], [sflag:$0x5], $0x4000, $0x38;
	[tilespmem:$0x1E800] =	vst v63  }
0x2e: {  	_ =	swait.ge [sflag:s17], $0x4000  }
0x2f: {  	[sflag:s17] =	ssyncset.done $0x0  }
0x30: {  	[sflag:s17] =	ssyncadd.s32 $0xFFFFC000  }
0x31: {  	[spmem:s8] =	stream.linear.scatter [tilespmem:s16], [sflag:$0x5], $0x4000, $0x38;
	[tilespmem:$0x1E800] =	vst v63  }
0x32: {  	_ =	swait.ge [sflag:s17], $0x4000  }
0x33: {  	[sflag:s17] =	ssyncset.done $0x0  }
0x34: {  	[sflag:s17] =	ssyncadd.s32 $0xFFFFC000  }
0x35: {  	[spmem:s9] =	stream.linear.scatter [tilespmem:s16], [sflag:$0x5], $0x4000, $0x38;
	[tilespmem:$0x1E800] =	vst v63  }
0x36: {  	_ =	swait.ge [sflag:s17], $0x4000  }
0x37: {  	[sflag:s17] =	ssyncset.done $0x0  }
0x38: {  	[sflag:s17] =	ssyncadd.s32 $0xFFFFC000  }
0x39: {  	[bflag:$0x0] =	sbarrier.arrive $0xFFFF  }
0x3a: {  	[tilespmem:s3], [sflag:$0x5] =	stream.linear.gather [hbm4b:s10+s3], $0x1400, $0x38;
	[tilespmem:$0x1E800] =	vst v63  }
0x3b: {  	_ =	swait.ge [sflag:s17], $0x1400  }
0x3c: {  	[sflag:s17] =	ssyncset.done $0x0  }
0x3d: {  	[sflag:s17] =	ssyncadd.s32 $0xFFFFEC00  }
0x3e: {  	[tilespmem:s18], [sflag:$0x5] =	stream.linear.gather [hbm4b:s11+s3], $0x1400, $0x38;
	[tilespmem:$0x1E800] =	vst v63  }
0x3f: {  	_ =	swait.ge [sflag:s17], $0x1400  }
0x40: {  	[sflag:s17] =	ssyncset.done $0x0  }
0x41: {  	[sflag:s17] =	ssyncadd.s32 $0xFFFFEC00  }
0x42: {  	[tilespmem:s16], [sflag:$0x1] =	stream.indirect.gather [hbm4b:s4+s19], $0x80, s3, s19, $0xb8;
	[tilespmem:$0x1E800] =	vst v63  }
0x43: {  	_ = 	snop  }
0x44: {  	[tilespmem:s20], [sflag:$0x2] =	stream.indirect.gather [hbm4b:s4+s19], $0x80, s19, s19, $0xb8;
	[tilespmem:$0x1E800] =	vst v63  }
0x45: {  	_ =	swait.ge [sflag:s21], $0x4000  }
0x46: {  	[sflag:s21] =	ssyncset.done $0x0  }
0x47: {  	[sflag:s21] =	ssyncadd.s32 $0xFFFFC000  }
0x48: {  	[spmem:s2] =	stream.indirect.scatter.add.f32 [tilespmem:s16], [sflag:$0x3], $0x80, s18, s19, $0xb8;
	[tilespmem:$0x1E800] =	vst v63  }
0x49: {  	_ =	swait.ge [sflag:s22], $0x4000  }
0x4a: {  	[sflag:s22] =	ssyncset.done $0x0  }
0x4b: {  	[sflag:s22] =	ssyncadd.s32 $0xFFFFC000  }
0x4c: {  	[spmem:s2] =	stream.indirect.scatter.add.f32 [tilespmem:s20], [sflag:$0x4], $0x80, s23, s19, $0xb8;
	[tilespmem:$0x1E800] =	vst v63  }
0x4d: {  	_ =	swait.ge [sflag:s24], $0x4000  }
0x4e: {  	[sflag:s24] =	ssyncset.done $0x0  }
0x4f: {  	[sflag:s24] =	ssyncadd.s32 $0xFFFFC000  }
0x50: {  	_ =	swait.ge [sflag:s25], $0x4000  }
0x51: {  	[sflag:s25] =	ssyncset.done $0x0  }
0x52: {  	s28 =	simm.s32 $0x100;
	[sflag:s25] =	ssyncadd.s32 $0xFFFFC000  }
0x53: {  	[tilespmem:s16], [sflag:$0x1] =	stream.indirect.gather [hbm4b:s4+s19], $0x80, s28, s19, $0xb8;
	[tilespmem:$0x1E800] =	vst v63  }
0x54: {  	s28 =	simm.s32 $0x180  }
0x55: {  	[tilespmem:s20], [sflag:$0x2] =	stream.indirect.gather [hbm4b:s4+s19], $0x80, s28, s19, $0xb8;
	[tilespmem:$0x1E800] =	vst v63  }
0x56: {  	_ =	swait.ge [sflag:s21], $0x4000  }
0x57: {  	[sflag:s21] =	ssyncset.done $0x0  }
0x58: {  	s28 =	simm.s32 $0x1500;
	[sflag:s21] =	ssyncadd.s32 $0xFFFFC000  }
0x59: {  	[spmem:s2] =	stream.indirect.scatter.add.f32 [tilespmem:s16], [sflag:$0x3], $0x80, s28, s19, $0xb8;
	[tilespmem:$0x1E800] =	vst v63  }
0x5a: {  	_ =	swait.ge [sflag:s22], $0x4000  }
0x5b: {  	[sflag:s22] =	ssyncset.done $0x0  }
0x5c: {  	s29 =	simm.s32 $0x1580;
	s28 =	simm.s32 $0xFFFFB800;
	[sflag:s22] =	ssyncadd.s32 $0xFFFFC000  }
.LBB2_4:
0x5d: {  	[spmem:s2] =	stream.indirect.scatter.add.f32 [tilespmem:s20], [sflag:$0x4], $0x80, s29, s19, $0xb8;
	[tilespmem:$0x1E800] =	vst v63  }
0x5e: {  	s29 =	smov.u32 s28  }
0x5f: {  	p0 =	sne.s32 s28, $0xFFFFFC00;
	s28 =	sadd.s32 $0x400, s28;
	_ =	swait.ge [sflag:s24], $0x4000  }
0x60: {  	[sflag:s24] =	ssyncset.done $0x0  }
0x61: {  	[sflag:s24] =	ssyncadd.s32 $0xFFFFC000  }
0x62: {  	_ =	swait.ge [sflag:s25], $0x4000  }
0x63: {  	s29 =	sshra.s32 s29, $0x2;
	[sflag:s25] =	ssyncset.done $0x0  }
0x64: {  	s30 =	sadd.s32 $0x1400, s29;
	[sflag:s25] =	ssyncadd.s32 $0xFFFFC000  }
0x65: {  	[tilespmem:s16], [sflag:$0x1] =	stream.indirect.gather [hbm4b:s4+s19], $0x80, s30, s19, $0xb8;
	[tilespmem:$0x1E800] =	vst v63  }
0x66: {  	s30 =	sadd.s32 $0x1480, s29  }
0x67: {  	[tilespmem:s20], [sflag:$0x2] =	stream.indirect.gather [hbm4b:s4+s19], $0x80, s30, s19, $0xb8;
	[tilespmem:$0x1E800] =	vst v63  }
0x68: {  	_ =	swait.ge [sflag:s21], $0x4000  }
0x69: {  	[sflag:s21] =	ssyncset.done $0x0  }
.Ltmp1:
0x6a: {  	s30 =	sadd.s32 $0x2800, s29;
	[sflag:s21] =	ssyncadd.s32 $0xFFFFC000;
	(pc) =	sbr.rel @p0 .LBB2_4-.Ltmp1, $4  }
0x6b: {  	[spmem:s2] =	stream.indirect.scatter.add.f32 [tilespmem:s16], [sflag:$0x3], $0x80, s30, s19, $0xb8;
	[tilespmem:$0x1E800] =	vst v63  }
0x6c: {  	_ =	swait.ge [sflag:s22], $0x4000  }
0x6d: {  	[sflag:s22] =	ssyncset.done $0x0  }
0x6e: {  	s29 =	sadd.s32 $0x2880, s29;
	[sflag:s22] =	ssyncadd.s32 $0xFFFFC000  }
0x6f: {  	[spmem:s2] =	stream.indirect.scatter.add.f32 [tilespmem:s20], [sflag:$0x4], $0x80, s29, s19, $0xb8;
	[tilespmem:$0x1E800] =	vst v63  }
0x70: {  	_ =	swait.ge [sflag:s24], $0x4000  }
0x71: {  	[sflag:s24] =	ssyncset.done $0x0  }
0x72: {  	[sflag:s24] =	ssyncadd.s32 $0xFFFFC000  }
0x73: {  	_ =	swait.ge [sflag:s25], $0x4000  }
0x74: {  	[sflag:s25] =	ssyncset.done $0x0  }
0x75: {  	[sflag:s25] =	ssyncadd.s32 $0xFFFFC000  }
0x76: {  	[tilespmem:s3], [sflag:$0x5] =	stream.linear.gather [hbm4b:s12+s3], $0x1400, $0x38;
	[tilespmem:$0x1E800] =	vst v63  }
0x77: {  	_ =	swait.ge [sflag:s17], $0x1400  }
0x78: {  	[sflag:s17] =	ssyncset.done $0x0  }
0x79: {  	[sflag:s17] =	ssyncadd.s32 $0xFFFFEC00  }
0x7a: {  	[tilespmem:s18], [sflag:$0x5] =	stream.linear.gather [hbm4b:s13+s3], $0x1400, $0x38;
	[tilespmem:$0x1E800] =	vst v63  }
0x7b: {  	_ =	swait.ge [sflag:s17], $0x1400  }
0x7c: {  	[sflag:s17] =	ssyncset.done $0x0  }
0x7d: {  	[sflag:s17] =	ssyncadd.s32 $0xFFFFEC00  }
0x7e: {  	[tilespmem:s16], [sflag:$0x1] =	stream.indirect.gather [hbm4b:s4+s19], $0x80, s3, s19, $0xb8;
	[tilespmem:$0x1E800] =	vst v63  }
0x7f: {  	_ = 	snop  }
0x80: {  	[tilespmem:s20], [sflag:$0x2] =	stream.indirect.gather [hbm4b:s4+s19], $0x80, s19, s19, $0xb8;
	[tilespmem:$0x1E800] =	vst v63  }
0x81: {  	_ =	swait.ge [sflag:s21], $0x4000  }
0x82: {  	[sflag:s21] =	ssyncset.done $0x0  }
0x83: {  	[sflag:s21] =	ssyncadd.s32 $0xFFFFC000  }
0x84: {  	[spmem:s2] =	stream.indirect.scatter.add.f32 [tilespmem:s16], [sflag:$0x3], $0x80, s18, s19, $0xb8;
	[tilespmem:$0x1E800] =	vst v63  }
0x85: {  	_ =	swait.ge [sflag:s22], $0x4000  }
0x86: {  	[sflag:s22] =	ssyncset.done $0x0  }
0x87: {  	[sflag:s22] =	ssyncadd.s32 $0xFFFFC000  }
0x88: {  	[spmem:s2] =	stream.indirect.scatter.add.f32 [tilespmem:s20], [sflag:$0x4], $0x80, s23, s19, $0xb8;
	[tilespmem:$0x1E800] =	vst v63  }
0x89: {  	_ =	swait.ge [sflag:s24], $0x4000  }
0x8a: {  	[sflag:s24] =	ssyncset.done $0x0  }
0x8b: {  	[sflag:s24] =	ssyncadd.s32 $0xFFFFC000  }
0x8c: {  	_ =	swait.ge [sflag:s25], $0x4000  }
0x8d: {  	[sflag:s25] =	ssyncset.done $0x0  }
0x8e: {  	s28 =	simm.s32 $0x100;
	[sflag:s25] =	ssyncadd.s32 $0xFFFFC000  }
0x8f: {  	[tilespmem:s16], [sflag:$0x1] =	stream.indirect.gather [hbm4b:s4+s19], $0x80, s28, s19, $0xb8;
	[tilespmem:$0x1E800] =	vst v63  }
0x90: {  	s28 =	simm.s32 $0x180  }
0x91: {  	[tilespmem:s20], [sflag:$0x2] =	stream.indirect.gather [hbm4b:s4+s19], $0x80, s28, s19, $0xb8;
	[tilespmem:$0x1E800] =	vst v63  }
0x92: {  	_ =	swait.ge [sflag:s21], $0x4000  }
0x93: {  	[sflag:s21] =	ssyncset.done $0x0  }
0x94: {  	s28 =	simm.s32 $0x1500;
	[sflag:s21] =	ssyncadd.s32 $0xFFFFC000  }
0x95: {  	[spmem:s2] =	stream.indirect.scatter.add.f32 [tilespmem:s16], [sflag:$0x3], $0x80, s28, s19, $0xb8;
	[tilespmem:$0x1E800] =	vst v63  }
0x96: {  	_ =	swait.ge [sflag:s22], $0x4000  }
0x97: {  	[sflag:s22] =	ssyncset.done $0x0  }
0x98: {  	s29 =	simm.s32 $0x1580;
	s28 =	simm.s32 $0xFFFFB800;
	[sflag:s22] =	ssyncadd.s32 $0xFFFFC000  }
.LBB2_6:
0x99: {  	[spmem:s2] =	stream.indirect.scatter.add.f32 [tilespmem:s20], [sflag:$0x4], $0x80, s29, s19, $0xb8;
	[tilespmem:$0x1E800] =	vst v63  }
0x9a: {  	s29 =	smov.u32 s28  }
0x9b: {  	p0 =	sne.s32 s28, $0xFFFFFC00;
	s28 =	sadd.s32 $0x400, s28;
	_ =	swait.ge [sflag:s24], $0x4000  }
0x9c: {  	[sflag:s24] =	ssyncset.done $0x0  }
0x9d: {  	[sflag:s24] =	ssyncadd.s32 $0xFFFFC000  }
0x9e: {  	_ =	swait.ge [sflag:s25], $0x4000  }
0x9f: {  	s29 =	sshra.s32 s29, $0x2;
	[sflag:s25] =	ssyncset.done $0x0  }
0xa0: {  	s30 =	sadd.s32 $0x1400, s29;
	[sflag:s25] =	ssyncadd.s32 $0xFFFFC000  }
0xa1: {  	[tilespmem:s16], [sflag:$0x1] =	stream.indirect.gather [hbm4b:s4+s19], $0x80, s30, s19, $0xb8;
	[tilespmem:$0x1E800] =	vst v63  }
0xa2: {  	s30 =	sadd.s32 $0x1480, s29  }
0xa3: {  	[tilespmem:s20], [sflag:$0x2] =	stream.indirect.gather [hbm4b:s4+s19], $0x80, s30, s19, $0xb8;
	[tilespmem:$0x1E800] =	vst v63  }
0xa4: {  	_ =	swait.ge [sflag:s21], $0x4000  }
0xa5: {  	[sflag:s21] =	ssyncset.done $0x0  }
.Ltmp2:
0xa6: {  	s30 =	sadd.s32 $0x2800, s29;
	[sflag:s21] =	ssyncadd.s32 $0xFFFFC000;
	(pc) =	sbr.rel @p0 .LBB2_6-.Ltmp2, $4  }
0xa7: {  	[spmem:s2] =	stream.indirect.scatter.add.f32 [tilespmem:s16], [sflag:$0x3], $0x80, s30, s19, $0xb8;
	[tilespmem:$0x1E800] =	vst v63  }
0xa8: {  	_ =	swait.ge [sflag:s22], $0x4000  }
0xa9: {  	[sflag:s22] =	ssyncset.done $0x0  }
0xaa: {  	s29 =	sadd.s32 $0x2880, s29;
	[sflag:s22] =	ssyncadd.s32 $0xFFFFC000  }
0xab: {  	[spmem:s2] =	stream.indirect.scatter.add.f32 [tilespmem:s20], [sflag:$0x4], $0x80, s29, s19, $0xb8;
	[tilespmem:$0x1E800] =	vst v63  }
0xac: {  	_ =	swait.ge [sflag:s24], $0x4000  }
0xad: {  	[sflag:s24] =	ssyncset.done $0x0  }
0xae: {  	[sflag:s24] =	ssyncadd.s32 $0xFFFFC000  }
0xaf: {  	_ =	swait.ge [sflag:s25], $0x4000  }
0xb0: {  	s28 =	sshll.u32 s1, $0x6;
	s26 =	sadd.s32 $0x1, s26;
	[sflag:s25] =	ssyncset.done $0x0  }
0xb1: {  	s31 =	sshrl.u32 s5, $0x3;
	p0 =	sne.s32 s26, s15;
	[sflag:s25] =	ssyncadd.s32 $0xFFFFC000  }
.Ltmp3:
0xb2: {  	s28 =	sor.u32 $0x1C05, s28;
	[bflag:$0x0] =	sbarrier.arrive $0xFFFF;
	(pc) =	sbr.rel @p0 .LBB2_1-.Ltmp3, $4  }
0xb3: {  	[hbm:s14], [sflag:s28] =	dma.local [spmem:s31], $0x2800  }
0xb4: {  	_ =	swait.ge [sflag:s17], $0x2800  }
0xb5: {  	[sflag:s17] =	ssyncset.done $0x0  }
0xb6: {  	[sflag:s17] =	ssyncadd.s32 $0xFFFFD800  }
0xb7: {  	_ =	sfence.sel $0x180000  }
0xb8: {  	[bflag:$0x0] =	sbarrier.arrive $0xFFFF  }
0xb9: {  	p0 =	sne.s32 s1, $0x0;
	_ =	strace $0x9000004A  }
0xba: {  	s0 =	sadd.s32 @!p0 $0x100000, s0;
	[bflag:$0x2] =	sbarrier.arrive $0xFFFF  }
0xbb: {  	[sflag:s0] =	ssyncadd.tile.s32 @!p0 $0x1;
	_ =	shalt  }
.Lfunc_end2:
_tile_overlayer_lowered:
.L_overlay_start_2:
0xbc: {  	(tag) =	ssettag $0x2  }
0xbd: {  	s0 =	rddreg [dreg:$0x0];
	s2 =	stileid.u32  }
0xbe: {  	s1 =	rddreg [dreg:$0x1];
	p0 =	sne.s32 s2, $0x0  }
0xbf: {  	s3 =	rddreg [dreg:$0x2];
	[bflag:$0x3] =	sbarrier.arrive $0xFFFF;
	s2 =	simm.s32 @!p0 $0x1C05  }
0xc0: {  	[timem:s3], [sflag:s2] =	dma.local @!p0 [hbm:s0], s1  }
0xc1: {  	s0 =	simm.s32 @!p0 $0x5  }
0xc2: {  	_ =	swait.ge @!p0 [sflag:s0], s1  }
0xc3: {  	s1 =	ssub.s32 @!p0 $0x0, s1;
	[sflag:s0] =	ssyncset.done @!p0 $0x0  }
0xc4: {  	[sflag:s0] =	ssyncadd.s32 @!p0 s1  }
0xc5: {  	[bflag:$0x3] =	sbarrier.arrive $0xFFFF  }
0xc6: {  	_ =	shalt  }

// kernel: kernel.7.cloned.1.call-start
scs
__scs_entry_jumppad:
0x0: {  	(pc) =	sbr.rel $0x88, $3  }
0x1: {  	(tag) =	ssettag $0x0;
	lr =	simm.s32 $0x1  }
0x2: {  	[smem:$0x3F8F] =	sst lr;
	_ =	strace $0xD0000000  }
0x3: {  	_ = 	snop  }
0x4: {  	_ = 	snop  }
0x5: {  	_ = 	snop  }
0x6: {  	_ = 	snop  }
0x7: {  	_ = 	snop  }
__scs_overlays_trampoline_lowered:
0x8: {  	[smem:$0x3F9E] =	sst s0  }
0x9: {  	[smem:$0x3F9F] =	sst s1  }
0xa: {  	[smem:$0x3FA0] =	sst s2  }
0xb: {  	[smem:$0x3FA1] =	sst s3  }
0xc: {  	[smem:$0x3FA2] =	sst s4  }
0xd: {  	[smem:$0x3FA3] =	sst s5  }
0xe: {  	[smem:$0x3FA4] =	sst s6  }
0xf: {  	[smem:$0x3FA5] =	sst s7  }
0x10: {  	[smem:$0x3FA6] =	sst s8  }
0x11: {  	[smem:$0x3FA7] =	sst s9;
	s0 =	simm.s32 @!p0 $0x0  }
0x12: {  	s1 =	sld [smem:$0x3F8D];
	s0 =	simm.s32 @p0 $0x1  }
0x13: {  	[smem:$0x3FA8] =	sst s0;
	s0 =	simm.s32 @!p1 $0x0  }
0x14: {  	s2 =	sld [smem:$0x3F8C];
	s0 =	simm.s32 @p1 $0x1  }
0x15: {  	[smem:$0x3FA9] =	sst s0;
	s0 =	simm.s32 @!p2 $0x0  }
0x16: {  	s3 =	sld [smem:$0x3FDB];
	s0 =	simm.s32 @p2 $0x1  }
0x17: {  	s4 =	simm.s32 $0x1BF5;
	[smem:$0x3FAB] =	sst s0  }
0x18: {  	s0 =	sld [smem:$0x3F8E];
	_ =	swait.ge [sflag:s4], $0x0  }
0x19: {  	s7 =	sld [smem:$0x3F8F]  }
0x1a: {  	s8 =	sadd.s32 $0xFFFFE003, lr  }
0x1b: {  	s9 =	sadd.s32 $0xFFFFFEF7, lr;
	s5 =	simm.s32 $0xFFFFFFFF;
	p2 =	slt.u32 s8, $0xFFFFF086  }
0x1c: {  	p1 =	slt.u32 s9, $0xF7A;
	s5 =	simm.s32 @!p2 $0x0  }
0x1d: {  	s5 =	simm.s32 @p1 $0x1;
	p0 =	seq.s32 s7, s2  }
0x1e: {  	s7 =	smul.u32 @!p0 $0xF7A, s2;
	p2 =	seq.s32 @!p0 s5, $0x0  }
0x1f: {  	s9 =	smul.u32 $0xF7A, s1;
	s8 =	simm.s32 @!p0 $0x1BF5;
	p2 =	por !p2, p0  }
0x20: {  	[sflag:s8] =	ssyncset.s32 @!p0 $0xFFFFF086;
	s6 =	sadd.s32 @!p0 s3, s7;
	s7 =	simm.s32 @!p0 $0x108  }
0x21: {  	s3 =	sadd.s32 s3, s9;
	s6 =	sadd.s32 @!p0 $0x88, s6;
	s7 =	simm.s32 @p2 $0x1082  }
0x22: {  	[simem:s7], [sflag:s8] =	dma.local @!p0 [hbm:s6], $0xF7A  }
0x23: {  	s9 =	sor.u32 $0xD0000000, s2;
	s6 =	simm.s32 $0x108;
	_ =	swait.ge @!p0 [sflag:s8], $0x0  }
0x24: {  	s3 =	sadd.s32 $0x88, s3;
	s6 =	simm.s32 @!p1 $0x1082;
	[sflag:s4] =	ssyncset.s32 $0xFFFFF086  }
0x25: {  	[simem:s6], [sflag:s4] =	dma.local [hbm:s3], $0xF7A  }
0x26: {  	[smem:$0x3F8F] =	sst s1;
	(tag) =	ssettag s2;
	_ =	strace s9  }
0x27: {  	s1 =	sld [smem:$0x3F9F]  }
0x28: {  	s2 =	sld [smem:$0x3FA0]  }
0x29: {  	s4 =	sld [smem:$0x3FA2]  }
0x2a: {  	p0 =	seq.s32 s5, $0x0;
	s5 =	sld [smem:$0x3FA3]  }
0x2b: {  	s6 =	sld [smem:$0x3FA4]  }
0x2c: {  	s7 =	sld [smem:$0x3FA5]  }
0x2d: {  	s3 =	simm.s32 $0x108;
	s8 =	sld [smem:$0x3FA6]  }
0x2e: {  	s3 =	simm.s32 @!p0 $0x1082;
	s9 =	sld [smem:$0x3FA7]  }
0x2f: {  	lr =	sadd.s32 s0, s3;
	s0 =	sld [smem:$0x3F9E]  }
0x30: {  	s3 =	sld [smem:$0x3FA1]  }
0x31: {  	[smem:$0x3FAA] =	sst s10  }
0x32: {  	s10 =	sld [smem:$0x3FA8];
	_ =	sdelay $0x3  }
0x33: {  	p0 =	seq.s32 s10, $0x1;
	s10 =	sld [smem:$0x3FAA];
	_ =	sdelay $0x3  }
0x34: {  	[smem:$0x3FAA] =	sst s10  }
0x35: {  	s10 =	sld [smem:$0x3FA9];
	_ =	sdelay $0x3  }
0x36: {  	p1 =	seq.s32 s10, $0x1;
	s10 =	sld [smem:$0x3FAA];
	_ =	sdelay $0x3  }
0x37: {  	[smem:$0x3FAA] =	sst s10  }
0x38: {  	s10 =	sld [smem:$0x3FAB]  }
0x39: {  	_ = 	snop;
	(pc) =	sbr.ind lr, $3  }
0x3a: {  	_ = 	snop  }
0x3b: {  	_ = 	snop  }
0x3c: {  	p2 =	seq.s32 s10, $0x1;
	s10 =	sld [smem:$0x3FAA]  }
0x3d: {  	_ =	shalt  }
0x3e: {  	_ =	shalt  }
0x3f: {  	_ =	shalt  }
0x40: {  	_ =	shalt  }
0x41: {  	_ =	shalt  }
0x42: {  	_ =	shalt  }
0x43: {  	_ =	shalt  }
0x44: {  	_ =	shalt  }
0x45: {  	_ =	shalt  }
0x46: {  	_ =	shalt  }
0x47: {  	_ =	shalt  }
0x48: {  	_ =	shalt  }
0x49: {  	_ =	shalt  }
0x4a: {  	_ =	shalt  }
0x4b: {  	_ =	shalt  }
0x4c: {  	_ =	shalt  }
0x4d: {  	_ =	shalt  }
0x4e: {  	_ =	shalt  }
0x4f: {  	_ =	shalt  }
0x50: {  	_ =	shalt  }
0x51: {  	_ =	shalt  }
0x52: {  	_ =	shalt  }
0x53: {  	_ =	shalt  }
0x54: {  	_ =	shalt  }
0x55: {  	_ =	shalt  }
0x56: {  	_ =	shalt  }
0x57: {  	_ =	shalt  }
0x58: {  	_ =	shalt  }
0x59: {  	_ =	shalt  }
0x5a: {  	_ =	shalt  }
0x5b: {  	_ =	shalt  }
0x5c: {  	_ =	shalt  }
0x5d: {  	_ =	shalt  }
0x5e: {  	_ =	shalt  }
0x5f: {  	_ =	shalt  }
0x60: {  	_ =	shalt  }
0x61: {  	_ =	shalt  }
0x62: {  	_ =	shalt  }
0x63: {  	_ =	shalt  }
0x64: {  	_ =	shalt  }
0x65: {  	_ =	shalt  }
0x66: {  	_ =	shalt  }
0x67: {  	_ =	shalt  }
0x68: {  	_ =	shalt  }
0x69: {  	_ =	shalt  }
0x6a: {  	_ =	shalt  }
0x6b: {  	_ =	shalt  }
0x6c: {  	_ =	shalt  }
0x6d: {  	_ =	shalt  }
0x6e: {  	_ =	shalt  }
0x6f: {  	_ =	shalt  }
0x70: {  	_ =	shalt  }
0x71: {  	_ =	shalt  }
0x72: {  	_ =	shalt  }
0x73: {  	_ =	shalt  }
0x74: {  	_ =	shalt  }
0x75: {  	_ =	shalt  }
0x76: {  	_ =	shalt  }
0x77: {  	_ =	shalt  }
0x78: {  	_ =	shalt  }
0x79: {  	_ =	shalt  }
0x7a: {  	_ =	shalt  }
0x7b: {  	_ =	shalt  }
0x7c: {  	_ =	shalt  }
0x7d: {  	_ =	shalt  }
0x7e: {  	_ =	shalt  }
0x7f: {  	_ =	shalt  }
0x80: {  	_ =	shalt  }
0x81: {  	_ =	shalt  }
0x82: {  	_ =	shalt  }
0x83: {  	_ =	shalt  }
0x84: {  	_ =	shalt  }
0x85: {  	_ =	shalt  }
0x86: {  	_ =	shalt  }
0x87: {  	_ =	shalt  }
.Lfunc_end0:
.L_simem_size_0:
called_computation_lowered:
.L_overlay_start_0:
0x88: {  	s2 =	sld [smem:$0x3FD9]  }
0x89: {  	s3 =	sld [smem:$0x3FFE];
	_ =	sdelay $0x1  }
0x8a: {  	s1 =	srdreg.scid  }
0x8b: {  	s0 =	sand.u32 $0x1, s1  }
0x8c: {  	s17 =	sshll.u32 s0, $0xA;
	s2 =	sadd.s32 s3, s2  }
0x8d: {  	s2 =	sadd.s32 s2, s17  }
0x8e: {  	[smem:$0x3FB6] =	sst s2  }
0x8f: {  	_ = 	snop  }
0x90: {  	s2 =	sld [smem:$0x3FD0];
	(tm) =	ssettm $0x1  }
0x91: {  	s18 =	sld [smem:$0x3FFB];
	_ =	sdelay $0x3  }
0x92: {  	_ =	strace s18  }
0x93: {  	s3 =	sld [smem:$0x3FFC];
	_ =	sdelay $0x3  }
0x94: {  	_ =	strace s3  }
0x95: {  	s3 =	sld [smem:$0x3FFD];
	_ =	sdelay $0x3  }
0x96: {  	_ =	strace s3  }
0x97: {  	_ =	strace $0x8FFFFFFF  }
0x98: {  	s19 =	sld [smem:$0x3FDB];
	_ =	sdelay $0x1  }
0x99: {  	s4 =	simm.s32 $_scs_section_size  }
0x9a: {  	s5 =	simm.s32 $_size__tile_overlayer_lowered;
	s6 =	simm.s32 $_tile_overlayer_lowered  }
0x9b: {  	s22 =	simm.s32 $0x1BFF;
	s21 =	sshll.u32 s6, $0x1;
	s3 =	sadd.s32 s4, s19  }
0x9c: {  	s7 =	simm.s32 $0x0;
	s20 =	sshll.u32 s5, $0x1;
	s5 =	sadd.s32 s21, s3  }
0x9d: {  	[timem:s7], [sflag:s22] =	dma.local [hbm:s5], s20  }
0x9e: {  	_ =	swait.ge [sflag:s22], s20  }
0x9f: {  	s4 =	ssub.s32 $0x0, s20;
	[sflag:s22] =	ssyncset.done $0x0  }
0xa0: {  	[sflag:s22] =	ssyncadd.s32 s4;
	_ =	sdelay $0x1  }
0xa1: {  	s23 =	simm.s32 $0x1B8B  }
0xa2: {  	_ =	swait.ge [sflag:s23], $0x1  }
0xa3: {  	[sflag:s23] =	ssyncset.done $0x0  }
0xa4: {  	s25 =	simm.s32 $0x1B8E;
	s24 =	sld [smem:$0x3FFE];
	[sflag:s23] =	ssyncadd.s32 $0xFFFFFFFF  }
0xa5: {  	s26 =	simm.s32 $execute0_lowered;
	[smem:$0x3FD2] =	sst s25  }
0xa6: {  	s5 =	sshll.u32 s26, $0x1;
	_ =	strace $0x80000046;
	[dreg:$0x1] =	wrdreg $0xFFFFFFFF  }
0xa7: {  	s28 =	simm.s32 $_size_execute0_lowered;
	s3 =	sadd.s32 s3, s5;
	[dreg:$0x0] =	wrdreg $0x0  }
0xa8: {  	s5 =	sshll.u32 s28, $0x1;
	[dreg:$0x2] =	wrdreg s3  }
0xa9: {  	[dreg:$0x3] =	wrdreg s5  }
0xaa: {  	[dreg:$0x4] =	wrdreg $0xC0  }
0xab: {  	_ =	task [dreg:s7], $0x5FFFF  }
0xac: {  	[dreg:$0x1] =	wrdreg $0xFFFFFFFF  }
0xad: {  	[dreg:$0x0] =	wrdreg $0x60  }
0xae: {  	[dreg:$0x2] =	wrdreg s24  }
0xaf: {  	[dreg:$0x3] =	wrdreg s2  }
0xb0: {  	[dreg:$0x4] =	wrdreg $0xA8000  }
0xb1: {  	[dreg:$0x5] =	wrdreg $0x9  }
0xb2: {  	_ =	task.clear_ibuf [dreg:s7], $0x6FFFF;
	_ =	strace $0x90000046  }
0xb3: {  	s29 =	simm.s32 $0x9;
	_ =	strace $0x80000048  }
0xb4: {  	_ =	swait.ge [sflag:s29], $0x1  }
0xb5: {  	[sflag:s29] =	ssyncadd.s32 $0xFFFFFFFF  }
0xb6: {  	_ =	strace $0x90000048  }
0xb7: {  	_ =	sfence  }
0xb8: {  	s30 =	sld [smem:$0x0];
	_ =	sdelay $0x2  }
0xb9: {  	s31 =	sshll.u32 s1, $0xD;
	s1 =	sshrl.u32 s1, $0x2  }
0xba: {  	s3 =	sand.u32 $0x4000, s31;
	s1 =	sadd.s32 s1, s30  }
0xbb: {  	s0 =	sor.u32 s3, s0;
	s1 =	sshll.u32 s1, $0x11  }
0xbc: {  	s0 =	sor.u32 s1, s0  }
0xbd: {  	s0 =	sadd.s32 $0x8F2B, s0  }
0xbe: {  	[sflag:s0] =	ssyncadd.remote.s32 $0x1  }
0xbf: {  	_ =	sfence.sel $0xFFFF  }
0xc0: {  	[dreg:$0x0] =	wrdreg $0xFFFFFFFF;
	(pc) =	sbr.abs _section_cstart, $3  }
0xc1: {  	[dreg:$0x1] =	wrdreg $0xFFFFFFFF  }
0xc2: {  	_ =	task.clear_ibuf [dreg:s7], $0x2FFFF;
	_ =	strace $0x9FFFFFFF  }
0xc3: {  	(tm) =	ssettm $0x7FFFFFFF  }
tec
execute0_lowered:
.L_overlay_start_1:
0x0: {  	(tag) =	ssettag $0x1  }
0x1: {  	s5 =	rddreg [dreg:$0x0]  }
0x2: {  	s12 =	rddreg [dreg:$0x1]  }
0x3: {  	s2 =	rddreg [dreg:$0x2]  }
0x4: {  	s0 =	rddreg [dreg:$0x3]  }
0x5: {  	s4 =	srdreg.scid;
	s1 =	stileid.u32;
	s3 =	simm.s32 $0x0  }
0x6: {  	s18 =	simm.s32 $0x1400;
	s19 =	simm.s32 $0x80;
	s20 =	simm.s32 $0x6800  }
0x7: {  	s21 =	simm.s32 $0x1;
	s22 =	simm.s32 $0x2;
	s23 =	simm.s32 $0x1480  }
0x8: {  	s24 =	simm.s32 $0x3;
	s25 =	simm.s32 $0x4;
	s6 =	sand.u32 $0x1, s4  }
0x9: {  	s7 =	smul.u32 $0x2800, s1;
	[smem:$0x7FF] =	sst s3;
	s4 =	sadd.s32 $0xD000, s5  }
0xa: {  	s13 =	sadd.s32 $0x3000, s5;
	s26 =	smul.u32 $0x50000, s1;
	s29 =	sshll.u32 s1, $0x1  }
0xb: {  	s8 =	smul.u32 $0x28000, s6;
	s28 =	ssub.s32 $0x2, s6;
	s10 =	sor.u32 s6, s29  }
0xc: {  	_ =	strace $0x80000047;
	s9 =	sshrl.u32 s28, $0x1;
	s11 =	smul.u32 $0x2800, s10  }
0xd: {  	s30 =	sshrl.u32 s26, $0x2;
	s16 =	smul.u32 $0x500, s10;
	s7 =	sadd.s32 s7, s8  }
0xe: {  	s26 =	simm.s32 $0x0;
	s15 =	ssub.s32 s28, s9;
	s14 =	sadd.s32 s7, s5  }
0xf: {  	s5 =	sadd.s32 s30, s2;
	s17 =	sshrl.u32 s11, $0x3;
	s10 =	sadd.s32 s12, s16  }
0x10: {  	s11 =	sadd.s32 s13, s16;
	s15 =	smax.u32 s15, $0x1;
	s16 =	simm.s32 $0x2800  }
0x11: {  	s6 =	sadd.s32 $0x4000, s5;
	s7 =	sadd.s32 $0x8000, s5;
	s8 =	sadd.s32 $0xC000, s5  }
0x12: {  	s9 =	sadd.s32 $0x10000, s5;
	s31 =	sadd.s32 $0x280, s17;
	s14 =	sadd.s32 $0x34200, s14  }
0x13: {  	v0 =	vimm.f32 $0.0e+00;
	s17 =	simm.s32 $0x5;
	s12 =	sadd.s32 s12, s31;
	s13 =	sadd.s32 s13, s31  }
.LBB2_1:
0x14: {  	s28 =	simm.s32 $0x0;
	s29 =	simm.s32 $0x200  }
.LBB2_2:
0x15: {  	p0 =	sne.s32 s29, $0xFE00;
	[tilespmem:s28+$0x2870] =	vst v0  }
0x16: {  	[tilespmem:s28+$0x2800] =	vst v0  }
0x17: {  	[tilespmem:s28+$0x2810] =	vst v0  }
.Ltmp0:
0x18: {  	[tilespmem:s28+$0x2820] =	vst v0;
	(pc) =	sbr.rel @p0 .LBB2_2-.Ltmp0, $4  }
0x19: {  	[tilespmem:s28+$0x2830] =	vst v0  }
0x1a: {  	[tilespmem:s28+$0x2840] =	vst v0  }
0x1b: {  	[tilespmem:s28+$0x2850] =	vst v0  }
0x1c: {  	[tilespmem:s28+$0x2860] =	vst v0;
	s28 =	sshra.s32 s29, $0x2;
	s29 =	sadd.s32 $0x200, s29  }
0x1d: {  	[tilespmem:s28+$0x2870] =	vst v0  }
0x1e: {  	[tilespmem:s28+$0x2800] =	vst v0  }
0x1f: {  	[tilespmem:s28+$0x2810] =	vst v0  }
0x20: {  	[tilespmem:s28+$0x2820] =	vst v0  }
0x21: {  	[tilespmem:s28+$0x2830] =	vst v0  }
0x22: {  	[tilespmem:s28+$0x2840] =	vst v0  }
0x23: {  	[tilespmem:s28+$0x2850] =	vst v0  }
0x24: {  	[tilespmem:s28+$0x2860] =	vst v0  }
0x25: {  	[spmem:s5] =	stream.linear.scatter [tilespmem:s16], [sflag:$0x5], $0x4000, $0x38;
	[tilespmem:$0x1E800] =	vst v63  }
0x26: {  	_ =	swait.ge [sflag:s17], $0x4000  }
0x27: {  	[sflag:s17] =	ssyncset.done $0x0  }
0x28: {  	[sflag:s17] =	ssyncadd.s32 $0xFFFFC000  }
0x29: {  	[spmem:s6] =	stream.linear.scatter [tilespmem:s16], [sflag:$0x5], $0x4000, $0x38;
	[tilespmem:$0x1E800] =	vst v63  }
0x2a: {  	_ =	swait.ge [sflag:s17], $0x4000  }
0x2b: {  	[sflag:s17] =	ssyncset.done $0x0  }
0x2c: {  	[sflag:s17] =	ssyncadd.s32 $0xFFFFC000  }
0x2d: {  	[spmem:s7] =	stream.linear.scatter [tilespmem:s16], [sflag:$0x5], $0x4000, $0x38;
	[tilespmem:$0x1E800] =	vst v63  }
0x2e: {  	_ =	swait.ge [sflag:s17], $0x4000  }
0x2f: {  	[sflag:s17] =	ssyncset.done $0x0  }
0x30: {  	[sflag:s17] =	ssyncadd.s32 $0xFFFFC000  }
0x31: {  	[spmem:s8] =	stream.linear.scatter [tilespmem:s16], [sflag:$0x5], $0x4000, $0x38;
	[tilespmem:$0x1E800] =	vst v63  }
0x32: {  	_ =	swait.ge [sflag:s17], $0x4000  }
0x33: {  	[sflag:s17] =	ssyncset.done $0x0  }
0x34: {  	[sflag:s17] =	ssyncadd.s32 $0xFFFFC000  }
0x35: {  	[spmem:s9] =	stream.linear.scatter [tilespmem:s16], [sflag:$0x5], $0x4000, $0x38;
	[tilespmem:$0x1E800] =	vst v63  }
0x36: {  	_ =	swait.ge [sflag:s17], $0x4000  }
0x37: {  	[sflag:s17] =	ssyncset.done $0x0  }
0x38: {  	[sflag:s17] =	ssyncadd.s32 $0xFFFFC000  }
0x39: {  	[bflag:$0x0] =	sbarrier.arrive $0xFFFF  }
0x3a: {  	[tilespmem:s3], [sflag:$0x5] =	stream.linear.gather [hbm4b:s10+s3], $0x1400, $0x38;
	[tilespmem:$0x1E800] =	vst v63  }
0x3b: {  	_ =	swait.ge [sflag:s17], $0x1400  }
0x3c: {  	[sflag:s17] =	ssyncset.done $0x0  }
0x3d: {  	[sflag:s17] =	ssyncadd.s32 $0xFFFFEC00  }
0x3e: {  	[tilespmem:s18], [sflag:$0x5] =	stream.linear.gather [hbm4b:s11+s3], $0x1400, $0x38;
	[tilespmem:$0x1E800] =	vst v63  }
0x3f: {  	_ =	swait.ge [sflag:s17], $0x1400  }
0x40: {  	[sflag:s17] =	ssyncset.done $0x0  }
0x41: {  	[sflag:s17] =	ssyncadd.s32 $0xFFFFEC00  }
0x42: {  	[tilespmem:s16], [sflag:$0x1] =	stream.indirect.gather [hbm4b:s4+s19], $0x80, s3, s19, $0xb8;
	[tilespmem:$0x1E800] =	vst v63  }
0x43: {  	_ = 	snop  }
0x44: {  	[tilespmem:s20], [sflag:$0x2] =	stream.indirect.gather [hbm4b:s4+s19], $0x80, s19, s19, $0xb8;
	[tilespmem:$0x1E800] =	vst v63  }
0x45: {  	_ =	swait.ge [sflag:s21], $0x4000  }
0x46: {  	[sflag:s21] =	ssyncset.done $0x0  }
0x47: {  	[sflag:s21] =	ssyncadd.s32 $0xFFFFC000  }
0x48: {  	[spmem:s2] =	stream.indirect.scatter.add.f32 [tilespmem:s16], [sflag:$0x3], $0x80, s18, s19, $0xb8;
	[tilespmem:$0x1E800] =	vst v63  }
0x49: {  	_ =	swait.ge [sflag:s22], $0x4000  }
0x4a: {  	[sflag:s22] =	ssyncset.done $0x0  }
0x4b: {  	[sflag:s22] =	ssyncadd.s32 $0xFFFFC000  }
0x4c: {  	[spmem:s2] =	stream.indirect.scatter.add.f32 [tilespmem:s20], [sflag:$0x4], $0x80, s23, s19, $0xb8;
	[tilespmem:$0x1E800] =	vst v63  }
0x4d: {  	_ =	swait.ge [sflag:s24], $0x4000  }
0x4e: {  	[sflag:s24] =	ssyncset.done $0x0  }
0x4f: {  	[sflag:s24] =	ssyncadd.s32 $0xFFFFC000  }
0x50: {  	_ =	swait.ge [sflag:s25], $0x4000  }
0x51: {  	[sflag:s25] =	ssyncset.done $0x0  }
0x52: {  	s28 =	simm.s32 $0x100;
	[sflag:s25] =	ssyncadd.s32 $0xFFFFC000  }
0x53: {  	[tilespmem:s16], [sflag:$0x1] =	stream.indirect.gather [hbm4b:s4+s19], $0x80, s28, s19, $0xb8;
	[tilespmem:$0x1E800] =	vst v63  }
0x54: {  	s28 =	simm.s32 $0x180  }
0x55: {  	[tilespmem:s20], [sflag:$0x2] =	stream.indirect.gather [hbm4b:s4+s19], $0x80, s28, s19, $0xb8;
	[tilespmem:$0x1E800] =	vst v63  }
0x56: {  	_ =	swait.ge [sflag:s21], $0x4000  }
0x57: {  	[sflag:s21] =	ssyncset.done $0x0  }
0x58: {  	s28 =	simm.s32 $0x1500;
	[sflag:s21] =	ssyncadd.s32 $0xFFFFC000  }
0x59: {  	[spmem:s2] =	stream.indirect.scatter.add.f32 [tilespmem:s16], [sflag:$0x3], $0x80, s28, s19, $0xb8;
	[tilespmem:$0x1E800] =	vst v63  }
0x5a: {  	_ =	swait.ge [sflag:s22], $0x4000  }
0x5b: {  	[sflag:s22] =	ssyncset.done $0x0  }
0x5c: {  	s29 =	simm.s32 $0x1580;
	s28 =	simm.s32 $0xFFFFB800;
	[sflag:s22] =	ssyncadd.s32 $0xFFFFC000  }
.LBB2_4:
0x5d: {  	[spmem:s2] =	stream.indirect.scatter.add.f32 [tilespmem:s20], [sflag:$0x4], $0x80, s29, s19, $0xb8;
	[tilespmem:$0x1E800] =	vst v63  }
0x5e: {  	s29 =	smov.u32 s28  }
0x5f: {  	p0 =	sne.s32 s28, $0xFFFFFC00;
	s28 =	sadd.s32 $0x400, s28;
	_ =	swait.ge [sflag:s24], $0x4000  }
0x60: {  	[sflag:s24] =	ssyncset.done $0x0  }
0x61: {  	[sflag:s24] =	ssyncadd.s32 $0xFFFFC000  }
0x62: {  	_ =	swait.ge [sflag:s25], $0x4000  }
0x63: {  	s29 =	sshra.s32 s29, $0x2;
	[sflag:s25] =	ssyncset.done $0x0  }
0x64: {  	s30 =	sadd.s32 $0x1400, s29;
	[sflag:s25] =	ssyncadd.s32 $0xFFFFC000  }
0x65: {  	[tilespmem:s16], [sflag:$0x1] =	stream.indirect.gather [hbm4b:s4+s19], $0x80, s30, s19, $0xb8;
	[tilespmem:$0x1E800] =	vst v63  }
0x66: {  	s30 =	sadd.s32 $0x1480, s29  }
0x67: {  	[tilespmem:s20], [sflag:$0x2] =	stream.indirect.gather [hbm4b:s4+s19], $0x80, s30, s19, $0xb8;
	[tilespmem:$0x1E800] =	vst v63  }
0x68: {  	_ =	swait.ge [sflag:s21], $0x4000  }
0x69: {  	[sflag:s21] =	ssyncset.done $0x0  }
.Ltmp1:
0x6a: {  	s30 =	sadd.s32 $0x2800, s29;
	[sflag:s21] =	ssyncadd.s32 $0xFFFFC000;
	(pc) =	sbr.rel @p0 .LBB2_4-.Ltmp1, $4  }
0x6b: {  	[spmem:s2] =	stream.indirect.scatter.add.f32 [tilespmem:s16], [sflag:$0x3], $0x80, s30, s19, $0xb8;
	[tilespmem:$0x1E800] =	vst v63  }
0x6c: {  	_ =	swait.ge [sflag:s22], $0x4000  }
0x6d: {  	[sflag:s22] =	ssyncset.done $0x0  }
0x6e: {  	s29 =	sadd.s32 $0x2880, s29;
	[sflag:s22] =	ssyncadd.s32 $0xFFFFC000  }
0x6f: {  	[spmem:s2] =	stream.indirect.scatter.add.f32 [tilespmem:s20], [sflag:$0x4], $0x80, s29, s19, $0xb8;
	[tilespmem:$0x1E800] =	vst v63  }
0x70: {  	_ =	swait.ge [sflag:s24], $0x4000  }
0x71: {  	[sflag:s24] =	ssyncset.done $0x0  }
0x72: {  	[sflag:s24] =	ssyncadd.s32 $0xFFFFC000  }
0x73: {  	_ =	swait.ge [sflag:s25], $0x4000  }
0x74: {  	[sflag:s25] =	ssyncset.done $0x0  }
0x75: {  	[sflag:s25] =	ssyncadd.s32 $0xFFFFC000  }
0x76: {  	[tilespmem:s3], [sflag:$0x5] =	stream.linear.gather [hbm4b:s12+s3], $0x1400, $0x38;
	[tilespmem:$0x1E800] =	vst v63  }
0x77: {  	_ =	swait.ge [sflag:s17], $0x1400  }
0x78: {  	[sflag:s17] =	ssyncset.done $0x0  }
0x79: {  	[sflag:s17] =	ssyncadd.s32 $0xFFFFEC00  }
0x7a: {  	[tilespmem:s18], [sflag:$0x5] =	stream.linear.gather [hbm4b:s13+s3], $0x1400, $0x38;
	[tilespmem:$0x1E800] =	vst v63  }
0x7b: {  	_ =	swait.ge [sflag:s17], $0x1400  }
0x7c: {  	[sflag:s17] =	ssyncset.done $0x0  }
0x7d: {  	[sflag:s17] =	ssyncadd.s32 $0xFFFFEC00  }
0x7e: {  	[tilespmem:s16], [sflag:$0x1] =	stream.indirect.gather [hbm4b:s4+s19], $0x80, s3, s19, $0xb8;
	[tilespmem:$0x1E800] =	vst v63  }
0x7f: {  	_ = 	snop  }
0x80: {  	[tilespmem:s20], [sflag:$0x2] =	stream.indirect.gather [hbm4b:s4+s19], $0x80, s19, s19, $0xb8;
	[tilespmem:$0x1E800] =	vst v63  }
0x81: {  	_ =	swait.ge [sflag:s21], $0x4000  }
0x82: {  	[sflag:s21] =	ssyncset.done $0x0  }
0x83: {  	[sflag:s21] =	ssyncadd.s32 $0xFFFFC000  }
0x84: {  	[spmem:s2] =	stream.indirect.scatter.add.f32 [tilespmem:s16], [sflag:$0x3], $0x80, s18, s19, $0xb8;
	[tilespmem:$0x1E800] =	vst v63  }
0x85: {  	_ =	swait.ge [sflag:s22], $0x4000  }
0x86: {  	[sflag:s22] =	ssyncset.done $0x0  }
0x87: {  	[sflag:s22] =	ssyncadd.s32 $0xFFFFC000  }
0x88: {  	[spmem:s2] =	stream.indirect.scatter.add.f32 [tilespmem:s20], [sflag:$0x4], $0x80, s23, s19, $0xb8;
	[tilespmem:$0x1E800] =	vst v63  }
0x89: {  	_ =	swait.ge [sflag:s24], $0x4000  }
0x8a: {  	[sflag:s24] =	ssyncset.done $0x0  }
0x8b: {  	[sflag:s24] =	ssyncadd.s32 $0xFFFFC000  }
0x8c: {  	_ =	swait.ge [sflag:s25], $0x4000  }
0x8d: {  	[sflag:s25] =	ssyncset.done $0x0  }
0x8e: {  	s28 =	simm.s32 $0x100;
	[sflag:s25] =	ssyncadd.s32 $0xFFFFC000  }
0x8f: {  	[tilespmem:s16], [sflag:$0x1] =	stream.indirect.gather [hbm4b:s4+s19], $0x80, s28, s19, $0xb8;
	[tilespmem:$0x1E800] =	vst v63  }
0x90: {  	s28 =	simm.s32 $0x180  }
0x91: {  	[tilespmem:s20], [sflag:$0x2] =	stream.indirect.gather [hbm4b:s4+s19], $0x80, s28, s19, $0xb8;
	[tilespmem:$0x1E800] =	vst v63  }
0x92: {  	_ =	swait.ge [sflag:s21], $0x4000  }
0x93: {  	[sflag:s21] =	ssyncset.done $0x0  }
0x94: {  	s28 =	simm.s32 $0x1500;
	[sflag:s21] =	ssyncadd.s32 $0xFFFFC000  }
0x95: {  	[spmem:s2] =	stream.indirect.scatter.add.f32 [tilespmem:s16], [sflag:$0x3], $0x80, s28, s19, $0xb8;
	[tilespmem:$0x1E800] =	vst v63  }
0x96: {  	_ =	swait.ge [sflag:s22], $0x4000  }
0x97: {  	[sflag:s22] =	ssyncset.done $0x0  }
0x98: {  	s29 =	simm.s32 $0x1580;
	s28 =	simm.s32 $0xFFFFB800;
	[sflag:s22] =	ssyncadd.s32 $0xFFFFC000  }
.LBB2_6:
0x99: {  	[spmem:s2] =	stream.indirect.scatter.add.f32 [tilespmem:s20], [sflag:$0x4], $0x80, s29, s19, $0xb8;
	[tilespmem:$0x1E800] =	vst v63  }
0x9a: {  	s29 =	smov.u32 s28  }
0x9b: {  	p0 =	sne.s32 s28, $0xFFFFFC00;
	s28 =	sadd.s32 $0x400, s28;
	_ =	swait.ge [sflag:s24], $0x4000  }
0x9c: {  	[sflag:s24] =	ssyncset.done $0x0  }
0x9d: {  	[sflag:s24] =	ssyncadd.s32 $0xFFFFC000  }
0x9e: {  	_ =	swait.ge [sflag:s25], $0x4000  }
0x9f: {  	s29 =	sshra.s32 s29, $0x2;
	[sflag:s25] =	ssyncset.done $0x0  }
0xa0: {  	s30 =	sadd.s32 $0x1400, s29;
	[sflag:s25] =	ssyncadd.s32 $0xFFFFC000  }
0xa1: {  	[tilespmem:s16], [sflag:$0x1] =	stream.indirect.gather [hbm4b:s4+s19], $0x80, s30, s19, $0xb8;
	[tilespmem:$0x1E800] =	vst v63  }
0xa2: {  	s30 =	sadd.s32 $0x1480, s29  }
0xa3: {  	[tilespmem:s20], [sflag:$0x2] =	stream.indirect.gather [hbm4b:s4+s19], $0x80, s30, s19, $0xb8;
	[tilespmem:$0x1E800] =	vst v63  }
0xa4: {  	_ =	swait.ge [sflag:s21], $0x4000  }
0xa5: {  	[sflag:s21] =	ssyncset.done $0x0  }
.Ltmp2:
0xa6: {  	s30 =	sadd.s32 $0x2800, s29;
	[sflag:s21] =	ssyncadd.s32 $0xFFFFC000;
	(pc) =	sbr.rel @p0 .LBB2_6-.Ltmp2, $4  }
0xa7: {  	[spmem:s2] =	stream.indirect.scatter.add.f32 [tilespmem:s16], [sflag:$0x3], $0x80, s30, s19, $0xb8;
	[tilespmem:$0x1E800] =	vst v63  }
0xa8: {  	_ =	swait.ge [sflag:s22], $0x4000  }
0xa9: {  	[sflag:s22] =	ssyncset.done $0x0  }
0xaa: {  	s29 =	sadd.s32 $0x2880, s29;
	[sflag:s22] =	ssyncadd.s32 $0xFFFFC000  }
0xab: {  	[spmem:s2] =	stream.indirect.scatter.add.f32 [tilespmem:s20], [sflag:$0x4], $0x80, s29, s19, $0xb8;
	[tilespmem:$0x1E800] =	vst v63  }
0xac: {  	_ =	swait.ge [sflag:s24], $0x4000  }
0xad: {  	[sflag:s24] =	ssyncset.done $0x0  }
0xae: {  	[sflag:s24] =	ssyncadd.s32 $0xFFFFC000  }
0xaf: {  	_ =	swait.ge [sflag:s25], $0x4000  }
0xb0: {  	s28 =	sshll.u32 s1, $0x6;
	s26 =	sadd.s32 $0x1, s26;
	[sflag:s25] =	ssyncset.done $0x0  }
0xb1: {  	s31 =	sshrl.u32 s5, $0x3;
	p0 =	sne.s32 s26, s15;
	[sflag:s25] =	ssyncadd.s32 $0xFFFFC000  }
.Ltmp3:
0xb2: {  	s28 =	sor.u32 $0x1C05, s28;
	[bflag:$0x0] =	sbarrier.arrive $0xFFFF;
	(pc) =	sbr.rel @p0 .LBB2_1-.Ltmp3, $4  }
0xb3: {  	[hbm:s14], [sflag:s28] =	dma.local [spmem:s31], $0x2800  }
0xb4: {  	_ =	swait.ge [sflag:s17], $0x2800  }
0xb5: {  	[sflag:s17] =	ssyncset.done $0x0  }
0xb6: {  	[sflag:s17] =	ssyncadd.s32 $0xFFFFD800  }
0xb7: {  	_ =	sfence.sel $0x180000  }
0xb8: {  	[bflag:$0x0] =	sbarrier.arrive $0xFFFF  }
0xb9: {  	p0 =	sne.s32 s1, $0x0;
	_ =	strace $0x90000047  }
0xba: {  	s0 =	sadd.s32 @!p0 $0x100000, s0;
	[bflag:$0x2] =	sbarrier.arrive $0xFFFF  }
0xbb: {  	[sflag:s0] =	ssyncadd.tile.s32 @!p0 $0x1;
	_ =	shalt  }
.Lfunc_end2:
_tile_overlayer_lowered:
.L_overlay_start_2:
0xbc: {  	(tag) =	ssettag $0x2  }
0xbd: {  	s0 =	rddreg [dreg:$0x0];
	s2 =	stileid.u32  }
0xbe: {  	s1 =	rddreg [dreg:$0x1];
	p0 =	sne.s32 s2, $0x0  }
0xbf: {  	s3 =	rddreg [dreg:$0x2];
	[bflag:$0x3] =	sbarrier.arrive $0xFFFF;
	s2 =	simm.s32 @!p0 $0x1C05  }
0xc0: {  	[timem:s3], [sflag:s2] =	dma.local @!p0 [hbm:s0], s1  }
0xc1: {  	s0 =	simm.s32 @!p0 $0x5  }
0xc2: {  	_ =	swait.ge @!p0 [sflag:s0], s1  }
0xc3: {  	s1 =	ssub.s32 @!p0 $0x0, s1;
	[sflag:s0] =	ssyncset.done @!p0 $0x0  }
0xc4: {  	[sflag:s0] =	ssyncadd.s32 @!p0 s1  }
0xc5: {  	[bflag:$0x3] =	sbarrier.arrive $0xFFFF  }
0xc6: {  	_ =	shalt  }

</sc_bundles>
